<compile_context>
chip_gen: v7x
topology: tpu7x:2x2x1
jax: 0.10.2.dev20260603
libtpu: 0.0.44.dev20260713+nightly
codegen_flags: <defaults>
</compile_context>

<pallas_src>
import dataclasses
import functools

import jax
import jax.numpy as jnp
from jax import lax
from jax.experimental import pallas as pl
from jax.experimental.pallas import tpu as pltpu
from jax.experimental.pallas import tpu_sc as plsc

N = 10000
E = 320000
D = 128
F1 = 72
FP = 80
F2 = 36
A = 16

NC = 2
NS = 16
L = 16
NW = NC * NS
CHUNK = 80
NP = 10240
ROWS_PER_TILE = NP // NS
EPT = E // NW
STEPS = EPT // CHUNK


def _hpad_body(x_ref, w_ref, b_ref, att_ref, o_ref, attp_ref):
    xw = (
        jnp.dot(x_ref[...], w_ref[...], preferred_element_type=jnp.float32)
        + b_ref[...].reshape(1, F1)
    )
    lane = lax.broadcasted_iota(jnp.int32, (N, FP - F1), 1)
    extra = jnp.where(lane == 0, 1.0, 0.0).astype(jnp.float32)
    o_ref[...] = jnp.concatenate([xw, extra], axis=1)
    attp_ref[...] = jnp.concatenate(
        [att_ref[...].reshape(1, F1), jnp.zeros((1, FP - F1), jnp.float32)],
        axis=1,
    )


def _hpad(x, w, b, att):
    return pl.pallas_call(
        _hpad_body,
        out_shape=[
            jax.ShapeDtypeStruct((N, FP), jnp.float32),
            jax.ShapeDtypeStruct((1, FP), jnp.float32),
        ],
    )(x, w, b, att)


def _sc_compiler_params():
    cp = pltpu.CompilerParams()
    fields = pltpu.CompilerParams.__dataclass_fields__
    if "needs_layout_passes" in fields:
        cp = dataclasses.replace(cp, needs_layout_passes=False)
    if "use_tc_tiling_on_sc" in fields:
        cp = dataclasses.replace(cp, use_tc_tiling_on_sc=False)
    return cp


def _edge(hpad, edge_index, attp):
    mesh = plsc.VectorSubcoreMesh(core_axis_name="c", subcore_axis_name="s")

    @functools.partial(
        pl.kernel,
        out_type=jax.ShapeDtypeStruct((NC, NP, FP), jnp.float32),
        mesh=mesh,
        compiler_params=_sc_compiler_params(),
        scratch_types=[
            pltpu.VMEM((EPT,), jnp.int32),
            pltpu.VMEM((EPT,), jnp.int32),
            pltpu.VMEM((CHUNK, FP), jnp.float32),
            pltpu.VMEM((CHUNK, FP), jnp.float32),
            pltpu.VMEM((CHUNK, FP), jnp.float32),
            pltpu.VMEM((CHUNK, FP), jnp.float32),
            pltpu.VMEM((CHUNK, FP), jnp.float32),
            pltpu.VMEM((CHUNK, FP), jnp.float32),
            pltpu.VMEM((CHUNK,), jnp.int32),
            pltpu.VMEM((CHUNK,), jnp.int32),
            pltpu.VMEM((FP,), jnp.float32),
            pltpu.VMEM_SHARED((NP, FP), jnp.float32),
            pltpu.SemaphoreType.DMA,
            pltpu.SemaphoreType.DMA,
            pltpu.SemaphoreType.DMA,
            pltpu.SemaphoreType.DMA,
            pltpu.SemaphoreType.DMA,
        ],
    )
    def k(h_hbm, ei_hbm, att_hbm, out_hbm,
          si_all, di_all, sr0, sr1, dr0, dr1, wb0, wb1, ds0, ds1, attv, acc,
          sem_i, sg0, sg1, ss0, ss1):
        cid = lax.axis_index("c")
        sid = lax.axis_index("s")
        wid = sid * NC + cid
        slots = ((sr0, dr0, wb0, ds0, sg0, ss0), (sr1, dr1, wb1, ds1, sg1, ss1))

        ebase = wid * EPT
        ci = pltpu.async_copy(ei_hbm.at[0, pl.ds(ebase, EPT)], si_all, sem_i)
        cj = pltpu.async_copy(ei_hbm.at[1, pl.ds(ebase, EPT)], di_all, sem_i)
        pltpu.sync_copy(att_hbm.at[0], attv)

        for wb in (wb0, wb1):
            @pl.loop(0, CHUNK)
            def _(r):
                @pl.loop(0, FP, step=L)
                def _(c0):
                    wb[r, pl.ds(c0, L)] = jnp.zeros((L,), jnp.float32)

        base = sid * ROWS_PER_TILE

        @pl.loop(0, ROWS_PER_TILE // CHUNK)
        def _(k8):
            pltpu.sync_copy(wb0, acc.at[pl.ds(base + k8 * CHUNK, CHUNK)])

        ci.wait()
        cj.wait()
        plsc.subcore_barrier()

        att_c = [attv[pl.ds(c * L, L)] for c in range(FP // L)]

        def fetch(i, slot):
            sr, dr, wb, dsc, sg, ss = slot
            off = i * CHUNK
            pltpu.async_copy(h_hbm.at[si_all.at[pl.ds(off, CHUNK)]], sr, sg)
            pltpu.async_copy(h_hbm.at[di_all.at[pl.ds(off, CHUNK)]], dr, sg)

        def process(i, slot, wait_sc):
            sr, dr, wb, dsc, sg, ss = slot
            off = i * CHUNK
            if wait_sc is True:
                pltpu.make_async_copy(wb, acc.at[dsc], ss).wait()
            elif wait_sc is not False:
                @pl.when(wait_sc)
                def _():
                    pltpu.make_async_copy(wb, acc.at[dsc], ss).wait()
            pltpu.make_async_copy(h_hbm.at[si_all.at[pl.ds(off, CHUNK)]], sr, sg).wait()
            pltpu.make_async_copy(h_hbm.at[di_all.at[pl.ds(off, CHUNK)]], dr, sg).wait()

            @pl.loop(0, CHUNK, step=L)
            def _(q):
                dsc[pl.ds(q, L)] = di_all[pl.ds(off + q, L)]

            @plsc.parallel_loop(0, CHUNK, unroll=4)
            def _(j):
                ev = jnp.zeros((L,), jnp.float32)
                sv = []
                for c in range(FP // L):
                    s_c = sr[j, pl.ds(c * L, L)]
                    d_c = dr[j, pl.ds(c * L, L)]
                    v = s_c + d_c
                    ev = ev + att_c[c] * jnp.maximum(v, 0.2 * v)
                    sv.append(s_c)
                t = jnp.exp(lax.broadcast_in_dim(jnp.sum(ev), (L,), ()))
                for c in range(FP // L):
                    wb[j, pl.ds(c * L, L)] = t * sv[c]

            pltpu.async_copy(wb, acc.at[dsc], ss, add=True)

        fetch(0, slots[0])
        fetch(1, slots[1])

        @pl.loop(0, STEPS // 2)
        def _(p):
            process(2 * p, slots[0], p > 0)
            fetch(2 * p + 2, slots[0])
            process(2 * p + 1, slots[1], p > 0)

            @pl.when(p < STEPS // 2 - 1)
            def _():
                fetch(2 * p + 3, slots[1])

        process(STEPS - 1, slots[0], True)
        pltpu.make_async_copy(wb0, acc.at[ds0], ss0).wait()
        pltpu.make_async_copy(wb1, acc.at[ds1], ss1).wait()

        plsc.subcore_barrier()

        @pl.loop(0, ROWS_PER_TILE // CHUNK)
        def _(k8):
            pltpu.sync_copy(
                acc.at[pl.ds(base + k8 * CHUNK, CHUNK)],
                out_hbm.at[cid, pl.ds(base + k8 * CHUNK, CHUNK)],
            )

    return k(hpad, edge_index, attp)


def _mlp_body(acc_ref, gb_ref, g1_ref, b1_ref, w1_ref, g2_ref, b2_ref,
              w2_ref, g3_ref, b3_ref, w3_ref, o_ref):
    a = acc_ref[0, :N] + acc_ref[1, :N]
    denom = a[:, F1:F1 + 1]
    h = a[:, :F1] / (denom + 1e-16) + gb_ref[...].reshape(1, F1)

    def bn(x, g, b):
        m = jnp.mean(x, axis=0, keepdims=True)
        v = jnp.mean((x - m) ** 2, axis=0, keepdims=True)
        f = x.shape[1]
        return (x - m) / jnp.sqrt(v + 1e-5) * g.reshape(1, f) + b.reshape(1, f)

    h = jnp.maximum(
        jnp.dot(bn(h, g1_ref[...], b1_ref[...]), w1_ref[...],
                preferred_element_type=jnp.float32), 0.0)
    h = jnp.maximum(
        jnp.dot(bn(h, g2_ref[...], b2_ref[...]), w2_ref[...],
                preferred_element_type=jnp.float32), 0.0)
    h = jnp.maximum(
        jnp.dot(bn(h, g3_ref[...], b3_ref[...]), w3_ref[...],
                preferred_element_type=jnp.float32), 0.0)
    o_ref[...] = 1.0 / (1.0 + jnp.exp(-h))


def _mlp(acc, gb, g1, b1, w1, g2, b2, w2, g3, b3, w3):
    return pl.pallas_call(
        _mlp_body,
        out_shape=jax.ShapeDtypeStruct((N, A), jnp.float32),
    )(acc, gb, g1, b1, w1, g2, b2, w2, g3, b3, w3)


def kernel(x, edge_index, agent_mask, W, b_lin, att, gat_bias,
           g1, b1, W1, g2, b2, W2, g3, b3, W3):
    hpad, attp = _hpad(x, W, b_lin, att)
    acc = _edge(hpad, edge_index, attp)
    return _mlp(acc, gat_bias, g1, b1, W1, g2, b2, W2, g3, b3, W3)

# --- scband reference (transcript-rebuilt; emitter-appended) ---
"""Pipeline reference for scband-actor-network-84628035601149 (READ-ONLY COPY).

The authoritative reference and input builder live on the scoring server;
editing this copy changes nothing except your own understanding.
"""

import jax, jax.numpy as jnp
import numpy as np

N = 10000
E = 320000
D = 128
F1 = 72  # floor((128+16)/2)
F2 = 36  # floor(72/2)
A = 16


def _uniform(k, shape, lim):
    return jax.random.uniform(k, shape, dtype=jnp.float32, minval=-lim, maxval=lim)


def setup_inputs(seed: int = 0) -> dict:
    key = jax.random.key(seed)
    ks = jax.random.split(key, 10)
    return {
        "x": jax.random.normal(ks[0], (N, D), dtype=jnp.float32),
        "edge_index": jax.random.randint(ks[1], (2, E), 0, N, dtype=jnp.int32),
        "agent_mask": jnp.zeros((N,), dtype=bool),
        "W": _uniform(ks[2], (D, F1), 1.0 / np.sqrt(D)),
        "b_lin": jnp.zeros((F1,), jnp.float32),
        "att": _uniform(ks[3], (F1,), 1.0 / np.sqrt(F1)),
        "gat_bias": jnp.zeros((F1,), jnp.float32),
        "g1": jnp.ones((F1,), jnp.float32),
        "b1": jnp.zeros((F1,), jnp.float32),
        "W1": _uniform(ks[4], (F1, F1), 1.0 / np.sqrt(F1)),
        "g2": jnp.ones((F1,), jnp.float32),
        "b2": jnp.zeros((F1,), jnp.float32),
        "W2": _uniform(ks[5], (F1, F2), 1.0 / np.sqrt(F1)),
        "g3": jnp.ones((F2,), jnp.float32),
        "b3": jnp.zeros((F2,), jnp.float32),
        "W3": _uniform(ks[6], (F2, A), 1.0 / np.sqrt(F2)),
    }


def _bn(x, g, b):
    m = jnp.mean(x, axis=0)
    v = jnp.var(x, axis=0)
    return (x - m) / jnp.sqrt(v + 1e-5) * g + b


def _gatv2(x, edge_index, W, b_lin, att, gat_bias):
    # GATv2Conv, heads=1, share_weights=True: lin_l == lin_r
    h = x @ W + b_lin  # [N, F1]
    src = edge_index[0]
    dst = edge_index[1]
    e = jax.nn.leaky_relu(h[src] + h[dst], negative_slope=0.2) @ att  # [E]
    e_max = jax.ops.segment_max(e, dst, num_segments=N)
    e_exp = jnp.exp(e - e_max[dst])
    denom = jax.ops.segment_sum(e_exp, dst, num_segments=N)
    alpha = e_exp / (denom[dst] + 1e-16)
    out = jax.ops.segment_sum(alpha[:, None] * h[src], dst, num_segments=N)
    return out + gat_bias


def reference(x, edge_index, agent_mask, W, b_lin, att, gat_bias, g1, b1, W1, g2, b2, W2, g3, b3, W3):
    h = _gatv2(x, edge_index, W, b_lin, att, gat_bias)
    h = jax.nn.relu(_bn(h, g1, b1) @ W1)
    h = jax.nn.relu(_bn(h, g2, b2) @ W2)
    h = jax.nn.relu(_bn(h, g3, b3) @ W3)
    return jax.nn.sigmoid(h)

if __name__ == "__main__":
    import jax
    _d = setup_inputs()
    print(jax.jit(kernel)(*tuple(_d.values())))

</pallas_src>

<mosaic_0001>
#map = affine_map<(d0, d1) -> (0, 0)>
#map1 = affine_map<(d0, d1) -> (0, 0, 0)>
module attributes {stable_mosaic.version = 14 : i64} {
  func.func @k(%arg0: i32, %arg1: i32, %arg2: memref<10000x80xf32, #tpu.memory_space<hbm>>, %arg3: memref<2x320000xi32, #tpu.memory_space<hbm>>, %arg4: memref<1x80xf32, #tpu.memory_space<hbm>>, %arg5: memref<2x10240x80xf32, #tpu.memory_space<hbm>>, %arg6: memref<10000xi32, #tpu.memory_space<vmem>>, %arg7: memref<10000xi32, #tpu.memory_space<vmem>>, %arg8: memref<80x80xf32, #tpu.memory_space<vmem>>, %arg9: memref<80x80xf32, #tpu.memory_space<vmem>>, %arg10: memref<80x80xf32, #tpu.memory_space<vmem>>, %arg11: memref<80x80xf32, #tpu.memory_space<vmem>>, %arg12: memref<80x80xf32, #tpu.memory_space<vmem>>, %arg13: memref<80x80xf32, #tpu.memory_space<vmem>>, %arg14: memref<80xi32, #tpu.memory_space<vmem>>, %arg15: memref<80xi32, #tpu.memory_space<vmem>>, %arg16: memref<80xf32, #tpu.memory_space<vmem>>, %arg17: memref<10240x80xf32, #tpu.memory_space<vmem_shared>>, %arg18: memref<!tpu.dma_semaphore, #tpu.memory_space<semaphore_mem>>, %arg19: memref<!tpu.dma_semaphore, #tpu.memory_space<semaphore_mem>>, %arg20: memref<!tpu.dma_semaphore, #tpu.memory_space<semaphore_mem>>, %arg21: memref<!tpu.dma_semaphore, #tpu.memory_space<semaphore_mem>>, %arg22: memref<!tpu.dma_semaphore, #tpu.memory_space<semaphore_mem>>) attributes {dimension_semantics = [#tpu.dimension_semantics<core_parallel>, #tpu.dimension_semantics<subcore_parallel>], iteration_bounds = array<i64: 2, 16>, scalar_prefetch = 0 : i64, scratch_operands = 17 : i64, tpu.core_type = #tpu.core_type<sc_vector_subcore>, window_params = [{transform_indices = #map}, {transform_indices = #map}, {transform_indices = #map}, {transform_indices = #map1}]} {
    %mul3A = arith.constant 2 : i32
    %mul3A_0 = arith.muli %arg1, %mul3A : i32
    %add3A = arith.addi %mul3A_0, %arg0 : i32
    %mul3A_1 = arith.constant 10000 : i32
    %mul3A_2 = arith.muli %add3A, %mul3A_1 : i32
    %dma_start3A = arith.constant 0 : i32
    %dma_start3A_3 = tpu.memref_slice %arg3[%dma_start3A, %mul3A_2] : memref<2x320000xi32, #tpu.memory_space<hbm>> -> memref<1x10000xi32, #tpu.memory_space<hbm>>
    %dma_start3A_4 = tpu.memref_squeeze %dma_start3A_3 : memref<1x10000xi32, #tpu.memory_space<hbm>> -> memref<10000xi32, #tpu.memory_space<hbm>>
    %dma_start3A_5 = tpu.memref_slice %arg3[%dma_start3A, %mul3A_2] : memref<2x320000xi32, #tpu.memory_space<hbm>> -> memref<1x10000xi32, #tpu.memory_space<hbm>>
    %dma_start3A_6 = tpu.memref_squeeze %dma_start3A_5 : memref<1x10000xi32, #tpu.memory_space<hbm>> -> memref<10000xi32, #tpu.memory_space<hbm>>
    tpu.enqueue_dma source(%dma_start3A_6 : memref<10000xi32, #tpu.memory_space<hbm>>) target(%arg6 : memref<10000xi32, #tpu.memory_space<vmem>>) target_semaphore(%arg18 : memref<!tpu.dma_semaphore, #tpu.memory_space<semaphore_mem>>)
    %dma_start3A_7 = arith.constant 1 : i32
    %dma_start3A_8 = tpu.memref_slice %arg3[%dma_start3A_7, %mul3A_2] : memref<2x320000xi32, #tpu.memory_space<hbm>> -> memref<1x10000xi32, #tpu.memory_space<hbm>>
    %dma_start3A_9 = tpu.memref_squeeze %dma_start3A_8 : memref<1x10000xi32, #tpu.memory_space<hbm>> -> memref<10000xi32, #tpu.memory_space<hbm>>
    %dma_start3A_10 = tpu.memref_slice %arg3[%dma_start3A_7, %mul3A_2] : memref<2x320000xi32, #tpu.memory_space<hbm>> -> memref<1x10000xi32, #tpu.memory_space<hbm>>
    %dma_start3A_11 = tpu.memref_squeeze %dma_start3A_10 : memref<1x10000xi32, #tpu.memory_space<hbm>> -> memref<10000xi32, #tpu.memory_space<hbm>>
    tpu.enqueue_dma source(%dma_start3A_11 : memref<10000xi32, #tpu.memory_space<hbm>>) target(%arg7 : memref<10000xi32, #tpu.memory_space<vmem>>) target_semaphore(%arg18 : memref<!tpu.dma_semaphore, #tpu.memory_space<semaphore_mem>>)
    %run_scoped3A = arith.constant 0 : i32
    "tpu.region"() ({
      %run_scoped3A_106 = tpu.sem_alloc : memref<!tpu.dma_semaphore, #tpu.memory_space<semaphore_mem>>
      %dma_start3A_107 = arith.constant 0 : i32
      %dma_start3A_108 = tpu.memref_slice %arg4[%run_scoped3A, %dma_start3A_107] : memref<1x80xf32, #tpu.memory_space<hbm>> -> memref<1x80xf32, #tpu.memory_space<hbm>>
      %dma_start3A_109 = tpu.memref_squeeze %dma_start3A_108 : memref<1x80xf32, #tpu.memory_space<hbm>> -> memref<80xf32, #tpu.memory_space<hbm>>
      %dma_start3A_110 = arith.constant 0 : i32
      %dma_start3A_111 = tpu.memref_slice %arg4[%run_scoped3A, %dma_start3A_110] : memref<1x80xf32, #tpu.memory_space<hbm>> -> memref<1x80xf32, #tpu.memory_space<hbm>>
      %dma_start3A_112 = tpu.memref_squeeze %dma_start3A_111 : memref<1x80xf32, #tpu.memory_space<hbm>> -> memref<80xf32, #tpu.memory_space<hbm>>
      tpu.enqueue_dma source(%dma_start3A_112 : memref<80xf32, #tpu.memory_space<hbm>>) target(%arg16 : memref<80xf32, #tpu.memory_space<vmem>>) target_semaphore(%run_scoped3A_106 : memref<!tpu.dma_semaphore, #tpu.memory_space<semaphore_mem>>)
      %dma_wait3A_113 = arith.constant 0 : i32
      %dma_wait3A_114 = tpu.memref_slice %arg4[%run_scoped3A, %dma_wait3A_113] : memref<1x80xf32, #tpu.memory_space<hbm>> -> memref<1x80xf32, #tpu.memory_space<hbm>>
      %dma_wait3A_115 = tpu.memref_squeeze %dma_wait3A_114 : memref<1x80xf32, #tpu.memory_space<hbm>> -> memref<80xf32, #tpu.memory_space<hbm>>
      %dma_wait3A_116 = arith.constant 0 : i32
      %dma_wait3A_117 = tpu.memref_slice %arg4[%run_scoped3A, %dma_wait3A_116] : memref<1x80xf32, #tpu.memory_space<hbm>> -> memref<1x80xf32, #tpu.memory_space<hbm>>
      %dma_wait3A_118 = tpu.memref_squeeze %dma_wait3A_117 : memref<1x80xf32, #tpu.memory_space<hbm>> -> memref<80xf32, #tpu.memory_space<hbm>>
      tpu.wait_dma2 semaphore(%run_scoped3A_106 : memref<!tpu.dma_semaphore, #tpu.memory_space<semaphore_mem>>) src(%dma_wait3A_118 : memref<80xf32, #tpu.memory_space<hbm>>) dst(%arg16 : memref<80xf32, #tpu.memory_space<vmem>>)
      tpu.yield
    }) : () -> ()
    %scan3A = arith.constant 0 : i32
    %scan3A_12 = arith.constant 80 : i32
    %scan3A_13 = arith.addi %scan3A, %scan3A_12 : i32
    %scan3A_14 = arith.constant 1 : i32
    scf.for %scan3A_106 = %scan3A to %scan3A_13 step %scan3A_14  : i32 {
      %mul3A_107 = arith.constant 1 : i32
      %mul3A_108 = arith.muli %scan3A_106, %mul3A_107 : i32
      %add3A_109 = arith.constant 0 : i32
      %add3A_110 = arith.addi %add3A_109, %mul3A_108 : i32
      %scan3A_111 = arith.constant 0 : i32
      %scan3A_112 = arith.constant 5 : i32
      %scan3A_113 = arith.addi %scan3A_111, %scan3A_112 : i32
      %scan3A_114 = arith.constant 1 : i32
      scf.for %scan3A_116 = %scan3A_111 to %scan3A_113 step %scan3A_114  : i32 {
        %mul3A_117 = arith.constant 16 : i32
        %mul3A_118 = arith.muli %scan3A_116, %mul3A_117 : i32
        %add3A_119 = arith.constant 0 : i32
        %add3A_120 = arith.addi %add3A_119, %mul3A_118 : i32
        %broadcast_in_dim3A = arith.constant 0.000000e+00 : f32
        %broadcast_in_dim3A_121 = vector.broadcast %broadcast_in_dim3A : f32 to vector<16xf32>
        %swap3A = arith.index_cast %add3A_110 : i32 to index
        %swap3A_122 = arith.index_cast %add3A_120 : i32 to index
        %swap3A_123 = tpu.vector_load %arg12[%swap3A, %swap3A_122] {strides = array<i32>} : memref<80x80xf32, #tpu.memory_space<vmem>>, vector<16xf32>,
        tpu.vector_store %arg12[%swap3A, %swap3A_122], %broadcast_in_dim3A_121 {strides = array<i32>} : memref<80x80xf32, #tpu.memory_space<vmem>>, vector<16xf32>,
      }
      %scan3A_115 = arith.constant 5 : i32
    }
    %scan3A_15 = arith.constant 80 : i32
    %scan3A_16 = arith.constant 0 : i32
    %scan3A_17 = arith.constant 80 : i32
    %scan3A_18 = arith.addi %scan3A_16, %scan3A_17 : i32
    %scan3A_19 = arith.constant 1 : i32
    scf.for %scan3A_106 = %scan3A_16 to %scan3A_18 step %scan3A_19  : i32 {
      %mul3A_107 = arith.constant 1 : i32
      %mul3A_108 = arith.muli %scan3A_106, %mul3A_107 : i32
      %add3A_109 = arith.constant 0 : i32
      %add3A_110 = arith.addi %add3A_109, %mul3A_108 : i32
      %scan3A_111 = arith.constant 0 : i32
      %scan3A_112 = arith.constant 5 : i32
      %scan3A_113 = arith.addi %scan3A_111, %scan3A_112 : i32
      %scan3A_114 = arith.constant 1 : i32
      scf.for %scan3A_116 = %scan3A_111 to %scan3A_113 step %scan3A_114  : i32 {
        %mul3A_117 = arith.constant 16 : i32
        %mul3A_118 = arith.muli %scan3A_116, %mul3A_117 : i32
        %add3A_119 = arith.constant 0 : i32
        %add3A_120 = arith.addi %add3A_119, %mul3A_118 : i32
        %broadcast_in_dim3A = arith.constant 0.000000e+00 : f32
        %broadcast_in_dim3A_121 = vector.broadcast %broadcast_in_dim3A : f32 to vector<16xf32>
        %swap3A = arith.index_cast %add3A_110 : i32 to index
        %swap3A_122 = arith.index_cast %add3A_120 : i32 to index
        %swap3A_123 = tpu.vector_load %arg13[%swap3A, %swap3A_122] {strides = array<i32>} : memref<80x80xf32, #tpu.memory_space<vmem>>, vector<16xf32>,
        tpu.vector_store %arg13[%swap3A, %swap3A_122], %broadcast_in_dim3A_121 {strides = array<i32>} : memref<80x80xf32, #tpu.memory_space<vmem>>, vector<16xf32>,
      }
      %scan3A_115 = arith.constant 5 : i32
    }
    %scan3A_20 = arith.constant 80 : i32
    %mul3A_21 = arith.constant 640 : i32
    %mul3A_22 = arith.muli %arg1, %mul3A_21 : i32
    %scan3A_23 = arith.constant 0 : i32
    %scan3A_24 = arith.constant 8 : i32
    %scan3A_25 = arith.addi %scan3A_23, %scan3A_24 : i32
    %scan3A_26 = arith.constant 1 : i32
    scf.for %scan3A_106 = %scan3A_23 to %scan3A_25 step %scan3A_26  : i32 {
      %mul3A_107 = arith.constant 1 : i32
      %mul3A_108 = arith.muli %scan3A_106, %mul3A_107 : i32
      %add3A_109 = arith.constant 0 : i32
      %add3A_110 = arith.addi %add3A_109, %mul3A_108 : i32
      %mul3A_111 = arith.constant 80 : i32
      %mul3A_112 = arith.muli %add3A_110, %mul3A_111 : i32
      %add3A_113 = arith.addi %mul3A_22, %mul3A_112 : i32
      "tpu.region"() ({
        %run_scoped3A_114 = tpu.sem_alloc : memref<!tpu.dma_semaphore, #tpu.memory_space<semaphore_mem>>
        %dma_start3A_115 = arith.constant 0 : i32
        %dma_start3A_116 = tpu.memref_slice %arg17[%add3A_113, %dma_start3A_115] : memref<10240x80xf32, #tpu.memory_space<vmem_shared>> -> memref<80x80xf32, #tpu.memory_space<vmem_shared>>
        %dma_start3A_117 = arith.constant 0 : i32
        %dma_start3A_118 = tpu.memref_slice %arg17[%add3A_113, %dma_start3A_117] : memref<10240x80xf32, #tpu.memory_space<vmem_shared>> -> memref<80x80xf32, #tpu.memory_space<vmem_shared>>
        tpu.enqueue_dma source(%arg12 : memref<80x80xf32, #tpu.memory_space<vmem>>) target(%dma_start3A_118 : memref<80x80xf32, #tpu.memory_space<vmem_shared>>) target_semaphore(%run_scoped3A_114 : memref<!tpu.dma_semaphore, #tpu.memory_space<semaphore_mem>>)
        %dma_wait3A_119 = arith.constant 0 : i32
        %dma_wait3A_120 = tpu.memref_slice %arg17[%add3A_113, %dma_wait3A_119] : memref<10240x80xf32, #tpu.memory_space<vmem_shared>> -> memref<80x80xf32, #tpu.memory_space<vmem_shared>>
        %dma_wait3A_121 = arith.constant 0 : i32
        %dma_wait3A_122 = tpu.memref_slice %arg17[%add3A_113, %dma_wait3A_121] : memref<10240x80xf32, #tpu.memory_space<vmem_shared>> -> memref<80x80xf32, #tpu.memory_space<vmem_shared>>
        tpu.wait_dma2 semaphore(%run_scoped3A_114 : memref<!tpu.dma_semaphore, #tpu.memory_space<semaphore_mem>>) src(%arg12 : memref<80x80xf32, #tpu.memory_space<vmem>>) dst(%dma_wait3A_122 : memref<80x80xf32, #tpu.memory_space<vmem_shared>>)
        tpu.yield
      }) : () -> ()
    }
    %scan3A_27 = arith.constant 8 : i32
    %dma_wait3A = arith.constant 0 : i32
    %dma_wait3A_28 = tpu.memref_slice %arg3[%dma_wait3A, %mul3A_2] : memref<2x320000xi32, #tpu.memory_space<hbm>> -> memref<1x10000xi32, #tpu.memory_space<hbm>>
    %dma_wait3A_29 = tpu.memref_squeeze %dma_wait3A_28 : memref<1x10000xi32, #tpu.memory_space<hbm>> -> memref<10000xi32, #tpu.memory_space<hbm>>
    %dma_wait3A_30 = tpu.memref_slice %arg3[%dma_wait3A, %mul3A_2] : memref<2x320000xi32, #tpu.memory_space<hbm>> -> memref<1x10000xi32, #tpu.memory_space<hbm>>
    %dma_wait3A_31 = tpu.memref_squeeze %dma_wait3A_30 : memref<1x10000xi32, #tpu.memory_space<hbm>> -> memref<10000xi32, #tpu.memory_space<hbm>>
    tpu.wait_dma2 semaphore(%arg18 : memref<!tpu.dma_semaphore, #tpu.memory_space<semaphore_mem>>) src(%dma_wait3A_31 : memref<10000xi32, #tpu.memory_space<hbm>>) dst(%arg6 : memref<10000xi32, #tpu.memory_space<vmem>>)
    %dma_wait3A_32 = arith.constant 1 : i32
    %dma_wait3A_33 = tpu.memref_slice %arg3[%dma_wait3A_32, %mul3A_2] : memref<2x320000xi32, #tpu.memory_space<hbm>> -> memref<1x10000xi32, #tpu.memory_space<hbm>>
    %dma_wait3A_34 = tpu.memref_squeeze %dma_wait3A_33 : memref<1x10000xi32, #tpu.memory_space<hbm>> -> memref<10000xi32, #tpu.memory_space<hbm>>
    %dma_wait3A_35 = tpu.memref_slice %arg3[%dma_wait3A_32, %mul3A_2] : memref<2x320000xi32, #tpu.memory_space<hbm>> -> memref<1x10000xi32, #tpu.memory_space<hbm>>
    %dma_wait3A_36 = tpu.memref_squeeze %dma_wait3A_35 : memref<1x10000xi32, #tpu.memory_space<hbm>> -> memref<10000xi32, #tpu.memory_space<hbm>>
    tpu.wait_dma2 semaphore(%arg18 : memref<!tpu.dma_semaphore, #tpu.memory_space<semaphore_mem>>) src(%dma_wait3A_36 : memref<10000xi32, #tpu.memory_space<hbm>>) dst(%arg7 : memref<10000xi32, #tpu.memory_space<vmem>>)
    %barrier3A = arith.constant 0 : index
    tpu.barrier barrier_id(%barrier3A)
    %get3A = arith.constant 0 : index
    %get3A_37 = tpu.vector_load %arg16[%get3A] {strides = array<i32>} : memref<80xf32, #tpu.memory_space<vmem>>, vector<16xf32>,
    %get3A_38 = arith.constant 16 : index
    %get3A_39 = tpu.vector_load %arg16[%get3A_38] {strides = array<i32>} : memref<80xf32, #tpu.memory_space<vmem>>, vector<16xf32>,
    %get3A_40 = arith.constant 32 : index
    %get3A_41 = tpu.vector_load %arg16[%get3A_40] {strides = array<i32>} : memref<80xf32, #tpu.memory_space<vmem>>, vector<16xf32>,
    %get3A_42 = arith.constant 48 : index
    %get3A_43 = tpu.vector_load %arg16[%get3A_42] {strides = array<i32>} : memref<80xf32, #tpu.memory_space<vmem>>, vector<16xf32>,
    %get3A_44 = arith.constant 64 : index
    %get3A_45 = tpu.vector_load %arg16[%get3A_44] {strides = array<i32>} : memref<80xf32, #tpu.memory_space<vmem>>, vector<16xf32>,
    %dma_start3A_46 = arith.constant 0 : i32
    %dma_start3A_47 = tpu.memref_slice %arg6[%dma_start3A_46] : memref<10000xi32, #tpu.memory_space<vmem>> -> memref<80xi32, #tpu.memory_space<vmem>>
    %dma_start3A_48 = arith.constant 0 : i32
    %dma_start3A_49 = arith.constant 0 : i32
    %dma_start3A_50 = tpu.memref_slice %arg2[%dma_start3A_48, %dma_start3A_49] : memref<10000x80xf32, #tpu.memory_space<hbm>> -> memref<10000x80xf32, #tpu.memory_space<hbm>>
    tpu.enqueue_indirect_dma source(%dma_start3A_50 : memref<10000x80xf32, #tpu.memory_space<hbm>>) target(%arg8 : memref<80x80xf32, #tpu.memory_space<vmem>>) offsets(%dma_start3A_47 : memref<80xi32, #tpu.memory_space<vmem>>) semaphore(%arg19 : memref<!tpu.dma_semaphore, #tpu.memory_space<semaphore_mem>>)
    %dma_start3A_51 = arith.constant 0 : i32
    %dma_start3A_52 = tpu.memref_slice %arg7[%dma_start3A_51] : memref<10000xi32, #tpu.memory_space<vmem>> -> memref<80xi32, #tpu.memory_space<vmem>>
    %dma_start3A_53 = arith.constant 0 : i32
    %dma_start3A_54 = arith.constant 0 : i32
    %dma_start3A_55 = tpu.memref_slice %arg2[%dma_start3A_53, %dma_start3A_54] : memref<10000x80xf32, #tpu.memory_space<hbm>> -> memref<10000x80xf32, #tpu.memory_space<hbm>>
    tpu.enqueue_indirect_dma source(%dma_start3A_55 : memref<10000x80xf32, #tpu.memory_space<hbm>>) target(%arg10 : memref<80x80xf32, #tpu.memory_space<vmem>>) offsets(%dma_start3A_52 : memref<80xi32, #tpu.memory_space<vmem>>) semaphore(%arg19 : memref<!tpu.dma_semaphore, #tpu.memory_space<semaphore_mem>>)
    %dma_start3A_56 = arith.constant 80 : i32
    %dma_start3A_57 = tpu.memref_slice %arg6[%dma_start3A_56] : memref<10000xi32, #tpu.memory_space<vmem>> -> memref<80xi32, #tpu.memory_space<vmem>>
    %dma_start3A_58 = arith.constant 0 : i32
    %dma_start3A_59 = arith.constant 0 : i32
    %dma_start3A_60 = tpu.memref_slice %arg2[%dma_start3A_58, %dma_start3A_59] : memref<10000x80xf32, #tpu.memory_space<hbm>> -> memref<10000x80xf32, #tpu.memory_space<hbm>>
    tpu.enqueue_indirect_dma source(%dma_start3A_60 : memref<10000x80xf32, #tpu.memory_space<hbm>>) target(%arg9 : memref<80x80xf32, #tpu.memory_space<vmem>>) offsets(%dma_start3A_57 : memref<80xi32, #tpu.memory_space<vmem>>) semaphore(%arg20 : memref<!tpu.dma_semaphore, #tpu.memory_space<semaphore_mem>>)
    %dma_start3A_61 = arith.constant 80 : i32
    %dma_start3A_62 = tpu.memref_slice %arg7[%dma_start3A_61] : memref<10000xi32, #tpu.memory_space<vmem>> -> memref<80xi32, #tpu.memory_space<vmem>>
    %dma_start3A_63 = arith.constant 0 : i32
    %dma_start3A_64 = arith.constant 0 : i32
    %dma_start3A_65 = tpu.memref_slice %arg2[%dma_start3A_63, %dma_start3A_64] : memref<10000x80xf32, #tpu.memory_space<hbm>> -> memref<10000x80xf32, #tpu.memory_space<hbm>>
    tpu.enqueue_indirect_dma source(%dma_start3A_65 : memref<10000x80xf32, #tpu.memory_space<hbm>>) target(%arg11 : memref<80x80xf32, #tpu.memory_space<vmem>>) offsets(%dma_start3A_62 : memref<80xi32, #tpu.memory_space<vmem>>) semaphore(%arg20 : memref<!tpu.dma_semaphore, #tpu.memory_space<semaphore_mem>>)
    %scan3A_66 = arith.constant 0 : i32
    %scan3A_67 = arith.constant 62 : i32
    %scan3A_68 = arith.addi %scan3A_66, %scan3A_67 : i32
    %scan3A_69 = arith.constant 1 : i32
    scf.for %scan3A_106 = %scan3A_66 to %scan3A_68 step %scan3A_69  : i32 {
      %mul3A_107 = arith.constant 1 : i32
      %mul3A_108 = arith.muli %scan3A_106, %mul3A_107 : i32
      %add3A_109 = arith.constant 0 : i32
      %add3A_110 = arith.addi %add3A_109, %mul3A_108 : i32
      %mul3A_111 = arith.constant 2 : i32
      %mul3A_112 = arith.muli %mul3A_111, %add3A_110 : i32
      %gt3A = arith.constant 0 : i32
      %gt3A_113 = arith.cmpi sgt, %add3A_110, %gt3A : i32
      %mul3A_114 = arith.constant 80 : i32
      %mul3A_115 = arith.muli %mul3A_112, %mul3A_114 : i32
      %convert_element_type3A = arith.extui %gt3A_113 : i1 to i32
      %cond3A = arith.constant 0 : i32
      %cond3A_116 = arith.cmpi ne, %convert_element_type3A, %cond3A : i32
      scf.if %cond3A_116 {
        %dma_wait3A_184 = arith.constant 0 : i32
        %dma_wait3A_185 = arith.constant 0 : i32
        %dma_wait3A_186 = tpu.memref_slice %arg17[%dma_wait3A_184, %dma_wait3A_185] : memref<10240x80xf32, #tpu.memory_space<vmem_shared>> -> memref<10240x80xf32, #tpu.memory_space<vmem_shared>>
        tpu.wait_indirect_dma semaphore(%arg21 : memref<!tpu.dma_semaphore, #tpu.memory_space<semaphore_mem>>) src(%arg12 : memref<80x80xf32, #tpu.memory_space<vmem>>) dst(%dma_wait3A_186 : memref<10240x80xf32, #tpu.memory_space<vmem_shared>>)
      } else {
      }
      %dma_wait3A_117 = tpu.memref_slice %arg6[%mul3A_115] : memref<10000xi32, #tpu.memory_space<vmem>> -> memref<80xi32, #tpu.memory_space<vmem>>
      %dma_wait3A_118 = arith.constant 0 : i32
      %dma_wait3A_119 = arith.constant 0 : i32
      %dma_wait3A_120 = tpu.memref_slice %arg2[%dma_wait3A_118, %dma_wait3A_119] : memref<10000x80xf32, #tpu.memory_space<hbm>> -> memref<10000x80xf32, #tpu.memory_space<hbm>>
      tpu.wait_indirect_dma semaphore(%arg19 : memref<!tpu.dma_semaphore, #tpu.memory_space<semaphore_mem>>) src(%dma_wait3A_120 : memref<10000x80xf32, #tpu.memory_space<hbm>>) dst(%arg8 : memref<80x80xf32, #tpu.memory_space<vmem>>)
      %dma_wait3A_121 = tpu.memref_slice %arg7[%mul3A_115] : memref<10000xi32, #tpu.memory_space<vmem>> -> memref<80xi32, #tpu.memory_space<vmem>>
      %dma_wait3A_122 = arith.constant 0 : i32
      %dma_wait3A_123 = arith.constant 0 : i32
      %dma_wait3A_124 = tpu.memref_slice %arg2[%dma_wait3A_122, %dma_wait3A_123] : memref<10000x80xf32, #tpu.memory_space<hbm>> -> memref<10000x80xf32, #tpu.memory_space<hbm>>
      tpu.wait_indirect_dma semaphore(%arg19 : memref<!tpu.dma_semaphore, #tpu.memory_space<semaphore_mem>>) src(%dma_wait3A_124 : memref<10000x80xf32, #tpu.memory_space<hbm>>) dst(%arg10 : memref<80x80xf32, #tpu.memory_space<vmem>>)
      %scan3A_125 = arith.constant 0 : i32
      %scan3A_126 = arith.constant 5 : i32
      %scan3A_127 = arith.addi %scan3A_125, %scan3A_126 : i32
      %scan3A_128 = arith.constant 1 : i32
      scf.for %scan3A_184 = %scan3A_125 to %scan3A_127 step %scan3A_128  : i32 {
        %mul3A_185 = arith.constant 16 : i32
        %mul3A_186 = arith.muli %scan3A_184, %mul3A_185 : i32
        %add3A_187 = arith.constant 0 : i32
        %add3A_188 = arith.addi %add3A_187, %mul3A_186 : i32
        %add3A_189 = arith.addi %mul3A_115, %add3A_188 : i32
        %get3A_190 = arith.index_cast %add3A_189 : i32 to index
        %get3A_191 = tpu.vector_load %arg7[%get3A_190] {strides = array<i32>} : memref<10000xi32, #tpu.memory_space<vmem>>, vector<16xi32>,
        %swap3A = arith.index_cast %add3A_188 : i32 to index
        %swap3A_192 = tpu.vector_load %arg14[%swap3A] {strides = array<i32>} : memref<80xi32, #tpu.memory_space<vmem>>, vector<16xi32>,
        tpu.vector_store %arg14[%swap3A], %get3A_191 {strides = array<i32>} : memref<80xi32, #tpu.memory_space<vmem>>, vector<16xi32>,
      }
      %scan3A_129 = arith.constant 5 : i32
      %parallel_loop3A_130 = arith.constant 0 : i32
      %parallel_loop3A_131 = arith.constant 80 : i32
      %parallel_loop3A_132 = arith.constant 1 : i32
      scf.for %parallel_loop3A_184 = %parallel_loop3A_130 to %parallel_loop3A_131 step %parallel_loop3A_132  : i32 {
        %parallel_loop3A_185 = arith.constant 0.000000e+00 : f32
        %parallel_loop3A_186 = vector.broadcast %parallel_loop3A_185 : f32 to vector<16xf32>
        %parallel_loop3A_187 = arith.index_cast %parallel_loop3A_184 : i32 to index
        %parallel_loop3A_188 = arith.constant 0 : index
        %parallel_loop3A_189 = tpu.vector_load %arg8[%parallel_loop3A_187, %parallel_loop3A_188] {strides = array<i32>} : memref<80x80xf32, #tpu.memory_space<vmem>>, vector<16xf32>,
        %parallel_loop3A_190 = arith.index_cast %parallel_loop3A_184 : i32 to index
        %parallel_loop3A_191 = arith.constant 0 : index
        %parallel_loop3A_192 = tpu.vector_load %arg10[%parallel_loop3A_190, %parallel_loop3A_191] {strides = array<i32>} : memref<80x80xf32, #tpu.memory_space<vmem>>, vector<16xf32>,
        %parallel_loop3A_193 = arith.addf %parallel_loop3A_189, %parallel_loop3A_192 : vector<16xf32>
        %parallel_loop3A_194 = arith.constant 2.000000e-01 : f32
        %parallel_loop3A_195 = vector.broadcast %parallel_loop3A_194 : f32 to vector<16xf32>
        %parallel_loop3A_196 = arith.mulf %parallel_loop3A_195, %parallel_loop3A_193 : vector<16xf32>
        %parallel_loop3A_197 = arith.maximumf %parallel_loop3A_193, %parallel_loop3A_196 : vector<16xf32>
        %parallel_loop3A_198 = arith.mulf %get3A_37, %parallel_loop3A_197 : vector<16xf32>
        %parallel_loop3A_199 = arith.addf %parallel_loop3A_186, %parallel_loop3A_198 : vector<16xf32>
        %parallel_loop3A_200 = arith.index_cast %parallel_loop3A_184 : i32 to index
        %parallel_loop3A_201 = arith.constant 16 : index
        %parallel_loop3A_202 = tpu.vector_load %arg8[%parallel_loop3A_200, %parallel_loop3A_201] {strides = array<i32>} : memref<80x80xf32, #tpu.memory_space<vmem>>, vector<16xf32>,
        %parallel_loop3A_203 = arith.index_cast %parallel_loop3A_184 : i32 to index
        %parallel_loop3A_204 = arith.constant 16 : index
        %parallel_loop3A_205 = tpu.vector_load %arg10[%parallel_loop3A_203, %parallel_loop3A_204] {strides = array<i32>} : memref<80x80xf32, #tpu.memory_space<vmem>>, vector<16xf32>,
        %parallel_loop3A_206 = arith.addf %parallel_loop3A_202, %parallel_loop3A_205 : vector<16xf32>
        %parallel_loop3A_207 = arith.constant 2.000000e-01 : f32
        %parallel_loop3A_208 = vector.broadcast %parallel_loop3A_207 : f32 to vector<16xf32>
        %parallel_loop3A_209 = arith.mulf %parallel_loop3A_208, %parallel_loop3A_206 : vector<16xf32>
        %parallel_loop3A_210 = arith.maximumf %parallel_loop3A_206, %parallel_loop3A_209 : vector<16xf32>
        %parallel_loop3A_211 = arith.mulf %get3A_39, %parallel_loop3A_210 : vector<16xf32>
        %parallel_loop3A_212 = arith.addf %parallel_loop3A_199, %parallel_loop3A_211 : vector<16xf32>
        %parallel_loop3A_213 = arith.index_cast %parallel_loop3A_184 : i32 to index
        %parallel_loop3A_214 = arith.constant 32 : index
        %parallel_loop3A_215 = tpu.vector_load %arg8[%parallel_loop3A_213, %parallel_loop3A_214] {strides = array<i32>} : memref<80x80xf32, #tpu.memory_space<vmem>>, vector<16xf32>,
        %parallel_loop3A_216 = arith.index_cast %parallel_loop3A_184 : i32 to index
        %parallel_loop3A_217 = arith.constant 32 : index
        %parallel_loop3A_218 = tpu.vector_load %arg10[%parallel_loop3A_216, %parallel_loop3A_217] {strides = array<i32>} : memref<80x80xf32, #tpu.memory_space<vmem>>, vector<16xf32>,
        %parallel_loop3A_219 = arith.addf %parallel_loop3A_215, %parallel_loop3A_218 : vector<16xf32>
        %parallel_loop3A_220 = arith.constant 2.000000e-01 : f32
        %parallel_loop3A_221 = vector.broadcast %parallel_loop3A_220 : f32 to vector<16xf32>
        %parallel_loop3A_222 = arith.mulf %parallel_loop3A_221, %parallel_loop3A_219 : vector<16xf32>
        %parallel_loop3A_223 = arith.maximumf %parallel_loop3A_219, %parallel_loop3A_222 : vector<16xf32>
        %parallel_loop3A_224 = arith.mulf %get3A_41, %parallel_loop3A_223 : vector<16xf32>
        %parallel_loop3A_225 = arith.addf %parallel_loop3A_212, %parallel_loop3A_224 : vector<16xf32>
        %parallel_loop3A_226 = arith.index_cast %parallel_loop3A_184 : i32 to index
        %parallel_loop3A_227 = arith.constant 48 : index
        %parallel_loop3A_228 = tpu.vector_load %arg8[%parallel_loop3A_226, %parallel_loop3A_227] {strides = array<i32>} : memref<80x80xf32, #tpu.memory_space<vmem>>, vector<16xf32>,
        %parallel_loop3A_229 = arith.index_cast %parallel_loop3A_184 : i32 to index
        %parallel_loop3A_230 = arith.constant 48 : index
        %parallel_loop3A_231 = tpu.vector_load %arg10[%parallel_loop3A_229, %parallel_loop3A_230] {strides = array<i32>} : memref<80x80xf32, #tpu.memory_space<vmem>>, vector<16xf32>,
        %parallel_loop3A_232 = arith.addf %parallel_loop3A_228, %parallel_loop3A_231 : vector<16xf32>
        %parallel_loop3A_233 = arith.constant 2.000000e-01 : f32
        %parallel_loop3A_234 = vector.broadcast %parallel_loop3A_233 : f32 to vector<16xf32>
        %parallel_loop3A_235 = arith.mulf %parallel_loop3A_234, %parallel_loop3A_232 : vector<16xf32>
        %parallel_loop3A_236 = arith.maximumf %parallel_loop3A_232, %parallel_loop3A_235 : vector<16xf32>
        %parallel_loop3A_237 = arith.mulf %get3A_43, %parallel_loop3A_236 : vector<16xf32>
        %parallel_loop3A_238 = arith.addf %parallel_loop3A_225, %parallel_loop3A_237 : vector<16xf32>
        %parallel_loop3A_239 = arith.index_cast %parallel_loop3A_184 : i32 to index
        %parallel_loop3A_240 = arith.constant 64 : index
        %parallel_loop3A_241 = tpu.vector_load %arg8[%parallel_loop3A_239, %parallel_loop3A_240] {strides = array<i32>} : memref<80x80xf32, #tpu.memory_space<vmem>>, vector<16xf32>,
        %parallel_loop3A_242 = arith.index_cast %parallel_loop3A_184 : i32 to index
        %parallel_loop3A_243 = arith.constant 64 : index
        %parallel_loop3A_244 = tpu.vector_load %arg10[%parallel_loop3A_242, %parallel_loop3A_243] {strides = array<i32>} : memref<80x80xf32, #tpu.memory_space<vmem>>, vector<16xf32>,
        %parallel_loop3A_245 = arith.addf %parallel_loop3A_241, %parallel_loop3A_244 : vector<16xf32>
        %parallel_loop3A_246 = arith.constant 2.000000e-01 : f32
        %parallel_loop3A_247 = vector.broadcast %parallel_loop3A_246 : f32 to vector<16xf32>
        %parallel_loop3A_248 = arith.mulf %parallel_loop3A_247, %parallel_loop3A_245 : vector<16xf32>
        %parallel_loop3A_249 = arith.maximumf %parallel_loop3A_245, %parallel_loop3A_248 : vector<16xf32>
        %parallel_loop3A_250 = arith.mulf %get3A_45, %parallel_loop3A_249 : vector<16xf32>
        %parallel_loop3A_251 = arith.addf %parallel_loop3A_238, %parallel_loop3A_250 : vector<16xf32>
        %parallel_loop3A_252 = arith.constant true
        %parallel_loop3A_253 = vector.broadcast %parallel_loop3A_252 : i1 to vector<16xi1>
        %parallel_loop3A_254 = tpu.scan <sum>, %parallel_loop3A_251 masked %parallel_loop3A_253 : vector<16xf32>, vector<16xi1> -> vector<16xf32>
        %parallel_loop3A_255 = vector.extract %parallel_loop3A_254[15] : f32 from vector<16xf32>
        %parallel_loop3A_256 = vector.broadcast %parallel_loop3A_255 : f32 to vector<16xf32>
        %parallel_loop3A_257 = math.exp %parallel_loop3A_256 : vector<16xf32>
        %parallel_loop3A_258 = arith.mulf %parallel_loop3A_257, %parallel_loop3A_189 : vector<16xf32>
        %parallel_loop3A_259 = arith.index_cast %parallel_loop3A_184 : i32 to index
        %parallel_loop3A_260 = arith.constant 0 : index
        %parallel_loop3A_261 = tpu.vector_load %arg12[%parallel_loop3A_259, %parallel_loop3A_260] {strides = array<i32>} : memref<80x80xf32, #tpu.memory_space<vmem>>, vector<16xf32>,
        tpu.vector_store %arg12[%parallel_loop3A_259, %parallel_loop3A_260], %parallel_loop3A_258 {strides = array<i32>} : memref<80x80xf32, #tpu.memory_space<vmem>>, vector<16xf32>,
        %parallel_loop3A_262 = arith.mulf %parallel_loop3A_257, %parallel_loop3A_202 : vector<16xf32>
        %parallel_loop3A_263 = arith.index_cast %parallel_loop3A_184 : i32 to index
        %parallel_loop3A_264 = arith.constant 16 : index
        %parallel_loop3A_265 = tpu.vector_load %arg12[%parallel_loop3A_263, %parallel_loop3A_264] {strides = array<i32>} : memref<80x80xf32, #tpu.memory_space<vmem>>, vector<16xf32>,
        tpu.vector_store %arg12[%parallel_loop3A_263, %parallel_loop3A_264], %parallel_loop3A_262 {strides = array<i32>} : memref<80x80xf32, #tpu.memory_space<vmem>>, vector<16xf32>,
        %parallel_loop3A_266 = arith.mulf %parallel_loop3A_257, %parallel_loop3A_215 : vector<16xf32>
        %parallel_loop3A_267 = arith.index_cast %parallel_loop3A_184 : i32 to index
        %parallel_loop3A_268 = arith.constant 32 : index
        %parallel_loop3A_269 = tpu.vector_load %arg12[%parallel_loop3A_267, %parallel_loop3A_268] {strides = array<i32>} : memref<80x80xf32, #tpu.memory_space<vmem>>, vector<16xf32>,
        tpu.vector_store %arg12[%parallel_loop3A_267, %parallel_loop3A_268], %parallel_loop3A_266 {strides = array<i32>} : memref<80x80xf32, #tpu.memory_space<vmem>>, vector<16xf32>,
        %parallel_loop3A_270 = arith.mulf %parallel_loop3A_257, %parallel_loop3A_228 : vector<16xf32>
        %parallel_loop3A_271 = arith.index_cast %parallel_loop3A_184 : i32 to index
        %parallel_loop3A_272 = arith.constant 48 : index
        %parallel_loop3A_273 = tpu.vector_load %arg12[%parallel_loop3A_271, %parallel_loop3A_272] {strides = array<i32>} : memref<80x80xf32, #tpu.memory_space<vmem>>, vector<16xf32>,
        tpu.vector_store %arg12[%parallel_loop3A_271, %parallel_loop3A_272], %parallel_loop3A_270 {strides = array<i32>} : memref<80x80xf32, #tpu.memory_space<vmem>>, vector<16xf32>,
        %parallel_loop3A_274 = arith.mulf %parallel_loop3A_257, %parallel_loop3A_241 : vector<16xf32>
        %parallel_loop3A_275 = arith.index_cast %parallel_loop3A_184 : i32 to index
        %parallel_loop3A_276 = arith.constant 64 : index
        %parallel_loop3A_277 = tpu.vector_load %arg12[%parallel_loop3A_275, %parallel_loop3A_276] {strides = array<i32>} : memref<80x80xf32, #tpu.memory_space<vmem>>, vector<16xf32>,
        tpu.vector_store %arg12[%parallel_loop3A_275, %parallel_loop3A_276], %parallel_loop3A_274 {strides = array<i32>} : memref<80x80xf32, #tpu.memory_space<vmem>>, vector<16xf32>,
      } {sc.loop_unroll_factor = 4 : i64, sc.parallel_access}
      %dma_start3A_133 = arith.constant 0 : i32
      %dma_start3A_134 = arith.constant 0 : i32
      %dma_start3A_135 = tpu.memref_slice %arg17[%dma_start3A_133, %dma_start3A_134] : memref<10240x80xf32, #tpu.memory_space<vmem_shared>> -> memref<10240x80xf32, #tpu.memory_space<vmem_shared>>
      tpu.enqueue_indirect_dma source(%arg12 : memref<80x80xf32, #tpu.memory_space<vmem>>) target(%dma_start3A_135 : memref<10240x80xf32, #tpu.memory_space<vmem_shared>>) offsets(%arg14 : memref<80xi32, #tpu.memory_space<vmem>>) semaphore(%arg21 : memref<!tpu.dma_semaphore, #tpu.memory_space<semaphore_mem>>) {add = true}
      %mul3A_136 = arith.constant 2 : i32
      %mul3A_137 = arith.muli %mul3A_136, %add3A_110 : i32
      %add3A_138 = arith.constant 2 : i32
      %add3A_139 = arith.addi %mul3A_137, %add3A_138 : i32
      %mul3A_140 = arith.constant 80 : i32
      %mul3A_141 = arith.muli %add3A_139, %mul3A_140 : i32
      %dma_start3A_142 = tpu.memref_slice %arg6[%mul3A_141] : memref<10000xi32, #tpu.memory_space<vmem>> -> memref<80xi32, #tpu.memory_space<vmem>>
      %dma_start3A_143 = arith.constant 0 : i32
      %dma_start3A_144 = arith.constant 0 : i32
      %dma_start3A_145 = tpu.memref_slice %arg2[%dma_start3A_143, %dma_start3A_144] : memref<10000x80xf32, #tpu.memory_space<hbm>> -> memref<10000x80xf32, #tpu.memory_space<hbm>>
      tpu.enqueue_indirect_dma source(%dma_start3A_145 : memref<10000x80xf32, #tpu.memory_space<hbm>>) target(%arg8 : memref<80x80xf32, #tpu.memory_space<vmem>>) offsets(%dma_start3A_142 : memref<80xi32, #tpu.memory_space<vmem>>) semaphore(%arg19 : memref<!tpu.dma_semaphore, #tpu.memory_space<semaphore_mem>>)
      %dma_start3A_146 = tpu.memref_slice %arg7[%mul3A_141] : memref<10000xi32, #tpu.memory_space<vmem>> -> memref<80xi32, #tpu.memory_space<vmem>>
      %dma_start3A_147 = arith.constant 0 : i32
      %dma_start3A_148 = arith.constant 0 : i32
      %dma_start3A_149 = tpu.memref_slice %arg2[%dma_start3A_147, %dma_start3A_148] : memref<10000x80xf32, #tpu.memory_space<hbm>> -> memref<10000x80xf32, #tpu.memory_space<hbm>>
      tpu.enqueue_indirect_dma source(%dma_start3A_149 : memref<10000x80xf32, #tpu.memory_space<hbm>>) target(%arg10 : memref<80x80xf32, #tpu.memory_space<vmem>>) offsets(%dma_start3A_146 : memref<80xi32, #tpu.memory_space<vmem>>) semaphore(%arg19 : memref<!tpu.dma_semaphore, #tpu.memory_space<semaphore_mem>>)
      %mul3A_150 = arith.constant 2 : i32
      %mul3A_151 = arith.muli %mul3A_150, %add3A_110 : i32
      %add3A_152 = arith.constant 1 : i32
      %add3A_153 = arith.addi %mul3A_151, %add3A_152 : i32
      %gt3A_154 = arith.constant 0 : i32
      %gt3A_155 = arith.cmpi sgt, %add3A_110, %gt3A_154 : i32
      %mul3A_156 = arith.constant 80 : i32
      %mul3A_157 = arith.muli %add3A_153, %mul3A_156 : i32
      %convert_element_type3A_158 = arith.extui %gt3A_155 : i1 to i32
      %cond3A_159 = arith.constant 0 : i32
      %cond3A_160 = arith.cmpi ne, %convert_element_type3A_158, %cond3A_159 : i32
      scf.if %cond3A_160 {
        %dma_wait3A_184 = arith.constant 0 : i32
        %dma_wait3A_185 = arith.constant 0 : i32
        %dma_wait3A_186 = tpu.memref_slice %arg17[%dma_wait3A_184, %dma_wait3A_185] : memref<10240x80xf32, #tpu.memory_space<vmem_shared>> -> memref<10240x80xf32, #tpu.memory_space<vmem_shared>>
        tpu.wait_indirect_dma semaphore(%arg22 : memref<!tpu.dma_semaphore, #tpu.memory_space<semaphore_mem>>) src(%arg13 : memref<80x80xf32, #tpu.memory_space<vmem>>) dst(%dma_wait3A_186 : memref<10240x80xf32, #tpu.memory_space<vmem_shared>>)
      } else {
      }
      %dma_wait3A_161 = tpu.memref_slice %arg6[%mul3A_157] : memref<10000xi32, #tpu.memory_space<vmem>> -> memref<80xi32, #tpu.memory_space<vmem>>
      %dma_wait3A_162 = arith.constant 0 : i32
      %dma_wait3A_163 = arith.constant 0 : i32
      %dma_wait3A_164 = tpu.memref_slice %arg2[%dma_wait3A_162, %dma_wait3A_163] : memref<10000x80xf32, #tpu.memory_space<hbm>> -> memref<10000x80xf32, #tpu.memory_space<hbm>>
      tpu.wait_indirect_dma semaphore(%arg20 : memref<!tpu.dma_semaphore, #tpu.memory_space<semaphore_mem>>) src(%dma_wait3A_164 : memref<10000x80xf32, #tpu.memory_space<hbm>>) dst(%arg9 : memref<80x80xf32, #tpu.memory_space<vmem>>)
      %dma_wait3A_165 = tpu.memref_slice %arg7[%mul3A_157] : memref<10000xi32, #tpu.memory_space<vmem>> -> memref<80xi32, #tpu.memory_space<vmem>>
      %dma_wait3A_166 = arith.constant 0 : i32
      %dma_wait3A_167 = arith.constant 0 : i32
      %dma_wait3A_168 = tpu.memref_slice %arg2[%dma_wait3A_166, %dma_wait3A_167] : memref<10000x80xf32, #tpu.memory_space<hbm>> -> memref<10000x80xf32, #tpu.memory_space<hbm>>
      tpu.wait_indirect_dma semaphore(%arg20 : memref<!tpu.dma_semaphore, #tpu.memory_space<semaphore_mem>>) src(%dma_wait3A_168 : memref<10000x80xf32, #tpu.memory_space<hbm>>) dst(%arg11 : memref<80x80xf32, #tpu.memory_space<vmem>>)
      %scan3A_169 = arith.constant 0 : i32
      %scan3A_170 = arith.constant 5 : i32
      %scan3A_171 = arith.addi %scan3A_169, %scan3A_170 : i32
      %scan3A_172 = arith.constant 1 : i32
      scf.for %scan3A_184 = %scan3A_169 to %scan3A_171 step %scan3A_172  : i32 {
        %mul3A_185 = arith.constant 16 : i32
        %mul3A_186 = arith.muli %scan3A_184, %mul3A_185 : i32
        %add3A_187 = arith.constant 0 : i32
        %add3A_188 = arith.addi %add3A_187, %mul3A_186 : i32
        %add3A_189 = arith.addi %mul3A_157, %add3A_188 : i32
        %get3A_190 = arith.index_cast %add3A_189 : i32 to index
        %get3A_191 = tpu.vector_load %arg7[%get3A_190] {strides = array<i32>} : memref<10000xi32, #tpu.memory_space<vmem>>, vector<16xi32>,
        %swap3A = arith.index_cast %add3A_188 : i32 to index
        %swap3A_192 = tpu.vector_load %arg15[%swap3A] {strides = array<i32>} : memref<80xi32, #tpu.memory_space<vmem>>, vector<16xi32>,
        tpu.vector_store %arg15[%swap3A], %get3A_191 {strides = array<i32>} : memref<80xi32, #tpu.memory_space<vmem>>, vector<16xi32>,
      }
      %scan3A_173 = arith.constant 5 : i32
      %parallel_loop3A_174 = arith.constant 0 : i32
      %parallel_loop3A_175 = arith.constant 80 : i32
      %parallel_loop3A_176 = arith.constant 1 : i32
      scf.for %parallel_loop3A_184 = %parallel_loop3A_174 to %parallel_loop3A_175 step %parallel_loop3A_176  : i32 {
        %parallel_loop3A_185 = arith.constant 0.000000e+00 : f32
        %parallel_loop3A_186 = vector.broadcast %parallel_loop3A_185 : f32 to vector<16xf32>
        %parallel_loop3A_187 = arith.index_cast %parallel_loop3A_184 : i32 to index
        %parallel_loop3A_188 = arith.constant 0 : index
        %parallel_loop3A_189 = tpu.vector_load %arg9[%parallel_loop3A_187, %parallel_loop3A_188] {strides = array<i32>} : memref<80x80xf32, #tpu.memory_space<vmem>>, vector<16xf32>,
        %parallel_loop3A_190 = arith.index_cast %parallel_loop3A_184 : i32 to index
        %parallel_loop3A_191 = arith.constant 0 : index
        %parallel_loop3A_192 = tpu.vector_load %arg11[%parallel_loop3A_190, %parallel_loop3A_191] {strides = array<i32>} : memref<80x80xf32, #tpu.memory_space<vmem>>, vector<16xf32>,
        %parallel_loop3A_193 = arith.addf %parallel_loop3A_189, %parallel_loop3A_192 : vector<16xf32>
        %parallel_loop3A_194 = arith.constant 2.000000e-01 : f32
        %parallel_loop3A_195 = vector.broadcast %parallel_loop3A_194 : f32 to vector<16xf32>
        %parallel_loop3A_196 = arith.mulf %parallel_loop3A_195, %parallel_loop3A_193 : vector<16xf32>
        %parallel_loop3A_197 = arith.maximumf %parallel_loop3A_193, %parallel_loop3A_196 : vector<16xf32>
        %parallel_loop3A_198 = arith.mulf %get3A_37, %parallel_loop3A_197 : vector<16xf32>
        %parallel_loop3A_199 = arith.addf %parallel_loop3A_186, %parallel_loop3A_198 : vector<16xf32>
        %parallel_loop3A_200 = arith.index_cast %parallel_loop3A_184 : i32 to index
        %parallel_loop3A_201 = arith.constant 16 : index
        %parallel_loop3A_202 = tpu.vector_load %arg9[%parallel_loop3A_200, %parallel_loop3A_201] {strides = array<i32>} : memref<80x80xf32, #tpu.memory_space<vmem>>, vector<16xf32>,
        %parallel_loop3A_203 = arith.index_cast %parallel_loop3A_184 : i32 to index
        %parallel_loop3A_204 = arith.constant 16 : index
        %parallel_loop3A_205 = tpu.vector_load %arg11[%parallel_loop3A_203, %parallel_loop3A_204] {strides = array<i32>} : memref<80x80xf32, #tpu.memory_space<vmem>>, vector<16xf32>,
        %parallel_loop3A_206 = arith.addf %parallel_loop3A_202, %parallel_loop3A_205 : vector<16xf32>
        %parallel_loop3A_207 = arith.constant 2.000000e-01 : f32
        %parallel_loop3A_208 = vector.broadcast %parallel_loop3A_207 : f32 to vector<16xf32>
        %parallel_loop3A_209 = arith.mulf %parallel_loop3A_208, %parallel_loop3A_206 : vector<16xf32>
        %parallel_loop3A_210 = arith.maximumf %parallel_loop3A_206, %parallel_loop3A_209 : vector<16xf32>
        %parallel_loop3A_211 = arith.mulf %get3A_39, %parallel_loop3A_210 : vector<16xf32>
        %parallel_loop3A_212 = arith.addf %parallel_loop3A_199, %parallel_loop3A_211 : vector<16xf32>
        %parallel_loop3A_213 = arith.index_cast %parallel_loop3A_184 : i32 to index
        %parallel_loop3A_214 = arith.constant 32 : index
        %parallel_loop3A_215 = tpu.vector_load %arg9[%parallel_loop3A_213, %parallel_loop3A_214] {strides = array<i32>} : memref<80x80xf32, #tpu.memory_space<vmem>>, vector<16xf32>,
        %parallel_loop3A_216 = arith.index_cast %parallel_loop3A_184 : i32 to index
        %parallel_loop3A_217 = arith.constant 32 : index
        %parallel_loop3A_218 = tpu.vector_load %arg11[%parallel_loop3A_216, %parallel_loop3A_217] {strides = array<i32>} : memref<80x80xf32, #tpu.memory_space<vmem>>, vector<16xf32>,
        %parallel_loop3A_219 = arith.addf %parallel_loop3A_215, %parallel_loop3A_218 : vector<16xf32>
        %parallel_loop3A_220 = arith.constant 2.000000e-01 : f32
        %parallel_loop3A_221 = vector.broadcast %parallel_loop3A_220 : f32 to vector<16xf32>
        %parallel_loop3A_222 = arith.mulf %parallel_loop3A_221, %parallel_loop3A_219 : vector<16xf32>
        %parallel_loop3A_223 = arith.maximumf %parallel_loop3A_219, %parallel_loop3A_222 : vector<16xf32>
        %parallel_loop3A_224 = arith.mulf %get3A_41, %parallel_loop3A_223 : vector<16xf32>
        %parallel_loop3A_225 = arith.addf %parallel_loop3A_212, %parallel_loop3A_224 : vector<16xf32>
        %parallel_loop3A_226 = arith.index_cast %parallel_loop3A_184 : i32 to index
        %parallel_loop3A_227 = arith.constant 48 : index
        %parallel_loop3A_228 = tpu.vector_load %arg9[%parallel_loop3A_226, %parallel_loop3A_227] {strides = array<i32>} : memref<80x80xf32, #tpu.memory_space<vmem>>, vector<16xf32>,
        %parallel_loop3A_229 = arith.index_cast %parallel_loop3A_184 : i32 to index
        %parallel_loop3A_230 = arith.constant 48 : index
        %parallel_loop3A_231 = tpu.vector_load %arg11[%parallel_loop3A_229, %parallel_loop3A_230] {strides = array<i32>} : memref<80x80xf32, #tpu.memory_space<vmem>>, vector<16xf32>,
        %parallel_loop3A_232 = arith.addf %parallel_loop3A_228, %parallel_loop3A_231 : vector<16xf32>
        %parallel_loop3A_233 = arith.constant 2.000000e-01 : f32
        %parallel_loop3A_234 = vector.broadcast %parallel_loop3A_233 : f32 to vector<16xf32>
        %parallel_loop3A_235 = arith.mulf %parallel_loop3A_234, %parallel_loop3A_232 : vector<16xf32>
        %parallel_loop3A_236 = arith.maximumf %parallel_loop3A_232, %parallel_loop3A_235 : vector<16xf32>
        %parallel_loop3A_237 = arith.mulf %get3A_43, %parallel_loop3A_236 : vector<16xf32>
        %parallel_loop3A_238 = arith.addf %parallel_loop3A_225, %parallel_loop3A_237 : vector<16xf32>
        %parallel_loop3A_239 = arith.index_cast %parallel_loop3A_184 : i32 to index
        %parallel_loop3A_240 = arith.constant 64 : index
        %parallel_loop3A_241 = tpu.vector_load %arg9[%parallel_loop3A_239, %parallel_loop3A_240] {strides = array<i32>} : memref<80x80xf32, #tpu.memory_space<vmem>>, vector<16xf32>,
        %parallel_loop3A_242 = arith.index_cast %parallel_loop3A_184 : i32 to index
        %parallel_loop3A_243 = arith.constant 64 : index
        %parallel_loop3A_244 = tpu.vector_load %arg11[%parallel_loop3A_242, %parallel_loop3A_243] {strides = array<i32>} : memref<80x80xf32, #tpu.memory_space<vmem>>, vector<16xf32>,
        %parallel_loop3A_245 = arith.addf %parallel_loop3A_241, %parallel_loop3A_244 : vector<16xf32>
        %parallel_loop3A_246 = arith.constant 2.000000e-01 : f32
        %parallel_loop3A_247 = vector.broadcast %parallel_loop3A_246 : f32 to vector<16xf32>
        %parallel_loop3A_248 = arith.mulf %parallel_loop3A_247, %parallel_loop3A_245 : vector<16xf32>
        %parallel_loop3A_249 = arith.maximumf %parallel_loop3A_245, %parallel_loop3A_248 : vector<16xf32>
        %parallel_loop3A_250 = arith.mulf %get3A_45, %parallel_loop3A_249 : vector<16xf32>
        %parallel_loop3A_251 = arith.addf %parallel_loop3A_238, %parallel_loop3A_250 : vector<16xf32>
        %parallel_loop3A_252 = arith.constant true
        %parallel_loop3A_253 = vector.broadcast %parallel_loop3A_252 : i1 to vector<16xi1>
        %parallel_loop3A_254 = tpu.scan <sum>, %parallel_loop3A_251 masked %parallel_loop3A_253 : vector<16xf32>, vector<16xi1> -> vector<16xf32>
        %parallel_loop3A_255 = vector.extract %parallel_loop3A_254[15] : f32 from vector<16xf32>
        %parallel_loop3A_256 = vector.broadcast %parallel_loop3A_255 : f32 to vector<16xf32>
        %parallel_loop3A_257 = math.exp %parallel_loop3A_256 : vector<16xf32>
        %parallel_loop3A_258 = arith.mulf %parallel_loop3A_257, %parallel_loop3A_189 : vector<16xf32>
        %parallel_loop3A_259 = arith.index_cast %parallel_loop3A_184 : i32 to index
        %parallel_loop3A_260 = arith.constant 0 : index
        %parallel_loop3A_261 = tpu.vector_load %arg13[%parallel_loop3A_259, %parallel_loop3A_260] {strides = array<i32>} : memref<80x80xf32, #tpu.memory_space<vmem>>, vector<16xf32>,
        tpu.vector_store %arg13[%parallel_loop3A_259, %parallel_loop3A_260], %parallel_loop3A_258 {strides = array<i32>} : memref<80x80xf32, #tpu.memory_space<vmem>>, vector<16xf32>,
        %parallel_loop3A_262 = arith.mulf %parallel_loop3A_257, %parallel_loop3A_202 : vector<16xf32>
        %parallel_loop3A_263 = arith.index_cast %parallel_loop3A_184 : i32 to index
        %parallel_loop3A_264 = arith.constant 16 : index
        %parallel_loop3A_265 = tpu.vector_load %arg13[%parallel_loop3A_263, %parallel_loop3A_264] {strides = array<i32>} : memref<80x80xf32, #tpu.memory_space<vmem>>, vector<16xf32>,
        tpu.vector_store %arg13[%parallel_loop3A_263, %parallel_loop3A_264], %parallel_loop3A_262 {strides = array<i32>} : memref<80x80xf32, #tpu.memory_space<vmem>>, vector<16xf32>,
        %parallel_loop3A_266 = arith.mulf %parallel_loop3A_257, %parallel_loop3A_215 : vector<16xf32>
        %parallel_loop3A_267 = arith.index_cast %parallel_loop3A_184 : i32 to index
        %parallel_loop3A_268 = arith.constant 32 : index
        %parallel_loop3A_269 = tpu.vector_load %arg13[%parallel_loop3A_267, %parallel_loop3A_268] {strides = array<i32>} : memref<80x80xf32, #tpu.memory_space<vmem>>, vector<16xf32>,
        tpu.vector_store %arg13[%parallel_loop3A_267, %parallel_loop3A_268], %parallel_loop3A_266 {strides = array<i32>} : memref<80x80xf32, #tpu.memory_space<vmem>>, vector<16xf32>,
        %parallel_loop3A_270 = arith.mulf %parallel_loop3A_257, %parallel_loop3A_228 : vector<16xf32>
        %parallel_loop3A_271 = arith.index_cast %parallel_loop3A_184 : i32 to index
        %parallel_loop3A_272 = arith.constant 48 : index
        %parallel_loop3A_273 = tpu.vector_load %arg13[%parallel_loop3A_271, %parallel_loop3A_272] {strides = array<i32>} : memref<80x80xf32, #tpu.memory_space<vmem>>, vector<16xf32>,
        tpu.vector_store %arg13[%parallel_loop3A_271, %parallel_loop3A_272], %parallel_loop3A_270 {strides = array<i32>} : memref<80x80xf32, #tpu.memory_space<vmem>>, vector<16xf32>,
        %parallel_loop3A_274 = arith.mulf %parallel_loop3A_257, %parallel_loop3A_241 : vector<16xf32>
        %parallel_loop3A_275 = arith.index_cast %parallel_loop3A_184 : i32 to index
        %parallel_loop3A_276 = arith.constant 64 : index
        %parallel_loop3A_277 = tpu.vector_load %arg13[%parallel_loop3A_275, %parallel_loop3A_276] {strides = array<i32>} : memref<80x80xf32, #tpu.memory_space<vmem>>, vector<16xf32>,
        tpu.vector_store %arg13[%parallel_loop3A_275, %parallel_loop3A_276], %parallel_loop3A_274 {strides = array<i32>} : memref<80x80xf32, #tpu.memory_space<vmem>>, vector<16xf32>,
      } {sc.loop_unroll_factor = 4 : i64, sc.parallel_access}
      %dma_start3A_177 = arith.constant 0 : i32
      %dma_start3A_178 = arith.constant 0 : i32
      %dma_start3A_179 = tpu.memref_slice %arg17[%dma_start3A_177, %dma_start3A_178] : memref<10240x80xf32, #tpu.memory_space<vmem_shared>> -> memref<10240x80xf32, #tpu.memory_space<vmem_shared>>
      tpu.enqueue_indirect_dma source(%arg13 : memref<80x80xf32, #tpu.memory_space<vmem>>) target(%dma_start3A_179 : memref<10240x80xf32, #tpu.memory_space<vmem_shared>>) offsets(%arg15 : memref<80xi32, #tpu.memory_space<vmem>>) semaphore(%arg22 : memref<!tpu.dma_semaphore, #tpu.memory_space<semaphore_mem>>) {add = true}
      %lt3A = arith.constant 61 : i32
      %lt3A_180 = arith.cmpi slt, %add3A_110, %lt3A : i32
      %convert_element_type3A_181 = arith.extui %lt3A_180 : i1 to i32
      %cond3A_182 = arith.constant 0 : i32
      %cond3A_183 = arith.cmpi ne, %convert_element_type3A_181, %cond3A_182 : i32
      scf.if %cond3A_183 {
        %mul3A_184 = arith.constant 2 : i32
        %mul3A_185 = arith.muli %mul3A_184, %add3A_110 : i32
        %add3A_186 = arith.constant 3 : i32
        %add3A_187 = arith.addi %mul3A_185, %add3A_186 : i32
        %mul3A_188 = arith.constant 80 : i32
        %mul3A_189 = arith.muli %add3A_187, %mul3A_188 : i32
        %dma_start3A_190 = tpu.memref_slice %arg6[%mul3A_189] : memref<10000xi32, #tpu.memory_space<vmem>> -> memref<80xi32, #tpu.memory_space<vmem>>
        %dma_start3A_191 = arith.constant 0 : i32
        %dma_start3A_192 = arith.constant 0 : i32
        %dma_start3A_193 = tpu.memref_slice %arg2[%dma_start3A_191, %dma_start3A_192] : memref<10000x80xf32, #tpu.memory_space<hbm>> -> memref<10000x80xf32, #tpu.memory_space<hbm>>
        tpu.enqueue_indirect_dma source(%dma_start3A_193 : memref<10000x80xf32, #tpu.memory_space<hbm>>) target(%arg9 : memref<80x80xf32, #tpu.memory_space<vmem>>) offsets(%dma_start3A_190 : memref<80xi32, #tpu.memory_space<vmem>>) semaphore(%arg20 : memref<!tpu.dma_semaphore, #tpu.memory_space<semaphore_mem>>)
        %dma_start3A_194 = tpu.memref_slice %arg7[%mul3A_189] : memref<10000xi32, #tpu.memory_space<vmem>> -> memref<80xi32, #tpu.memory_space<vmem>>
        %dma_start3A_195 = arith.constant 0 : i32
        %dma_start3A_196 = arith.constant 0 : i32
        %dma_start3A_197 = tpu.memref_slice %arg2[%dma_start3A_195, %dma_start3A_196] : memref<10000x80xf32, #tpu.memory_space<hbm>> -> memref<10000x80xf32, #tpu.memory_space<hbm>>
        tpu.enqueue_indirect_dma source(%dma_start3A_197 : memref<10000x80xf32, #tpu.memory_space<hbm>>) target(%arg11 : memref<80x80xf32, #tpu.memory_space<vmem>>) offsets(%dma_start3A_194 : memref<80xi32, #tpu.memory_space<vmem>>) semaphore(%arg20 : memref<!tpu.dma_semaphore, #tpu.memory_space<semaphore_mem>>)
      } else {
      }
    }
    %scan3A_70 = arith.constant 62 : i32
    %dma_wait3A_71 = arith.constant 0 : i32
    %dma_wait3A_72 = arith.constant 0 : i32
    %dma_wait3A_73 = tpu.memref_slice %arg17[%dma_wait3A_71, %dma_wait3A_72] : memref<10240x80xf32, #tpu.memory_space<vmem_shared>> -> memref<10240x80xf32, #tpu.memory_space<vmem_shared>>
    tpu.wait_indirect_dma semaphore(%arg21 : memref<!tpu.dma_semaphore, #tpu.memory_space<semaphore_mem>>) src(%arg12 : memref<80x80xf32, #tpu.memory_space<vmem>>) dst(%dma_wait3A_73 : memref<10240x80xf32, #tpu.memory_space<vmem_shared>>)
    %dma_wait3A_74 = arith.constant 9920 : i32
    %dma_wait3A_75 = tpu.memref_slice %arg6[%dma_wait3A_74] : memref<10000xi32, #tpu.memory_space<vmem>> -> memref<80xi32, #tpu.memory_space<vmem>>
    %dma_wait3A_76 = arith.constant 0 : i32
    %dma_wait3A_77 = arith.constant 0 : i32
    %dma_wait3A_78 = tpu.memref_slice %arg2[%dma_wait3A_76, %dma_wait3A_77] : memref<10000x80xf32, #tpu.memory_space<hbm>> -> memref<10000x80xf32, #tpu.memory_space<hbm>>
    tpu.wait_indirect_dma semaphore(%arg19 : memref<!tpu.dma_semaphore, #tpu.memory_space<semaphore_mem>>) src(%dma_wait3A_78 : memref<10000x80xf32, #tpu.memory_space<hbm>>) dst(%arg8 : memref<80x80xf32, #tpu.memory_space<vmem>>)
    %dma_wait3A_79 = arith.constant 9920 : i32
    %dma_wait3A_80 = tpu.memref_slice %arg7[%dma_wait3A_79] : memref<10000xi32, #tpu.memory_space<vmem>> -> memref<80xi32, #tpu.memory_space<vmem>>
    %dma_wait3A_81 = arith.constant 0 : i32
    %dma_wait3A_82 = arith.constant 0 : i32
    %dma_wait3A_83 = tpu.memref_slice %arg2[%dma_wait3A_81, %dma_wait3A_82] : memref<10000x80xf32, #tpu.memory_space<hbm>> -> memref<10000x80xf32, #tpu.memory_space<hbm>>
    tpu.wait_indirect_dma semaphore(%arg19 : memref<!tpu.dma_semaphore, #tpu.memory_space<semaphore_mem>>) src(%dma_wait3A_83 : memref<10000x80xf32, #tpu.memory_space<hbm>>) dst(%arg10 : memref<80x80xf32, #tpu.memory_space<vmem>>)
    %scan3A_84 = arith.constant 0 : i32
    %scan3A_85 = arith.constant 5 : i32
    %scan3A_86 = arith.addi %scan3A_84, %scan3A_85 : i32
    %scan3A_87 = arith.constant 1 : i32
    scf.for %scan3A_106 = %scan3A_84 to %scan3A_86 step %scan3A_87  : i32 {
      %mul3A_107 = arith.constant 16 : i32
      %mul3A_108 = arith.muli %scan3A_106, %mul3A_107 : i32
      %add3A_109 = arith.constant 0 : i32
      %add3A_110 = arith.addi %add3A_109, %mul3A_108 : i32
      %add3A_111 = arith.constant 9920 : i32
      %add3A_112 = arith.addi %add3A_111, %add3A_110 : i32
      %get3A_113 = arith.index_cast %add3A_112 : i32 to index
      %get3A_114 = tpu.vector_load %arg7[%get3A_113] {strides = array<i32>} : memref<10000xi32, #tpu.memory_space<vmem>>, vector<16xi32>,
      %swap3A = arith.index_cast %add3A_110 : i32 to index
      %swap3A_115 = tpu.vector_load %arg14[%swap3A] {strides = array<i32>} : memref<80xi32, #tpu.memory_space<vmem>>, vector<16xi32>,
      tpu.vector_store %arg14[%swap3A], %get3A_114 {strides = array<i32>} : memref<80xi32, #tpu.memory_space<vmem>>, vector<16xi32>,
    }
    %scan3A_88 = arith.constant 5 : i32
    %parallel_loop3A = arith.constant 0 : i32
    %parallel_loop3A_89 = arith.constant 80 : i32
    %parallel_loop3A_90 = arith.constant 1 : i32
    scf.for %parallel_loop3A_106 = %parallel_loop3A to %parallel_loop3A_89 step %parallel_loop3A_90  : i32 {
      %parallel_loop3A_107 = arith.constant 0.000000e+00 : f32
      %parallel_loop3A_108 = vector.broadcast %parallel_loop3A_107 : f32 to vector<16xf32>
      %parallel_loop3A_109 = arith.index_cast %parallel_loop3A_106 : i32 to index
      %parallel_loop3A_110 = arith.constant 0 : index
      %parallel_loop3A_111 = tpu.vector_load %arg8[%parallel_loop3A_109, %parallel_loop3A_110] {strides = array<i32>} : memref<80x80xf32, #tpu.memory_space<vmem>>, vector<16xf32>,
      %parallel_loop3A_112 = arith.index_cast %parallel_loop3A_106 : i32 to index
      %parallel_loop3A_113 = arith.constant 0 : index
      %parallel_loop3A_114 = tpu.vector_load %arg10[%parallel_loop3A_112, %parallel_loop3A_113] {strides = array<i32>} : memref<80x80xf32, #tpu.memory_space<vmem>>, vector<16xf32>,
      %parallel_loop3A_115 = arith.addf %parallel_loop3A_111, %parallel_loop3A_114 : vector<16xf32>
      %parallel_loop3A_116 = arith.constant 2.000000e-01 : f32
      %parallel_loop3A_117 = vector.broadcast %parallel_loop3A_116 : f32 to vector<16xf32>
      %parallel_loop3A_118 = arith.mulf %parallel_loop3A_117, %parallel_loop3A_115 : vector<16xf32>
      %parallel_loop3A_119 = arith.maximumf %parallel_loop3A_115, %parallel_loop3A_118 : vector<16xf32>
      %parallel_loop3A_120 = arith.mulf %get3A_37, %parallel_loop3A_119 : vector<16xf32>
      %parallel_loop3A_121 = arith.addf %parallel_loop3A_108, %parallel_loop3A_120 : vector<16xf32>
      %parallel_loop3A_122 = arith.index_cast %parallel_loop3A_106 : i32 to index
      %parallel_loop3A_123 = arith.constant 16 : index
      %parallel_loop3A_124 = tpu.vector_load %arg8[%parallel_loop3A_122, %parallel_loop3A_123] {strides = array<i32>} : memref<80x80xf32, #tpu.memory_space<vmem>>, vector<16xf32>,
      %parallel_loop3A_125 = arith.index_cast %parallel_loop3A_106 : i32 to index
      %parallel_loop3A_126 = arith.constant 16 : index
      %parallel_loop3A_127 = tpu.vector_load %arg10[%parallel_loop3A_125, %parallel_loop3A_126] {strides = array<i32>} : memref<80x80xf32, #tpu.memory_space<vmem>>, vector<16xf32>,
      %parallel_loop3A_128 = arith.addf %parallel_loop3A_124, %parallel_loop3A_127 : vector<16xf32>
      %parallel_loop3A_129 = arith.constant 2.000000e-01 : f32
      %parallel_loop3A_130 = vector.broadcast %parallel_loop3A_129 : f32 to vector<16xf32>
      %parallel_loop3A_131 = arith.mulf %parallel_loop3A_130, %parallel_loop3A_128 : vector<16xf32>
      %parallel_loop3A_132 = arith.maximumf %parallel_loop3A_128, %parallel_loop3A_131 : vector<16xf32>
      %parallel_loop3A_133 = arith.mulf %get3A_39, %parallel_loop3A_132 : vector<16xf32>
      %parallel_loop3A_134 = arith.addf %parallel_loop3A_121, %parallel_loop3A_133 : vector<16xf32>
      %parallel_loop3A_135 = arith.index_cast %parallel_loop3A_106 : i32 to index
      %parallel_loop3A_136 = arith.constant 32 : index
      %parallel_loop3A_137 = tpu.vector_load %arg8[%parallel_loop3A_135, %parallel_loop3A_136] {strides = array<i32>} : memref<80x80xf32, #tpu.memory_space<vmem>>, vector<16xf32>,
      %parallel_loop3A_138 = arith.index_cast %parallel_loop3A_106 : i32 to index
      %parallel_loop3A_139 = arith.constant 32 : index
      %parallel_loop3A_140 = tpu.vector_load %arg10[%parallel_loop3A_138, %parallel_loop3A_139] {strides = array<i32>} : memref<80x80xf32, #tpu.memory_space<vmem>>, vector<16xf32>,
      %parallel_loop3A_141 = arith.addf %parallel_loop3A_137, %parallel_loop3A_140 : vector<16xf32>
      %parallel_loop3A_142 = arith.constant 2.000000e-01 : f32
      %parallel_loop3A_143 = vector.broadcast %parallel_loop3A_142 : f32 to vector<16xf32>
      %parallel_loop3A_144 = arith.mulf %parallel_loop3A_143, %parallel_loop3A_141 : vector<16xf32>
      %parallel_loop3A_145 = arith.maximumf %parallel_loop3A_141, %parallel_loop3A_144 : vector<16xf32>
      %parallel_loop3A_146 = arith.mulf %get3A_41, %parallel_loop3A_145 : vector<16xf32>
      %parallel_loop3A_147 = arith.addf %parallel_loop3A_134, %parallel_loop3A_146 : vector<16xf32>
      %parallel_loop3A_148 = arith.index_cast %parallel_loop3A_106 : i32 to index
      %parallel_loop3A_149 = arith.constant 48 : index
      %parallel_loop3A_150 = tpu.vector_load %arg8[%parallel_loop3A_148, %parallel_loop3A_149] {strides = array<i32>} : memref<80x80xf32, #tpu.memory_space<vmem>>, vector<16xf32>,
      %parallel_loop3A_151 = arith.index_cast %parallel_loop3A_106 : i32 to index
      %parallel_loop3A_152 = arith.constant 48 : index
      %parallel_loop3A_153 = tpu.vector_load %arg10[%parallel_loop3A_151, %parallel_loop3A_152] {strides = array<i32>} : memref<80x80xf32, #tpu.memory_space<vmem>>, vector<16xf32>,
      %parallel_loop3A_154 = arith.addf %parallel_loop3A_150, %parallel_loop3A_153 : vector<16xf32>
      %parallel_loop3A_155 = arith.constant 2.000000e-01 : f32
      %parallel_loop3A_156 = vector.broadcast %parallel_loop3A_155 : f32 to vector<16xf32>
      %parallel_loop3A_157 = arith.mulf %parallel_loop3A_156, %parallel_loop3A_154 : vector<16xf32>
      %parallel_loop3A_158 = arith.maximumf %parallel_loop3A_154, %parallel_loop3A_157 : vector<16xf32>
      %parallel_loop3A_159 = arith.mulf %get3A_43, %parallel_loop3A_158 : vector<16xf32>
      %parallel_loop3A_160 = arith.addf %parallel_loop3A_147, %parallel_loop3A_159 : vector<16xf32>
      %parallel_loop3A_161 = arith.index_cast %parallel_loop3A_106 : i32 to index
      %parallel_loop3A_162 = arith.constant 64 : index
      %parallel_loop3A_163 = tpu.vector_load %arg8[%parallel_loop3A_161, %parallel_loop3A_162] {strides = array<i32>} : memref<80x80xf32, #tpu.memory_space<vmem>>, vector<16xf32>,
      %parallel_loop3A_164 = arith.index_cast %parallel_loop3A_106 : i32 to index
      %parallel_loop3A_165 = arith.constant 64 : index
      %parallel_loop3A_166 = tpu.vector_load %arg10[%parallel_loop3A_164, %parallel_loop3A_165] {strides = array<i32>} : memref<80x80xf32, #tpu.memory_space<vmem>>, vector<16xf32>,
      %parallel_loop3A_167 = arith.addf %parallel_loop3A_163, %parallel_loop3A_166 : vector<16xf32>
      %parallel_loop3A_168 = arith.constant 2.000000e-01 : f32
      %parallel_loop3A_169 = vector.broadcast %parallel_loop3A_168 : f32 to vector<16xf32>
      %parallel_loop3A_170 = arith.mulf %parallel_loop3A_169, %parallel_loop3A_167 : vector<16xf32>
      %parallel_loop3A_171 = arith.maximumf %parallel_loop3A_167, %parallel_loop3A_170 : vector<16xf32>
      %parallel_loop3A_172 = arith.mulf %get3A_45, %parallel_loop3A_171 : vector<16xf32>
      %parallel_loop3A_173 = arith.addf %parallel_loop3A_160, %parallel_loop3A_172 : vector<16xf32>
      %parallel_loop3A_174 = arith.constant true
      %parallel_loop3A_175 = vector.broadcast %parallel_loop3A_174 : i1 to vector<16xi1>
      %parallel_loop3A_176 = tpu.scan <sum>, %parallel_loop3A_173 masked %parallel_loop3A_175 : vector<16xf32>, vector<16xi1> -> vector<16xf32>
      %parallel_loop3A_177 = vector.extract %parallel_loop3A_176[15] : f32 from vector<16xf32>
      %parallel_loop3A_178 = vector.broadcast %parallel_loop3A_177 : f32 to vector<16xf32>
      %parallel_loop3A_179 = math.exp %parallel_loop3A_178 : vector<16xf32>
      %parallel_loop3A_180 = arith.mulf %parallel_loop3A_179, %parallel_loop3A_111 : vector<16xf32>
      %parallel_loop3A_181 = arith.index_cast %parallel_loop3A_106 : i32 to index
      %parallel_loop3A_182 = arith.constant 0 : index
      %parallel_loop3A_183 = tpu.vector_load %arg12[%parallel_loop3A_181, %parallel_loop3A_182] {strides = array<i32>} : memref<80x80xf32, #tpu.memory_space<vmem>>, vector<16xf32>,
      tpu.vector_store %arg12[%parallel_loop3A_181, %parallel_loop3A_182], %parallel_loop3A_180 {strides = array<i32>} : memref<80x80xf32, #tpu.memory_space<vmem>>, vector<16xf32>,
      %parallel_loop3A_184 = arith.mulf %parallel_loop3A_179, %parallel_loop3A_124 : vector<16xf32>
      %parallel_loop3A_185 = arith.index_cast %parallel_loop3A_106 : i32 to index
      %parallel_loop3A_186 = arith.constant 16 : index
      %parallel_loop3A_187 = tpu.vector_load %arg12[%parallel_loop3A_185, %parallel_loop3A_186] {strides = array<i32>} : memref<80x80xf32, #tpu.memory_space<vmem>>, vector<16xf32>,
      tpu.vector_store %arg12[%parallel_loop3A_185, %parallel_loop3A_186], %parallel_loop3A_184 {strides = array<i32>} : memref<80x80xf32, #tpu.memory_space<vmem>>, vector<16xf32>,
      %parallel_loop3A_188 = arith.mulf %parallel_loop3A_179, %parallel_loop3A_137 : vector<16xf32>
      %parallel_loop3A_189 = arith.index_cast %parallel_loop3A_106 : i32 to index
      %parallel_loop3A_190 = arith.constant 32 : index
      %parallel_loop3A_191 = tpu.vector_load %arg12[%parallel_loop3A_189, %parallel_loop3A_190] {strides = array<i32>} : memref<80x80xf32, #tpu.memory_space<vmem>>, vector<16xf32>,
      tpu.vector_store %arg12[%parallel_loop3A_189, %parallel_loop3A_190], %parallel_loop3A_188 {strides = array<i32>} : memref<80x80xf32, #tpu.memory_space<vmem>>, vector<16xf32>,
      %parallel_loop3A_192 = arith.mulf %parallel_loop3A_179, %parallel_loop3A_150 : vector<16xf32>
      %parallel_loop3A_193 = arith.index_cast %parallel_loop3A_106 : i32 to index
      %parallel_loop3A_194 = arith.constant 48 : index
      %parallel_loop3A_195 = tpu.vector_load %arg12[%parallel_loop3A_193, %parallel_loop3A_194] {strides = array<i32>} : memref<80x80xf32, #tpu.memory_space<vmem>>, vector<16xf32>,
      tpu.vector_store %arg12[%parallel_loop3A_193, %parallel_loop3A_194], %parallel_loop3A_192 {strides = array<i32>} : memref<80x80xf32, #tpu.memory_space<vmem>>, vector<16xf32>,
      %parallel_loop3A_196 = arith.mulf %parallel_loop3A_179, %parallel_loop3A_163 : vector<16xf32>
      %parallel_loop3A_197 = arith.index_cast %parallel_loop3A_106 : i32 to index
      %parallel_loop3A_198 = arith.constant 64 : index
      %parallel_loop3A_199 = tpu.vector_load %arg12[%parallel_loop3A_197, %parallel_loop3A_198] {strides = array<i32>} : memref<80x80xf32, #tpu.memory_space<vmem>>, vector<16xf32>,
      tpu.vector_store %arg12[%parallel_loop3A_197, %parallel_loop3A_198], %parallel_loop3A_196 {strides = array<i32>} : memref<80x80xf32, #tpu.memory_space<vmem>>, vector<16xf32>,
    } {sc.loop_unroll_factor = 4 : i64, sc.parallel_access}
    %dma_start3A_91 = arith.constant 0 : i32
    %dma_start3A_92 = arith.constant 0 : i32
    %dma_start3A_93 = tpu.memref_slice %arg17[%dma_start3A_91, %dma_start3A_92] : memref<10240x80xf32, #tpu.memory_space<vmem_shared>> -> memref<10240x80xf32, #tpu.memory_space<vmem_shared>>
    tpu.enqueue_indirect_dma source(%arg12 : memref<80x80xf32, #tpu.memory_space<vmem>>) target(%dma_start3A_93 : memref<10240x80xf32, #tpu.memory_space<vmem_shared>>) offsets(%arg14 : memref<80xi32, #tpu.memory_space<vmem>>) semaphore(%arg21 : memref<!tpu.dma_semaphore, #tpu.memory_space<semaphore_mem>>) {add = true}
    %dma_wait3A_94 = arith.constant 0 : i32
    %dma_wait3A_95 = arith.constant 0 : i32
    %dma_wait3A_96 = tpu.memref_slice %arg17[%dma_wait3A_94, %dma_wait3A_95] : memref<10240x80xf32, #tpu.memory_space<vmem_shared>> -> memref<10240x80xf32, #tpu.memory_space<vmem_shared>>
    tpu.wait_indirect_dma semaphore(%arg21 : memref<!tpu.dma_semaphore, #tpu.memory_space<semaphore_mem>>) src(%arg12 : memref<80x80xf32, #tpu.memory_space<vmem>>) dst(%dma_wait3A_96 : memref<10240x80xf32, #tpu.memory_space<vmem_shared>>)
    %dma_wait3A_97 = arith.constant 0 : i32
    %dma_wait3A_98 = arith.constant 0 : i32
    %dma_wait3A_99 = tpu.memref_slice %arg17[%dma_wait3A_97, %dma_wait3A_98] : memref<10240x80xf32, #tpu.memory_space<vmem_shared>> -> memref<10240x80xf32, #tpu.memory_space<vmem_shared>>
    tpu.wait_indirect_dma semaphore(%arg22 : memref<!tpu.dma_semaphore, #tpu.memory_space<semaphore_mem>>) src(%arg13 : memref<80x80xf32, #tpu.memory_space<vmem>>) dst(%dma_wait3A_99 : memref<10240x80xf32, #tpu.memory_space<vmem_shared>>)
    %barrier3A_100 = arith.constant 0 : index
    tpu.barrier barrier_id(%barrier3A_100)
    %scan3A_101 = arith.constant 0 : i32
    %scan3A_102 = arith.constant 8 : i32
    %scan3A_103 = arith.addi %scan3A_101, %scan3A_102 : i32
    %scan3A_104 = arith.constant 1 : i32
    scf.for %scan3A_106 = %scan3A_101 to %scan3A_103 step %scan3A_104  : i32 {
      %mul3A_107 = arith.constant 1 : i32
      %mul3A_108 = arith.muli %scan3A_106, %mul3A_107 : i32
      %add3A_109 = arith.constant 0 : i32
      %add3A_110 = arith.addi %add3A_109, %mul3A_108 : i32
      %mul3A_111 = arith.constant 80 : i32
      %mul3A_112 = arith.muli %add3A_110, %mul3A_111 : i32
      %add3A_113 = arith.addi %mul3A_22, %mul3A_112 : i32
      %mul3A_114 = arith.constant 80 : i32
      %mul3A_115 = arith.muli %add3A_110, %mul3A_114 : i32
      %add3A_116 = arith.addi %mul3A_22, %mul3A_115 : i32
      "tpu.region"() ({
        %run_scoped3A_117 = tpu.sem_alloc : memref<!tpu.dma_semaphore, #tpu.memory_space<semaphore_mem>>
        %dma_start3A_118 = arith.constant 0 : i32
        %dma_start3A_119 = tpu.memref_slice %arg5[%arg0, %add3A_116, %dma_start3A_118] : memref<2x10240x80xf32, #tpu.memory_space<hbm>> -> memref<1x80x80xf32, #tpu.memory_space<hbm>>
        %dma_start3A_120 = tpu.memref_squeeze %dma_start3A_119 : memref<1x80x80xf32, #tpu.memory_space<hbm>> -> memref<80x80xf32, #tpu.memory_space<hbm>>
        %dma_start3A_121 = arith.constant 0 : i32
        %dma_start3A_122 = tpu.memref_slice %arg17[%add3A_113, %dma_start3A_121] : memref<10240x80xf32, #tpu.memory_space<vmem_shared>> -> memref<80x80xf32, #tpu.memory_space<vmem_shared>>
        tpu.enqueue_dma source(%dma_start3A_122 : memref<80x80xf32, #tpu.memory_space<vmem_shared>>) target(%dma_start3A_120 : memref<80x80xf32, #tpu.memory_space<hbm>>) target_semaphore(%run_scoped3A_117 : memref<!tpu.dma_semaphore, #tpu.memory_space<semaphore_mem>>)
        %dma_wait3A_123 = arith.constant 0 : i32
        %dma_wait3A_124 = tpu.memref_slice %arg5[%arg0, %add3A_116, %dma_wait3A_123] : memref<2x10240x80xf32, #tpu.memory_space<hbm>> -> memref<1x80x80xf32, #tpu.memory_space<hbm>>
        %dma_wait3A_125 = tpu.memref_squeeze %dma_wait3A_124 : memref<1x80x80xf32, #tpu.memory_space<hbm>> -> memref<80x80xf32, #tpu.memory_space<hbm>>
        %dma_wait3A_126 = arith.constant 0 : i32
        %dma_wait3A_127 = tpu.memref_slice %arg17[%add3A_113, %dma_wait3A_126] : memref<10240x80xf32, #tpu.memory_space<vmem_shared>> -> memref<80x80xf32, #tpu.memory_space<vmem_shared>>
        tpu.wait_dma2 semaphore(%run_scoped3A_117 : memref<!tpu.dma_semaphore, #tpu.memory_space<semaphore_mem>>) src(%dma_wait3A_127 : memref<80x80xf32, #tpu.memory_space<vmem_shared>>) dst(%dma_wait3A_125 : memref<80x80xf32, #tpu.memory_space<hbm>>)
        tpu.yield
      }) : () -> ()
    }
    %scan3A_105 = arith.constant 8 : i32
    return
  }
}

module attributes {stable_mosaic.version = 14 : i64} {
  func.func @_hpad_body(%arg0: memref<10000x128xf32, #tpu.memory_space<vmem>>, %arg1: memref<128x72xf32, #tpu.memory_space<vmem>>, %arg2: memref<72xf32, #tpu.memory_space<vmem>>, %arg3: memref<72xf32, #tpu.memory_space<vmem>>, %arg4: memref<10000x80xf32, #tpu.memory_space<vmem>>, %arg5: memref<1x80xf32, #tpu.memory_space<vmem>>) attributes {dimension_semantics = [], scalar_prefetch = 0 : i64, scratch_operands = 0 : i64, tpu.core_type = #tpu.core_type<tc>} {
    %get3A = arith.constant 0 : index
    %get3A_0 = arith.constant 0 : index
    %get3A_1 = vector.load %arg0[%get3A, %get3A_0] : memref<10000x128xf32, #tpu.memory_space<vmem>>, vector<10000x128xf32>
    %get3A_2 = arith.constant 0 : index
    %get3A_3 = arith.constant 0 : index
    %get3A_4 = vector.load %arg1[%get3A_2, %get3A_3] : memref<128x72xf32, #tpu.memory_space<vmem>>, vector<128x72xf32>
    %dot_general3A = arith.constant dense<0.000000e+00> : vector<10000x72xf32>
    %dot_general3A_5 = tpu.matmul %get3A_1, %get3A_4, %dot_general3A {dimension_numbers = #tpu.dot_dimension_numbers<[1], [0], [0], [1], [0, 0, 1, 1], [], []>, transpose_lhs_hint = false} : vector<10000x128xf32>, vector<128x72xf32>, vector<10000x72xf32> -> vector<10000x72xf32>
    %get3A_6 = arith.constant 0 : index
    %get3A_7 = vector.load %arg2[%get3A_6] : memref<72xf32, #tpu.memory_space<vmem>>, vector<72xf32>
    %reshape3A = vector.shape_cast %get3A_7 : vector<72xf32> to vector<1x72xf32>
    %add3A = vector.broadcast %reshape3A : vector<1x72xf32> to vector<10000x72xf32>
    %add3A_8 = arith.addf %dot_general3A_5, %add3A : vector<10000x72xf32>
    %iota3A = tpu.iota {dimensions = array<i32: 1>} : vector<10000x8xi32>
    %eq3A = arith.constant 0 : i32
    %eq3A_9 = vector.broadcast %eq3A : i32 to vector<10000x8xi32>
    %eq3A_10 = arith.cmpi eq, %iota3A, %eq3A_9 : vector<10000x8xi32>
    %jit3A = arith.constant 1.000000e+00 : f32
    %jit3A_11 = arith.constant 0.000000e+00 : f32
    %broadcast_in_dim3A = vector.broadcast %jit3A : f32 to vector<10000x8xf32>
    %broadcast_in_dim3A_12 = vector.broadcast %jit3A_11 : f32 to vector<10000x8xf32>
    %select_n3A = arith.select %eq3A_10, %broadcast_in_dim3A, %broadcast_in_dim3A_12 : vector<10000x8xi1>, vector<10000x8xf32>
    %concatenate3A = tpu.concatenate %add3A_8, %select_n3A in 1 : vector<10000x72xf32>, vector<10000x8xf32> -> vector<10000x80xf32>
    %swap3A = arith.constant 0 : index
    %swap3A_13 = arith.constant 0 : index
    %swap3A_14 = vector.load %arg4[%swap3A, %swap3A_13] : memref<10000x80xf32, #tpu.memory_space<vmem>>, vector<10000x80xf32>
    tpu.vector_store %arg4[%swap3A, %swap3A_13], %concatenate3A {strides = array<i32>} : memref<10000x80xf32, #tpu.memory_space<vmem>>, vector<10000x80xf32>,
    %get3A_15 = arith.constant 0 : index
    %get3A_16 = vector.load %arg3[%get3A_15] : memref<72xf32, #tpu.memory_space<vmem>>, vector<72xf32>
    %reshape3A_17 = vector.shape_cast %get3A_16 : vector<72xf32> to vector<1x72xf32>
    %broadcast_in_dim3A_18 = arith.constant 0.000000e+00 : f32
    %broadcast_in_dim3A_19 = vector.broadcast %broadcast_in_dim3A_18 : f32 to vector<1x8xf32>
    %concatenate3A_20 = tpu.concatenate %reshape3A_17, %broadcast_in_dim3A_19 in 1 : vector<1x72xf32>, vector<1x8xf32> -> vector<1x80xf32>
    %swap3A_21 = arith.constant 0 : index
    %swap3A_22 = arith.constant 0 : index
    %swap3A_23 = vector.load %arg5[%swap3A_21, %swap3A_22] : memref<1x80xf32, #tpu.memory_space<vmem>>, vector<1x80xf32>
    tpu.vector_store %arg5[%swap3A_21, %swap3A_22], %concatenate3A_20 {strides = array<i32>} : memref<1x80xf32, #tpu.memory_space<vmem>>, vector<1x80xf32>,
    return
  }
}

module attributes {stable_mosaic.version = 14 : i64} {
  func.func @_mlp_body(%arg0: memref<2x10240x80xf32, #tpu.memory_space<vmem>>, %arg1: memref<72xf32, #tpu.memory_space<vmem>>, %arg2: memref<72xf32, #tpu.memory_space<vmem>>, %arg3: memref<72xf32, #tpu.memory_space<vmem>>, %arg4: memref<72x72xf32, #tpu.memory_space<vmem>>, %arg5: memref<72xf32, #tpu.memory_space<vmem>>, %arg6: memref<72xf32, #tpu.memory_space<vmem>>, %arg7: memref<72x36xf32, #tpu.memory_space<vmem>>, %arg8: memref<36xf32, #tpu.memory_space<vmem>>, %arg9: memref<36xf32, #tpu.memory_space<vmem>>, %arg10: memref<36x16xf32, #tpu.memory_space<vmem>>, %arg11: memref<10000x16xf32, #tpu.memory_space<vmem>>) attributes {dimension_semantics = [], scalar_prefetch = 0 : i64, scratch_operands = 0 : i64, tpu.core_type = #tpu.core_type<tc>} {
    %get3A = arith.constant 0 : index
    %get3A_0 = arith.constant 0 : index
    %get3A_1 = arith.constant 0 : index
    %get3A_2 = vector.load %arg0[%get3A, %get3A_0, %get3A_1] : memref<2x10240x80xf32, #tpu.memory_space<vmem>>, vector<1x10000x80xf32>
    %get3A_3 = vector.shape_cast %get3A_2 : vector<1x10000x80xf32> to vector<10000x80xf32>
    %get3A_4 = arith.constant 1 : index
    %get3A_5 = arith.constant 0 : index
    %get3A_6 = arith.constant 0 : index
    %get3A_7 = vector.load %arg0[%get3A_4, %get3A_5, %get3A_6] : memref<2x10240x80xf32, #tpu.memory_space<vmem>>, vector<1x10000x80xf32>
    %get3A_8 = vector.shape_cast %get3A_7 : vector<1x10000x80xf32> to vector<10000x80xf32>
    %add3A = arith.addf %get3A_3, %get3A_8 : vector<10000x80xf32>
    %slice3A = vector.extract_strided_slice %add3A {offsets = [0, 72], sizes = [10000, 1], strides = [1, 1]} : vector<10000x80xf32> to vector<10000x1xf32>
    %slice3A_9 = vector.extract_strided_slice %add3A {offsets = [0, 0], sizes = [10000, 72], strides = [1, 1]} : vector<10000x80xf32> to vector<10000x72xf32>
    %add3A_10 = arith.constant 1.000000e-16 : f32
    %add3A_11 = vector.broadcast %add3A_10 : f32 to vector<10000x1xf32>
    %add3A_12 = arith.addf %slice3A, %add3A_11 : vector<10000x1xf32>
    %div3A = vector.broadcast %add3A_12 : vector<10000x1xf32> to vector<10000x72xf32>
    %div3A_13 = arith.divf %slice3A_9, %div3A : vector<10000x72xf32>
    %get3A_14 = arith.constant 0 : index
    %get3A_15 = vector.load %arg1[%get3A_14] : memref<72xf32, #tpu.memory_space<vmem>>, vector<72xf32>
    %reshape3A = vector.shape_cast %get3A_15 : vector<72xf32> to vector<1x72xf32>
    %add3A_16 = vector.broadcast %reshape3A : vector<1x72xf32> to vector<10000x72xf32>
    %add3A_17 = arith.addf %div3A_13, %add3A_16 : vector<10000x72xf32>
    %get3A_18 = arith.constant 0 : index
    %get3A_19 = vector.load %arg2[%get3A_18] : memref<72xf32, #tpu.memory_space<vmem>>, vector<72xf32>
    %get3A_20 = arith.constant 0 : index
    %get3A_21 = vector.load %arg3[%get3A_20] : memref<72xf32, #tpu.memory_space<vmem>>, vector<72xf32>
    %reduce_sum3A = arith.constant dense<0.000000e+00> : vector<72xf32>
    %reduce_sum3A_22 = vector.multi_reduction <add>, %add3A_17, %reduce_sum3A [0] : vector<10000x72xf32> to vector<72xf32>
    %broadcast_in_dim3A = vector.shape_cast %reduce_sum3A_22 : vector<72xf32> to vector<1x72xf32>
    %div3A_23 = arith.constant 1.000000e+04 : f32
    %div3A_24 = vector.broadcast %div3A_23 : f32 to vector<1x72xf32>
    %div3A_25 = arith.divf %broadcast_in_dim3A, %div3A_24 : vector<1x72xf32>
    %sub3A = vector.broadcast %div3A_25 : vector<1x72xf32> to vector<10000x72xf32>
    %sub3A_26 = arith.subf %add3A_17, %sub3A : vector<10000x72xf32>
    %integer_pow3A = arith.mulf %sub3A_26, %sub3A_26 : vector<10000x72xf32>
    %reduce_sum3A_27 = arith.constant dense<0.000000e+00> : vector<72xf32>
    %reduce_sum3A_28 = vector.multi_reduction <add>, %integer_pow3A, %reduce_sum3A_27 [0] : vector<10000x72xf32> to vector<72xf32>
    %broadcast_in_dim3A_29 = vector.shape_cast %reduce_sum3A_28 : vector<72xf32> to vector<1x72xf32>
    %div3A_30 = arith.constant 1.000000e+04 : f32
    %div3A_31 = vector.broadcast %div3A_30 : f32 to vector<1x72xf32>
    %div3A_32 = arith.divf %broadcast_in_dim3A_29, %div3A_31 : vector<1x72xf32>
    %sub3A_33 = vector.broadcast %div3A_25 : vector<1x72xf32> to vector<10000x72xf32>
    %sub3A_34 = arith.subf %add3A_17, %sub3A_33 : vector<10000x72xf32>
    %add3A_35 = arith.constant 9.99999974E-6 : f32
    %add3A_36 = vector.broadcast %add3A_35 : f32 to vector<1x72xf32>
    %add3A_37 = arith.addf %div3A_32, %add3A_36 : vector<1x72xf32>
    %sqrt3A = math.sqrt %add3A_37 : vector<1x72xf32>
    %div3A_38 = vector.broadcast %sqrt3A : vector<1x72xf32> to vector<10000x72xf32>
    %div3A_39 = arith.divf %sub3A_34, %div3A_38 : vector<10000x72xf32>
    %reshape3A_40 = vector.shape_cast %get3A_19 : vector<72xf32> to vector<1x72xf32>
    %mul3A = vector.broadcast %reshape3A_40 : vector<1x72xf32> to vector<10000x72xf32>
    %mul3A_41 = arith.mulf %div3A_39, %mul3A : vector<10000x72xf32>
    %reshape3A_42 = vector.shape_cast %get3A_21 : vector<72xf32> to vector<1x72xf32>
    %add3A_43 = vector.broadcast %reshape3A_42 : vector<1x72xf32> to vector<10000x72xf32>
    %add3A_44 = arith.addf %mul3A_41, %add3A_43 : vector<10000x72xf32>
    %get3A_45 = arith.constant 0 : index
    %get3A_46 = arith.constant 0 : index
    %get3A_47 = vector.load %arg4[%get3A_45, %get3A_46] : memref<72x72xf32, #tpu.memory_space<vmem>>, vector<72x72xf32>
    %dot_general3A = arith.constant dense<0.000000e+00> : vector<10000x72xf32>
    %dot_general3A_48 = tpu.matmul %add3A_44, %get3A_47, %dot_general3A {dimension_numbers = #tpu.dot_dimension_numbers<[1], [0], [0], [1], [0, 0, 1, 1], [], []>, transpose_lhs_hint = false} : vector<10000x72xf32>, vector<72x72xf32>, vector<10000x72xf32> -> vector<10000x72xf32>
    %max3A = arith.constant 0.000000e+00 : f32
    %max3A_49 = vector.broadcast %max3A : f32 to vector<10000x72xf32>
    %max3A_50 = arith.maximumf %dot_general3A_48, %max3A_49 : vector<10000x72xf32>
    %get3A_51 = arith.constant 0 : index
    %get3A_52 = vector.load %arg5[%get3A_51] : memref<72xf32, #tpu.memory_space<vmem>>, vector<72xf32>
    %get3A_53 = arith.constant 0 : index
    %get3A_54 = vector.load %arg6[%get3A_53] : memref<72xf32, #tpu.memory_space<vmem>>, vector<72xf32>
    %reduce_sum3A_55 = arith.constant dense<0.000000e+00> : vector<72xf32>
    %reduce_sum3A_56 = vector.multi_reduction <add>, %max3A_50, %reduce_sum3A_55 [0] : vector<10000x72xf32> to vector<72xf32>
    %broadcast_in_dim3A_57 = vector.shape_cast %reduce_sum3A_56 : vector<72xf32> to vector<1x72xf32>
    %div3A_58 = arith.constant 1.000000e+04 : f32
    %div3A_59 = vector.broadcast %div3A_58 : f32 to vector<1x72xf32>
    %div3A_60 = arith.divf %broadcast_in_dim3A_57, %div3A_59 : vector<1x72xf32>
    %sub3A_61 = vector.broadcast %div3A_60 : vector<1x72xf32> to vector<10000x72xf32>
    %sub3A_62 = arith.subf %max3A_50, %sub3A_61 : vector<10000x72xf32>
    %integer_pow3A_63 = arith.mulf %sub3A_62, %sub3A_62 : vector<10000x72xf32>
    %reduce_sum3A_64 = arith.constant dense<0.000000e+00> : vector<72xf32>
    %reduce_sum3A_65 = vector.multi_reduction <add>, %integer_pow3A_63, %reduce_sum3A_64 [0] : vector<10000x72xf32> to vector<72xf32>
    %broadcast_in_dim3A_66 = vector.shape_cast %reduce_sum3A_65 : vector<72xf32> to vector<1x72xf32>
    %div3A_67 = arith.constant 1.000000e+04 : f32
    %div3A_68 = vector.broadcast %div3A_67 : f32 to vector<1x72xf32>
    %div3A_69 = arith.divf %broadcast_in_dim3A_66, %div3A_68 : vector<1x72xf32>
    %sub3A_70 = vector.broadcast %div3A_60 : vector<1x72xf32> to vector<10000x72xf32>
    %sub3A_71 = arith.subf %max3A_50, %sub3A_70 : vector<10000x72xf32>
    %add3A_72 = arith.constant 9.99999974E-6 : f32
    %add3A_73 = vector.broadcast %add3A_72 : f32 to vector<1x72xf32>
    %add3A_74 = arith.addf %div3A_69, %add3A_73 : vector<1x72xf32>
    %sqrt3A_75 = math.sqrt %add3A_74 : vector<1x72xf32>
    %div3A_76 = vector.broadcast %sqrt3A_75 : vector<1x72xf32> to vector<10000x72xf32>
    %div3A_77 = arith.divf %sub3A_71, %div3A_76 : vector<10000x72xf32>
    %reshape3A_78 = vector.shape_cast %get3A_52 : vector<72xf32> to vector<1x72xf32>
    %mul3A_79 = vector.broadcast %reshape3A_78 : vector<1x72xf32> to vector<10000x72xf32>
    %mul3A_80 = arith.mulf %div3A_77, %mul3A_79 : vector<10000x72xf32>
    %reshape3A_81 = vector.shape_cast %get3A_54 : vector<72xf32> to vector<1x72xf32>
    %add3A_82 = vector.broadcast %reshape3A_81 : vector<1x72xf32> to vector<10000x72xf32>
    %add3A_83 = arith.addf %mul3A_80, %add3A_82 : vector<10000x72xf32>
    %get3A_84 = arith.constant 0 : index
    %get3A_85 = arith.constant 0 : index
    %get3A_86 = vector.load %arg7[%get3A_84, %get3A_85] : memref<72x36xf32, #tpu.memory_space<vmem>>, vector<72x36xf32>
    %dot_general3A_87 = arith.constant dense<0.000000e+00> : vector<10000x36xf32>
    %dot_general3A_88 = tpu.matmul %add3A_83, %get3A_86, %dot_general3A_87 {dimension_numbers = #tpu.dot_dimension_numbers<[1], [0], [0], [1], [0, 0, 1, 1], [], []>, transpose_lhs_hint = false} : vector<10000x72xf32>, vector<72x36xf32>, vector<10000x36xf32> -> vector<10000x36xf32>
    %max3A_89 = arith.constant 0.000000e+00 : f32
    %max3A_90 = vector.broadcast %max3A_89 : f32 to vector<10000x36xf32>
    %max3A_91 = arith.maximumf %dot_general3A_88, %max3A_90 : vector<10000x36xf32>
    %get3A_92 = arith.constant 0 : index
    %get3A_93 = vector.load %arg8[%get3A_92] : memref<36xf32, #tpu.memory_space<vmem>>, vector<36xf32>
    %get3A_94 = arith.constant 0 : index
    %get3A_95 = vector.load %arg9[%get3A_94] : memref<36xf32, #tpu.memory_space<vmem>>, vector<36xf32>
    %reduce_sum3A_96 = arith.constant dense<0.000000e+00> : vector<36xf32>
    %reduce_sum3A_97 = vector.multi_reduction <add>, %max3A_91, %reduce_sum3A_96 [0] : vector<10000x36xf32> to vector<36xf32>
    %broadcast_in_dim3A_98 = vector.shape_cast %reduce_sum3A_97 : vector<36xf32> to vector<1x36xf32>
    %div3A_99 = arith.constant 1.000000e+04 : f32
    %div3A_100 = vector.broadcast %div3A_99 : f32 to vector<1x36xf32>
    %div3A_101 = arith.divf %broadcast_in_dim3A_98, %div3A_100 : vector<1x36xf32>
    %sub3A_102 = vector.broadcast %div3A_101 : vector<1x36xf32> to vector<10000x36xf32>
    %sub3A_103 = arith.subf %max3A_91, %sub3A_102 : vector<10000x36xf32>
    %integer_pow3A_104 = arith.mulf %sub3A_103, %sub3A_103 : vector<10000x36xf32>
    %reduce_sum3A_105 = arith.constant dense<0.000000e+00> : vector<36xf32>
    %reduce_sum3A_106 = vector.multi_reduction <add>, %integer_pow3A_104, %reduce_sum3A_105 [0] : vector<10000x36xf32> to vector<36xf32>
    %broadcast_in_dim3A_107 = vector.shape_cast %reduce_sum3A_106 : vector<36xf32> to vector<1x36xf32>
    %div3A_108 = arith.constant 1.000000e+04 : f32
    %div3A_109 = vector.broadcast %div3A_108 : f32 to vector<1x36xf32>
    %div3A_110 = arith.divf %broadcast_in_dim3A_107, %div3A_109 : vector<1x36xf32>
    %sub3A_111 = vector.broadcast %div3A_101 : vector<1x36xf32> to vector<10000x36xf32>
    %sub3A_112 = arith.subf %max3A_91, %sub3A_111 : vector<10000x36xf32>
    %add3A_113 = arith.constant 9.99999974E-6 : f32
    %add3A_114 = vector.broadcast %add3A_113 : f32 to vector<1x36xf32>
    %add3A_115 = arith.addf %div3A_110, %add3A_114 : vector<1x36xf32>
    %sqrt3A_116 = math.sqrt %add3A_115 : vector<1x36xf32>
    %div3A_117 = vector.broadcast %sqrt3A_116 : vector<1x36xf32> to vector<10000x36xf32>
    %div3A_118 = arith.divf %sub3A_112, %div3A_117 : vector<10000x36xf32>
    %reshape3A_119 = vector.shape_cast %get3A_93 : vector<36xf32> to vector<1x36xf32>
    %mul3A_120 = vector.broadcast %reshape3A_119 : vector<1x36xf32> to vector<10000x36xf32>
    %mul3A_121 = arith.mulf %div3A_118, %mul3A_120 : vector<10000x36xf32>
    %reshape3A_122 = vector.shape_cast %get3A_95 : vector<36xf32> to vector<1x36xf32>
    %add3A_123 = vector.broadcast %reshape3A_122 : vector<1x36xf32> to vector<10000x36xf32>
    %add3A_124 = arith.addf %mul3A_121, %add3A_123 : vector<10000x36xf32>
    %get3A_125 = arith.constant 0 : index
    %get3A_126 = arith.constant 0 : index
    %get3A_127 = vector.load %arg10[%get3A_125, %get3A_126] : memref<36x16xf32, #tpu.memory_space<vmem>>, vector<36x16xf32>
    %dot_general3A_128 = arith.constant dense<0.000000e+00> : vector<10000x16xf32>
    %dot_general3A_129 = tpu.matmul %add3A_124, %get3A_127, %dot_general3A_128 {dimension_numbers = #tpu.dot_dimension_numbers<[1], [0], [0], [1], [0, 0, 1, 1], [], []>, transpose_lhs_hint = false} : vector<10000x36xf32>, vector<36x16xf32>, vector<10000x16xf32> -> vector<10000x16xf32>
    %max3A_130 = arith.constant 0.000000e+00 : f32
    %max3A_131 = vector.broadcast %max3A_130 : f32 to vector<10000x16xf32>
    %max3A_132 = arith.maximumf %dot_general3A_129, %max3A_131 : vector<10000x16xf32>
    %neg3A = arith.constant 0.000000e+00 : f32
    %neg3A_133 = vector.broadcast %neg3A : f32 to vector<10000x16xf32>
    %neg3A_134 = arith.subf %neg3A_133, %max3A_132 : vector<10000x16xf32>
    %exp3A = math.exp %neg3A_134 : vector<10000x16xf32>
    %add3A_135 = arith.constant 1.000000e+00 : f32
    %add3A_136 = vector.broadcast %add3A_135 : f32 to vector<10000x16xf32>
    %add3A_137 = arith.addf %add3A_136, %exp3A : vector<10000x16xf32>
    %div3A_138 = arith.constant 1.000000e+00 : f32
    %div3A_139 = vector.broadcast %div3A_138 : f32 to vector<10000x16xf32>
    %div3A_140 = arith.divf %div3A_139, %add3A_137 : vector<10000x16xf32>
    %swap3A = arith.constant 0 : index
    %swap3A_141 = arith.constant 0 : index
    %swap3A_142 = vector.load %arg11[%swap3A, %swap3A_141] : memref<10000x16xf32, #tpu.memory_space<vmem>>, vector<10000x16xf32>
    tpu.vector_store %arg11[%swap3A, %swap3A_141], %div3A_140 {strides = array<i32>} : memref<10000x16xf32, #tpu.memory_space<vmem>>, vector<10000x16xf32>,
    return
  }
}

</mosaic_0001>

<sc_bundles>
// kernel: kernel.5.cloned.1.call-start
scs
__scs_entry_jumppad:
0x0: {  	(pc) =	sbr.rel $0x88, $3  }
0x1: {  	(tag) =	ssettag $0x0;
	lr =	simm.s32 $0x1  }
0x2: {  	[smem:$0x3F92] =	sst lr;
	_ =	strace $0xD0000000  }
0x3: {  	_ = 	snop  }
0x4: {  	_ = 	snop  }
0x5: {  	_ = 	snop  }
0x6: {  	_ = 	snop  }
0x7: {  	_ = 	snop  }
__scs_overlays_trampoline_lowered:
0x8: {  	[smem:$0x3FA1] =	sst s0  }
0x9: {  	[smem:$0x3FA2] =	sst s1  }
0xa: {  	[smem:$0x3FA3] =	sst s2  }
0xb: {  	[smem:$0x3FA4] =	sst s3  }
0xc: {  	[smem:$0x3FA5] =	sst s4  }
0xd: {  	[smem:$0x3FA6] =	sst s5  }
0xe: {  	[smem:$0x3FA7] =	sst s6  }
0xf: {  	[smem:$0x3FA8] =	sst s7  }
0x10: {  	[smem:$0x3FA9] =	sst s8  }
0x11: {  	[smem:$0x3FAA] =	sst s9;
	s0 =	simm.s32 @!p0 $0x0  }
0x12: {  	s1 =	sld [smem:$0x3F90];
	s0 =	simm.s32 @p0 $0x1  }
0x13: {  	[smem:$0x3FAB] =	sst s0;
	s0 =	simm.s32 @!p1 $0x0  }
0x14: {  	s2 =	sld [smem:$0x3F8F];
	s0 =	simm.s32 @p1 $0x1  }
0x15: {  	[smem:$0x3FAC] =	sst s0;
	s0 =	simm.s32 @!p2 $0x0  }
0x16: {  	s3 =	sld [smem:$0x3FDB];
	s0 =	simm.s32 @p2 $0x1  }
0x17: {  	s4 =	simm.s32 $0x1BF5;
	[smem:$0x3FAE] =	sst s0  }
0x18: {  	s0 =	sld [smem:$0x3F91];
	_ =	swait.ge [sflag:s4], $0x0  }
0x19: {  	s7 =	sld [smem:$0x3F92]  }
0x1a: {  	s8 =	sadd.s32 $0xFFFFE003, lr  }
0x1b: {  	s9 =	sadd.s32 $0xFFFFFEF7, lr;
	s5 =	simm.s32 $0xFFFFFFFF;
	p2 =	slt.u32 s8, $0xFFFFF086  }
0x1c: {  	p1 =	slt.u32 s9, $0xF7A;
	s5 =	simm.s32 @!p2 $0x0  }
0x1d: {  	s5 =	simm.s32 @p1 $0x1;
	p0 =	seq.s32 s7, s2  }
0x1e: {  	s7 =	smul.u32 @!p0 $0xF7A, s2;
	p2 =	seq.s32 @!p0 s5, $0x0  }
0x1f: {  	s9 =	smul.u32 $0xF7A, s1;
	s8 =	simm.s32 @!p0 $0x1BF5;
	p2 =	por !p2, p0  }
0x20: {  	[sflag:s8] =	ssyncset.s32 @!p0 $0xFFFFF086;
	s6 =	sadd.s32 @!p0 s3, s7;
	s7 =	simm.s32 @!p0 $0x108  }
0x21: {  	s3 =	sadd.s32 s3, s9;
	s6 =	sadd.s32 @!p0 $0x88, s6;
	s7 =	simm.s32 @p2 $0x1082  }
0x22: {  	[simem:s7], [sflag:s8] =	dma.local @!p0 [hbm:s6], $0xF7A  }
0x23: {  	s9 =	sor.u32 $0xD0000000, s2;
	s6 =	simm.s32 $0x108;
	_ =	swait.ge @!p0 [sflag:s8], $0x0  }
0x24: {  	s3 =	sadd.s32 $0x88, s3;
	s6 =	simm.s32 @!p1 $0x1082;
	[sflag:s4] =	ssyncset.s32 $0xFFFFF086  }
0x25: {  	[simem:s6], [sflag:s4] =	dma.local [hbm:s3], $0xF7A  }
0x26: {  	[smem:$0x3F92] =	sst s1;
	(tag) =	ssettag s2;
	_ =	strace s9  }
0x27: {  	s1 =	sld [smem:$0x3FA2]  }
0x28: {  	s2 =	sld [smem:$0x3FA3]  }
0x29: {  	s4 =	sld [smem:$0x3FA5]  }
0x2a: {  	p0 =	seq.s32 s5, $0x0;
	s5 =	sld [smem:$0x3FA6]  }
0x2b: {  	s6 =	sld [smem:$0x3FA7]  }
0x2c: {  	s7 =	sld [smem:$0x3FA8]  }
0x2d: {  	s3 =	simm.s32 $0x108;
	s8 =	sld [smem:$0x3FA9]  }
0x2e: {  	s3 =	simm.s32 @!p0 $0x1082;
	s9 =	sld [smem:$0x3FAA]  }
0x2f: {  	lr =	sadd.s32 s0, s3;
	s0 =	sld [smem:$0x3FA1]  }
0x30: {  	s3 =	sld [smem:$0x3FA4]  }
0x31: {  	[smem:$0x3FAD] =	sst s10  }
0x32: {  	s10 =	sld [smem:$0x3FAB];
	_ =	sdelay $0x3  }
0x33: {  	p0 =	seq.s32 s10, $0x1;
	s10 =	sld [smem:$0x3FAD];
	_ =	sdelay $0x3  }
0x34: {  	[smem:$0x3FAD] =	sst s10  }
0x35: {  	s10 =	sld [smem:$0x3FAC];
	_ =	sdelay $0x3  }
0x36: {  	p1 =	seq.s32 s10, $0x1;
	s10 =	sld [smem:$0x3FAD];
	_ =	sdelay $0x3  }
0x37: {  	[smem:$0x3FAD] =	sst s10  }
0x38: {  	s10 =	sld [smem:$0x3FAE]  }
0x39: {  	_ = 	snop;
	(pc) =	sbr.ind lr, $3  }
0x3a: {  	_ = 	snop  }
0x3b: {  	_ = 	snop  }
0x3c: {  	p2 =	seq.s32 s10, $0x1;
	s10 =	sld [smem:$0x3FAD]  }
0x3d: {  	_ =	shalt  }
0x3e: {  	_ =	shalt  }
0x3f: {  	_ =	shalt  }
0x40: {  	_ =	shalt  }
0x41: {  	_ =	shalt  }
0x42: {  	_ =	shalt  }
0x43: {  	_ =	shalt  }
0x44: {  	_ =	shalt  }
0x45: {  	_ =	shalt  }
0x46: {  	_ =	shalt  }
0x47: {  	_ =	shalt  }
0x48: {  	_ =	shalt  }
0x49: {  	_ =	shalt  }
0x4a: {  	_ =	shalt  }
0x4b: {  	_ =	shalt  }
0x4c: {  	_ =	shalt  }
0x4d: {  	_ =	shalt  }
0x4e: {  	_ =	shalt  }
0x4f: {  	_ =	shalt  }
0x50: {  	_ =	shalt  }
0x51: {  	_ =	shalt  }
0x52: {  	_ =	shalt  }
0x53: {  	_ =	shalt  }
0x54: {  	_ =	shalt  }
0x55: {  	_ =	shalt  }
0x56: {  	_ =	shalt  }
0x57: {  	_ =	shalt  }
0x58: {  	_ =	shalt  }
0x59: {  	_ =	shalt  }
0x5a: {  	_ =	shalt  }
0x5b: {  	_ =	shalt  }
0x5c: {  	_ =	shalt  }
0x5d: {  	_ =	shalt  }
0x5e: {  	_ =	shalt  }
0x5f: {  	_ =	shalt  }
0x60: {  	_ =	shalt  }
0x61: {  	_ =	shalt  }
0x62: {  	_ =	shalt  }
0x63: {  	_ =	shalt  }
0x64: {  	_ =	shalt  }
0x65: {  	_ =	shalt  }
0x66: {  	_ =	shalt  }
0x67: {  	_ =	shalt  }
0x68: {  	_ =	shalt  }
0x69: {  	_ =	shalt  }
0x6a: {  	_ =	shalt  }
0x6b: {  	_ =	shalt  }
0x6c: {  	_ =	shalt  }
0x6d: {  	_ =	shalt  }
0x6e: {  	_ =	shalt  }
0x6f: {  	_ =	shalt  }
0x70: {  	_ =	shalt  }
0x71: {  	_ =	shalt  }
0x72: {  	_ =	shalt  }
0x73: {  	_ =	shalt  }
0x74: {  	_ =	shalt  }
0x75: {  	_ =	shalt  }
0x76: {  	_ =	shalt  }
0x77: {  	_ =	shalt  }
0x78: {  	_ =	shalt  }
0x79: {  	_ =	shalt  }
0x7a: {  	_ =	shalt  }
0x7b: {  	_ =	shalt  }
0x7c: {  	_ =	shalt  }
0x7d: {  	_ =	shalt  }
0x7e: {  	_ =	shalt  }
0x7f: {  	_ =	shalt  }
0x80: {  	_ =	shalt  }
0x81: {  	_ =	shalt  }
0x82: {  	_ =	shalt  }
0x83: {  	_ =	shalt  }
0x84: {  	_ =	shalt  }
0x85: {  	_ =	shalt  }
0x86: {  	_ =	shalt  }
0x87: {  	_ =	shalt  }
.Lfunc_end0:
.L_simem_size_0:
called_computation_lowered:
.L_overlay_start_0:
0x88: {  	s2 =	sld [smem:$0x3FD9]  }
0x89: {  	s3 =	sld [smem:$0x3FFE];
	_ =	sdelay $0x1  }
0x8a: {  	s1 =	srdreg.scid  }
0x8b: {  	s0 =	sand.u32 $0x1, s1  }
0x8c: {  	s17 =	sshll.u32 s0, $0xA;
	s2 =	sadd.s32 s3, s2  }
0x8d: {  	s2 =	sadd.s32 s2, s17  }
0x8e: {  	[smem:$0x3FB9] =	sst s2  }
0x8f: {  	_ = 	snop  }
0x90: {  	s2 =	sld [smem:$0x3FD0];
	(tm) =	ssettm $0x1  }
0x91: {  	s18 =	sld [smem:$0x3FFB];
	_ =	sdelay $0x3  }
0x92: {  	_ =	strace s18  }
0x93: {  	s3 =	sld [smem:$0x3FFC];
	_ =	sdelay $0x3  }
0x94: {  	_ =	strace s3  }
0x95: {  	s3 =	sld [smem:$0x3FFD];
	_ =	sdelay $0x3  }
0x96: {  	_ =	strace s3  }
0x97: {  	_ =	strace $0x8FFFFFFF  }
0x98: {  	s19 =	sld [smem:$0x3FDB];
	_ =	sdelay $0x1  }
0x99: {  	s4 =	simm.s32 $_scs_section_size  }
0x9a: {  	s5 =	simm.s32 $_size__tile_overlayer_lowered;
	s6 =	simm.s32 $_tile_overlayer_lowered  }
0x9b: {  	s22 =	simm.s32 $0x1BFF;
	s21 =	sshll.u32 s6, $0x1;
	s3 =	sadd.s32 s4, s19  }
0x9c: {  	s7 =	simm.s32 $0x0;
	s20 =	sshll.u32 s5, $0x1;
	s5 =	sadd.s32 s21, s3  }
0x9d: {  	[timem:s7], [sflag:s22] =	dma.local [hbm:s5], s20  }
0x9e: {  	_ =	swait.ge [sflag:s22], s20  }
0x9f: {  	s4 =	ssub.s32 $0x0, s20;
	[sflag:s22] =	ssyncset.done $0x0  }
0xa0: {  	[sflag:s22] =	ssyncadd.s32 s4;
	_ =	sdelay $0x1  }
0xa1: {  	s23 =	simm.s32 $0x1B8B  }
0xa2: {  	_ =	swait.ge [sflag:s23], $0x1  }
0xa3: {  	[sflag:s23] =	ssyncset.done $0x0  }
0xa4: {  	s25 =	simm.s32 $0x1B8E;
	s24 =	sld [smem:$0x3FFE];
	[sflag:s23] =	ssyncadd.s32 $0xFFFFFFFF  }
0xa5: {  	s26 =	simm.s32 $execute0_lowered;
	[smem:$0x3FD2] =	sst s25  }
0xa6: {  	s5 =	sshll.u32 s26, $0x1;
	_ =	strace $0x80000046;
	[dreg:$0x1] =	wrdreg $0xFFFFFFFF  }
0xa7: {  	s28 =	simm.s32 $_size_execute0_lowered;
	s3 =	sadd.s32 s3, s5;
	[dreg:$0x0] =	wrdreg $0x0  }
0xa8: {  	s5 =	sshll.u32 s28, $0x1;
	[dreg:$0x2] =	wrdreg s3  }
0xa9: {  	[dreg:$0x3] =	wrdreg s5  }
0xaa: {  	[dreg:$0x4] =	wrdreg $0xC0  }
0xab: {  	_ =	task [dreg:s7], $0x5FFFF  }
0xac: {  	[dreg:$0x1] =	wrdreg $0xFFFFFFFF  }
0xad: {  	[dreg:$0x0] =	wrdreg $0x60  }
0xae: {  	[dreg:$0x2] =	wrdreg s24  }
0xaf: {  	[dreg:$0x3] =	wrdreg s2  }
0xb0: {  	[dreg:$0x4] =	wrdreg $0xE5100  }
0xb1: {  	[dreg:$0x5] =	wrdreg $0x9  }
0xb2: {  	_ =	task.clear_ibuf [dreg:s7], $0x6FFFF;
	_ =	strace $0x90000046  }
0xb3: {  	s29 =	simm.s32 $0x9;
	_ =	strace $0x80000048  }
0xb4: {  	_ =	swait.ge [sflag:s29], $0x1  }
0xb5: {  	[sflag:s29] =	ssyncadd.s32 $0xFFFFFFFF  }
0xb6: {  	_ =	strace $0x90000048  }
0xb7: {  	_ =	sfence  }
0xb8: {  	s30 =	sld [smem:$0x0];
	_ =	sdelay $0x2  }
0xb9: {  	s31 =	sshll.u32 s1, $0xD;
	s1 =	sshrl.u32 s1, $0x2  }
0xba: {  	s3 =	sand.u32 $0x4000, s31;
	s1 =	sadd.s32 s1, s30  }
0xbb: {  	s0 =	sor.u32 s3, s0;
	s1 =	sshll.u32 s1, $0x11  }
0xbc: {  	s0 =	sor.u32 s1, s0  }
0xbd: {  	s0 =	sadd.s32 $0x8F2B, s0  }
0xbe: {  	[sflag:s0] =	ssyncadd.remote.s32 $0x1  }
0xbf: {  	_ =	sfence.sel $0xFFFF  }
0xc0: {  	[dreg:$0x0] =	wrdreg $0xFFFFFFFF;
	(pc) =	sbr.abs _section_cstart, $3  }
0xc1: {  	[dreg:$0x1] =	wrdreg $0xFFFFFFFF  }
0xc2: {  	_ =	task.clear_ibuf [dreg:s7], $0x2FFFF;
	_ =	strace $0x9FFFFFFF  }
0xc3: {  	(tm) =	ssettm $0x7FFFFFFF  }
tec
execute0_lowered:
.L_overlay_start_1:
0x0: {  	(tag) =	ssettag $0x1  }
0x1: {  	s18 =	stileid.u32  }
0x2: {  	s0 =	srdreg.scid;
	s2 =	smul.u32 $0x280, s18  }
0x3: {  	s1 =	sand.u32 $0x1, s0;
	s26 =	sshll.u32 s18, $0x1;
	s23 =	smul.u32 $0x32000, s18  }
0x4: {  	s5 =	rddreg [dreg:$0x0];
	s0 =	sor.u32 s1, s26;
	s6 =	smul.u32 $0xC8000, s1  }
0x5: {  	s3 =	rddreg [dreg:$0x2];
	s4 =	smul.u32 $0x2710, s0  }
0x6: {  	s9 =	sadd.s32 $0x2E600, s5;
	s0 =	smul.u32 $0xC800, s18;
	s7 =	sor.u32 $0x50, s2  }
0x7: {  	s8 =	ssub.s32 $0x2, s1;
	s11 =	sadd.s32 $0xA0, s2;
	s1 =	smul.u32 $0x50, s7  }
0x8: {  	s10 =	sshrl.u32 s8, $0x1;
	s18 =	sadd.s32 $0x25800, s23;
	s2 =	smul.u32 $0x50, s11  }
0x9: {  	s8 =	ssub.s32 s8, s10;
	s22 =	smul.u32 $0x140, s7;
	s12 =	sadd.s32 s6, s0  }
0xa: {  	s4 =	sshrl.u32 s4, $0x3;
	s25 =	smax.u32 s8, $0x1;
	s8 =	sadd.s32 $0x19000, s23  }
0xb: {  	s13 =	sadd.s32 s6, s1;
	s28 =	sshrl.u32 s12, $0x3;
	s14 =	sadd.s32 s6, s2  }
0xc: {  	s12 =	sadd.s32 $0x4B00, s0;
	s4 =	sadd.s32 s4, s5;
	s26 =	sshrl.u32 s22, $0x2  }
0xd: {  	s1 =	sadd.s32 s1, s3;
	s2 =	sadd.s32 s2, s3;
	s29 =	sshrl.u32 s13, $0x3  }
0xe: {  	s10 =	sadd.s32 s9, s28;
	s15 =	sadd.s32 s6, s12;
	s24 =	sadd.s32 $0x1AC00, s4  }
0xf: {  	s4 =	sadd.s32 $0x24840, s4;
	s28 =	smul.u32 $0x140, s11;
	s11 =	sadd.s32 $0x1F400, s23  }
0x10: {  	[dreg:$0x4] =	wrdreg s10;
	s13 =	sadd.s32 s9, s29;
	s10 =	sshrl.u32 s14, $0x3  }
0x11: {  	s14 =	sadd.s32 $0x6400, s0;
	s29 =	sshrl.u32 s23, $0x2;
	[dreg:$0x5] =	wrdreg s13  }
0x12: {  	s10 =	sadd.s32 s9, s10;
	s16 =	sadd.s32 s6, s14;
	s7 =	sadd.s32 s29, s3  }
0x13: {  	s22 =	sadd.s32 s14, s3;
	s14 =	simm.s32 $0xE420;
	[dreg:$0x6] =	wrdreg s10  }
0x14: {  	s10 =	sshrl.u32 s15, $0x3;
	s13 =	sshrl.u32 s16, $0x3;
	s15 =	sadd.s32 $0x7D00, s0  }
0x15: {  	s16 =	sadd.s32 $0x9600, s0;
	s30 =	sshrl.u32 s22, $0x3;
	s10 =	sadd.s32 s9, s10  }
0x16: {  	s17 =	sadd.s32 s9, s13;
	s19 =	sadd.s32 s6, s15;
	[dreg:$0x7] =	wrdreg s10  }
0x17: {  	s20 =	sadd.s32 s6, s16;
	[dreg:$0x8] =	wrdreg s17;
	s10 =	sshrl.u32 s19, $0x3  }
0x18: {  	s17 =	sadd.s32 $0xAF00, s0;
	s21 =	sshrl.u32 s20, $0x3;
	s0 =	sadd.s32 s0, s3  }
0x19: {  	s10 =	sadd.s32 s9, s10;
	s6 =	sadd.s32 s6, s17;
	s13 =	sadd.s32 s9, s21  }
0x1a: {  	s21 =	sadd.s32 s12, s3;
	s0 =	sshrl.u32 s0, $0x3;
	[dreg:$0x9] =	wrdreg s10  }
0x1b: {  	s6 =	sshrl.u32 s6, $0x3;
	s10 =	simm.s32 $0x0;
	[dreg:$0xa] =	wrdreg s13  }
0x1c: {  	s12 =	simm.s32 $0x9920;
	s6 =	sadd.s32 s9, s6;
	[smem:$0x7FF] =	sst s10  }
0x1d: {  	s13 =	sadd.s32 $0x2400, s5;
	s5 =	sadd.s32 $0x2BC00, s23;
	[dreg:$0xb] =	wrdreg s6  }
0x1e: {  	s29 =	sshrl.u32 s21, $0x3;
	_ =	strace $0x80000047;
	[dreg:$0xc] =	wrdreg s24  }
0x1f: {  	s9 =	sshrl.u32 s8, $0x2;
	s20 =	sshrl.u32 s5, $0x2;
	[dreg:$0xd] =	wrdreg s4  }
0x20: {  	s5 =	simm.s32 $0xB220;
	s8 =	simm.s32 $0x4E20;
	[dreg:$0xe] =	wrdreg s25  }
0x21: {  	s6 =	sshrl.u32 s28, $0x2;
	s28 =	sshrl.u32 s2, $0x3;
	[dreg:$0xf] =	wrdreg s7  }
0x22: {  	s4 =	sadd.s32 s26, s3;
	s7 =	sadd.s32 $0x12C00, s23;
	s6 =	sadd.s32 s6, s3  }
0x23: {  	s23 =	sadd.s32 s15, s3;
	s24 =	sadd.s32 s16, s3;
	[dreg:$0x17] =	wrdreg s0  }
0x24: {  	s25 =	sadd.s32 s17, s3;
	s26 =	sshrl.u32 s1, $0x3;
	[dreg:$0x19] =	wrdreg s28  }
0x25: {  	[dreg:$0x1a] =	wrdreg s29;
	s0 =	simm.s32 $0x2;
	s15 =	simm.s32 $0x3  }
0x26: {  	s16 =	simm.s32 $0xE470;
	s17 =	simm.s32 $0xCB20;
	[dreg:$0x10] =	wrdreg s4  }
0x27: {  	s4 =	sshrl.u32 s7, $0x2;
	[dreg:$0x11] =	wrdreg s6;
	s6 =	sshrl.u32 s18, $0x2  }
0x28: {  	[dreg:$0x18] =	wrdreg s26;
	s31 =	sshrl.u32 s23, $0x3;
	s1 =	sshrl.u32 s24, $0x3  }
0x29: {  	s2 =	sshrl.u32 s25, $0x3;
	s24 =	simm.s32 $0x2710;
	s4 =	sadd.s32 s4, s3  }
0x2a: {  	s7 =	simm.s32 $0x50;
	s19 =	sadd.s32 s6, s3;
	[dreg:$0x12] =	wrdreg s4  }
0x2b: {  	s18 =	simm.s32 $0x4;
	s4 =	sadd.s32 s9, s3;
	[dreg:$0x15] =	wrdreg s19  }
0x2c: {  	s6 =	simm.s32 $0x1;
	[dreg:$0x13] =	wrdreg s4;
	s4 =	sshrl.u32 s11, $0x2  }
0x2d: {  	s9 =	simm.s32 $0x8020;
	s19 =	simm.s32 $0x5;
	s4 =	sadd.s32 s4, s3  }
0x2e: {  	s11 =	simm.s32 $0x6720;
	[dreg:$0x14] =	wrdreg s4;
	s4 =	sadd.s32 s20, s3  }
0x2f: {  	v0 =	vimm.f32 $0.0e+00;
	s20 =	simm.s32 $0x0;
	[dreg:$0x16] =	wrdreg s4;
	s4 =	simm.s32 $0x6  }
.LBB2_1:
0x30: {  	s21 =	rddreg [dreg:$0xc]  }
0x31: {  	[tilespmem:s10], [sflag:$0x1] =	stream.linear.gather [hbm4b:s21+s10], $0x2710, $0x38;
	[tilespmem:$0x1AD10] =	vst v63  }
0x32: {  	s28 =	rddreg [dreg:$0xd]  }
0x33: {  	[tilespmem:s24], [sflag:$0x1] =	stream.linear.gather [hbm4b:s28+s10], $0x2710, $0x38;
	[tilespmem:$0x1AD10] =	vst v63  }
0x34: {  	s29 =	rddreg [dreg:$0x1];
	s22 =	simm.s32 $0xE4C0  }
0x35: {  	[tilespmem:s22], [sflag:$0x6] =	stream.linear.gather [hbm4b:s29+s10], $0x50, $0x38;
	[tilespmem:$0x1AD10] =	vst v63  }
0x36: {  	_ =	swait.ge [sflag:s4], $0x50  }
0x37: {  	[sflag:s4] =	ssyncset.done $0x0  }
0x38: {  	s21 =	simm.s32 $0x40;
	s22 =	simm.s32 $0x240;
	[sflag:s4] =	ssyncadd.s32 $0xFFFFFFB0  }
.LBB2_2:
0x39: {  	p0 =	sne.s32 s22, $0x63C0;
	[tilespmem:s21+$0xB220] =	vst v0;
	s23 =	smov.u32 s22;
	s22 =	sadd.s32 $0x140, s22  }
.Ltmp0:
0x3a: {  	[tilespmem:s21+$0xB210] =	vst v0;
	(pc) =	sbr.rel @p0 .LBB2_2-.Ltmp0, $4  }
0x3b: {  	[tilespmem:s21+$0xB200] =	vst v0  }
0x3c: {  	[tilespmem:s21+$0xB1E0] =	vst v0  }
0x3d: {  	[tilespmem:s21+$0xB1F0] =	vst v0  }
0x3e: {  	s21 =	sshra.s32 s23, $0x2  }
0x3f: {  	[tilespmem:s21+$0xB220] =	vst v0  }
0x40: {  	[tilespmem:s21+$0xB210] =	vst v0  }
0x41: {  	[tilespmem:s21+$0xB200] =	vst v0  }
0x42: {  	[tilespmem:s21+$0xB1E0] =	vst v0  }
0x43: {  	[tilespmem:s21+$0xB1F0] =	vst v0;
	s22 =	simm.s32 $0x240;
	s21 =	simm.s32 $0x40  }
.LBB2_4:
0x44: {  	p0 =	sne.s32 s22, $0x63C0;
	[tilespmem:s21+$0xCB20] =	vst v0;
	s23 =	smov.u32 s22;
	s22 =	sadd.s32 $0x140, s22  }
.Ltmp1:
0x45: {  	[tilespmem:s21+$0xCB10] =	vst v0;
	(pc) =	sbr.rel @p0 .LBB2_4-.Ltmp1, $4  }
0x46: {  	[tilespmem:s21+$0xCB00] =	vst v0  }
0x47: {  	[tilespmem:s21+$0xCAE0] =	vst v0  }
0x48: {  	[tilespmem:s21+$0xCAF0] =	vst v0  }
0x49: {  	s21 =	sshra.s32 s23, $0x2  }
0x4a: {  	[tilespmem:s21+$0xCB20] =	vst v0  }
0x4b: {  	[tilespmem:s21+$0xCB10] =	vst v0  }
0x4c: {  	[tilespmem:s21+$0xCB00] =	vst v0  }
0x4d: {  	[tilespmem:s21+$0xCAE0] =	vst v0  }
0x4e: {  	[tilespmem:s21+$0xCAF0] =	vst v0;
	s28 =	rddreg [dreg:$0xf]  }
0x4f: {  	[spmem:s28] =	stream.linear.scatter [tilespmem:s5], [sflag:$0x6], $0x1900, $0x38;
	[tilespmem:$0x1AD10] =	vst v63  }
0x50: {  	_ =	swait.ge [sflag:s4], $0x1900  }
0x51: {  	[sflag:s4] =	ssyncset.done $0x0  }
0x52: {  	s29 =	rddreg [dreg:$0x10];
	[sflag:s4] =	ssyncadd.s32 $0xFFFFE700  }
0x53: {  	[spmem:s29] =	stream.linear.scatter [tilespmem:s5], [sflag:$0x6], $0x1900, $0x38;
	[tilespmem:$0x1AD10] =	vst v63  }
0x54: {  	_ =	swait.ge [sflag:s4], $0x1900  }
0x55: {  	[sflag:s4] =	ssyncset.done $0x0  }
0x56: {  	s22 =	rddreg [dreg:$0x11];
	[sflag:s4] =	ssyncadd.s32 $0xFFFFE700  }
0x57: {  	[spmem:s22] =	stream.linear.scatter [tilespmem:s5], [sflag:$0x6], $0x1900, $0x38;
	[tilespmem:$0x1AD10] =	vst v63  }
0x58: {  	_ =	swait.ge [sflag:s4], $0x1900  }
0x59: {  	[sflag:s4] =	ssyncset.done $0x0  }
0x5a: {  	s23 =	rddreg [dreg:$0x12];
	[sflag:s4] =	ssyncadd.s32 $0xFFFFE700  }
0x5b: {  	[spmem:s23] =	stream.linear.scatter [tilespmem:s5], [sflag:$0x6], $0x1900, $0x38;
	[tilespmem:$0x1AD10] =	vst v63  }
0x5c: {  	_ =	swait.ge [sflag:s4], $0x1900  }
0x5d: {  	[sflag:s4] =	ssyncset.done $0x0  }
0x5e: {  	s25 =	rddreg [dreg:$0x13];
	[sflag:s4] =	ssyncadd.s32 $0xFFFFE700  }
0x5f: {  	[spmem:s25] =	stream.linear.scatter [tilespmem:s5], [sflag:$0x6], $0x1900, $0x38;
	[tilespmem:$0x1AD10] =	vst v63  }
0x60: {  	_ =	swait.ge [sflag:s4], $0x1900  }
0x61: {  	[sflag:s4] =	ssyncset.done $0x0  }
0x62: {  	s26 =	rddreg [dreg:$0x14];
	[sflag:s4] =	ssyncadd.s32 $0xFFFFE700  }
0x63: {  	[spmem:s26] =	stream.linear.scatter [tilespmem:s5], [sflag:$0x6], $0x1900, $0x38;
	[tilespmem:$0x1AD10] =	vst v63  }
0x64: {  	_ =	swait.ge [sflag:s4], $0x1900  }
0x65: {  	[sflag:s4] =	ssyncset.done $0x0  }
0x66: {  	s28 =	rddreg [dreg:$0x15];
	[sflag:s4] =	ssyncadd.s32 $0xFFFFE700  }
0x67: {  	[spmem:s28] =	stream.linear.scatter [tilespmem:s5], [sflag:$0x6], $0x1900, $0x38;
	[tilespmem:$0x1AD10] =	vst v63  }
0x68: {  	_ =	swait.ge [sflag:s4], $0x1900  }
0x69: {  	[sflag:s4] =	ssyncset.done $0x0  }
0x6a: {  	s29 =	rddreg [dreg:$0x16];
	[sflag:s4] =	ssyncadd.s32 $0xFFFFE700  }
0x6b: {  	[spmem:s29] =	stream.linear.scatter [tilespmem:s5], [sflag:$0x6], $0x1900, $0x38;
	[tilespmem:$0x1AD10] =	vst v63  }
0x6c: {  	_ =	swait.ge [sflag:s4], $0x1900  }
0x6d: {  	[sflag:s4] =	ssyncset.done $0x0  }
0x6e: {  	[sflag:s4] =	ssyncadd.s32 $0xFFFFE700  }
0x6f: {  	_ =	swait.ge [sflag:s6], $0x2710  }
0x70: {  	[sflag:s6] =	ssyncset.done $0x0  }
0x71: {  	[sflag:s6] =	ssyncadd.s32 $0xFFFFD8F0  }
0x72: {  	_ =	swait.ge [sflag:s6], $0x2710  }
0x73: {  	[sflag:s6] =	ssyncset.done $0x0  }
0x74: {  	[sflag:s6] =	ssyncadd.s32 $0xFFFFD8F0  }
0x75: {  	[bflag:$0x0] =	sbarrier.arrive $0xFFFF  }
0x76: {  	v54 =	vld [tilespmem:$0xE4C0]  }
0x77: {  	v41 =	vld [tilespmem:$0xE4D0]  }
0x78: {  	v49 =	vld [tilespmem:$0xE4E0]  }
0x79: {  	s21 =	simm.s32 $0x0;
	v8 =	vld [tilespmem:$0xE4F0]  }
0x7a: {  	v7 =	vld [tilespmem:$0xE500];
	[tilespmem:s8], [sflag:$0x2] =	stream.indirect.gather [hbm4b:s13+s7], $0x50, s21, s7, $0xb8  }
0x7b: {  	_ = 	snop  }
0x7c: {  	[tilespmem:s9], [sflag:$0x2] =	stream.indirect.gather [hbm4b:s13+s7], $0x50, s24, s7, $0xb8;
	[tilespmem:$0x1AD10] =	vst v63  }
0x7d: {  	_ = 	snop  }
0x7e: {  	[tilespmem:s11], [sflag:$0x3] =	stream.indirect.gather [hbm4b:s13+s7], $0x50, s7, s7, $0xb8;
	[tilespmem:$0x1AD10] =	vst v63  }
0x7f: {  	[tilespmem:$0x1FFB0] =	vst v41  }
0x80: {  	[tilespmem:$0x1FFC0] =	vst v7  }
0x81: {  	[tilespmem:$0x1FFD0] =	vst v54  }
0x82: {  	[tilespmem:$0x1FFE0] =	vst v49  }
0x83: {  	s22 =	simm.s32 $0x2760;
	[tilespmem:$0x1FFF0] =	vst v8  }
0x84: {  	[tilespmem:s12], [sflag:$0x3] =	stream.indirect.gather [hbm4b:s13+s7], $0x50, s22, s7, $0xb8;
	[tilespmem:$0x1AD10] =	vst v63  }
.LBB2_6:
0x85: {  	p0 =	seq.s32 s21, $0x0  }
0x86: {  	s22 =	simm.s32 @!p0 $0x4  }
0x87: {  	_ =	swait.ge @!p0 [sflag:s22], $0x1900  }
0x88: {  	[sflag:s22] =	ssyncset.done @!p0 $0x0  }
0x89: {  	[sflag:s22] =	ssyncadd.s32 @!p0 $0xFFFFE700  }
0x8a: {  	_ =	swait.ge [sflag:s0], $0x1900  }
0x8b: {  	[sflag:s0] =	ssyncset.done $0x0  }
0x8c: {  	[sflag:s0] =	ssyncadd.s32 $0xFFFFE700  }
0x8d: {  	s24 =	smul.u32 $0x280, s21;
	_ =	swait.ge [sflag:s0], $0x1900  }
0x8e: {  	[sflag:s0] =	ssyncset.done $0x0  }
0x8f: {  	s22 =	sshra.s32 s24, $0x2;
	[sflag:s0] =	ssyncadd.s32 $0xFFFFE700  }
0x90: {  	v0 =	vld [tilespmem:s22+$0x2710];
	_ =	sdelay $0x4  }
0x91: {  	[tilespmem:$0xE420] =	vst v0  }
0x92: {  	v0 =	vld [tilespmem:s22+$0x2720];
	_ =	sdelay $0x4  }
0x93: {  	[tilespmem:$0xE430] =	vst v0  }
0x94: {  	v0 =	vld [tilespmem:s22+$0x2730];
	_ =	sdelay $0x4  }
0x95: {  	[tilespmem:$0xE440] =	vst v0  }
0x96: {  	v0 =	vld [tilespmem:s22+$0x2740];
	_ =	sdelay $0x4  }
0x97: {  	[tilespmem:$0xE450] =	vst v0  }
0x98: {  	v0 =	vld [tilespmem:s22+$0x2750];
	_ =	sdelay $0x4  }
0x99: {  	s24 =	simm.s32 $0x4EC0;
	[tilespmem:$0xE460] =	vst v0  }
0x9a: {  	s23 =	simm.s32 $0x80C0;
	v18 =	vld [tilespmem:s24+$0x60]  }
0x9b: {  	v0 =	vld [tilespmem:s23+$0x30]  }
0x9c: {  	v1 =	vld [tilespmem:s23+$0xFFFFFF70]  }
0x9d: {  	v2 =	vld [tilespmem:s23+$0xFFFFFFC0]  }
0x9e: {  	v19 =	vld [tilespmem:s24+$0xFFFFFF60]  }
0x9f: {  	v3 =	vld [tilespmem:s23+$0x60];
	[tilespmem:$0x1FF80] =	vst v18  }
0xa0: {  	v9 =	vld [tilespmem:s23+$0x50]  }
0xa1: {  	v22 =	vld [tilespmem:s24+$0x50]  }
0xa2: {  	v10 =	vld [tilespmem:s23+$0x10]  }
0xa3: {  	v5 =	vld [tilespmem:s24+$0x10]  }
0xa4: {  	v11 =	vld [tilespmem:s23+$0x0]  }
0xa5: {  	v6 =	vld [tilespmem:s24+$0x0]  }
0xa6: {  	v38 =	vld [tilespmem:s24+$0x70]  }
0xa7: {  	v12 =	vld [tilespmem:s23+$0xFFFFFFB0]  }
0xa8: {  	v20 =	vld [tilespmem:s24+$0xFFFFFFB0]  }
0xa9: {  	v13 =	vld [tilespmem:s23+$0xFFFFFF60]  }
0xaa: {  	v42 =	vld [tilespmem:s24+$0xFFFFFFC0]  }
0xab: {  	v33 =	vld [tilespmem:s24+$0xFFFFFF70];
	[tilespmem:$0x1FF90] =	vst v38  }
0xac: {  	v35 =	vld [tilespmem:s24+$0xFFFFFFD0]  }
0xad: {  	v14 =	vld [tilespmem:s23+$0x80]  }
0xae: {  	v15 =	vld [tilespmem:s23+$0xFFFFFF90]  }
0xaf: {  	v16 =	vld [tilespmem:s23+$0xFFFFFFD0]  }
0xb0: {  	v17 =	vld [tilespmem:s23+$0x20]  }
0xb1: {  	v4 =	vld [tilespmem:s24+$0x20];
	[tilespmem:$0x1FF60] =	vst v35  }
0xb2: {  	v3 =	vadd.f32 v3, v18;
	v18 =	vld [tilespmem:s23+$0xFFFFFF80]  }
0xb3: {  	v34 =	vld [tilespmem:s23+$0xFFFFFFE0];
	[tilespmem:$0x1FEE0] =	vst v6  }
0xb4: {  	v56 =	vld [tilespmem:s24+$0xFFFFFFE0];
	_ =	sdelay $0x2  }
0xb5: {  	v12 =	vadd.f32 v12, v20;
	[tilespmem:$0x1FEF0] =	vst v5  }
0xb6: {  	[tilespmem:$0x1FF00] =	vst v19  }
0xb7: {  	v29 =	vmul.f32 $2.000000030e-01, v12;
	[tilespmem:$0x1FF70] =	vst v56  }
0xb8: {  	v25 =	vmul.f32 $2.000000030e-01, v3;
	v21 =	vmovc v22;
	v9 =	vadd.f32 v9, v22;
	v13 =	vadd.f32 v13, v19;
	v22 =	vld [tilespmem:s24+$0x90]  }
0xb9: {  	v11 =	vadd.f32 v11, v6;
	v10 =	vadd.f32 v10, v5;
	v12 =	vmax.f32 v12, v29;
	v5 =	vld [tilespmem:s24+$0xFFFFFF80]  }
0xba: {  	v3 =	vmax.f32 v3, v25;
	v32 =	vmul.f32 $2.000000030e-01, v13;
	v12 =	vmul.f32 v12, v54;
	v30 =	vld [tilespmem:s23+$0x70]  }
0xbb: {  	v3 =	vmul.f32 v3, v41;
	v28 =	vmul.f32 $2.000000030e-01, v11;
	v27 =	vld [tilespmem:s24+$0xFFFFFF90]  }
0xbc: {  	v2 =	vadd.f32 v2, v42;
	v26 =	vmul.f32 $2.000000030e-01, v9;
	v13 =	vmax.f32 v13, v32;
	v31 =	vld [tilespmem:s24+$0x80]  }
0xbd: {  	v25 =	vmul.f32 $2.000000030e-01, v10;
	v11 =	vmax.f32 v11, v28;
	v13 =	vmul.f32 v13, v54;
	v28 =	vld [tilespmem:s23+$0x90];
	[tilespmem:$0x1FFA0] =	vst v22  }
0xbe: {  	v9 =	vmax.f32 v9, v26;
	v29 =	vmul.f32 $2.000000030e-01, v2;
	v26 =	vadd.f32 $0.0e+00, v12;
	v12 =	vmovc v4;
	v4 =	vld [tilespmem:s24+$0x30]  }
0xbf: {  	v1 =	vadd.f32 v1, v33;
	v11 =	vmul.f32 v11, v54;
	v24 =	vadd.f32 $0.0e+00, v13;
	v13 =	vld [tilespmem:s24+$0x40]  }
0xc0: {  	v10 =	vmax.f32 v10, v25;
	v9 =	vmul.f32 v9, v54;
	v2 =	vmax.f32 v2, v29;
	v29 =	vld [tilespmem:s23+$0x40]  }
0xc1: {  	v10 =	vmul.f32 v10, v41;
	v57 =	vadd.f32 v16, v35;
	v11 =	vadd.f32 $0.0e+00, v11;
	v58 =	vld [tilespmem:s23+$0xFFFFFFF0]  }
0xc2: {  	v23 =	vmovc v33;
	v16 =	vmul.f32 $2.000000030e-01, v1;
	v2 =	vmul.f32 v2, v41;
	v37 =	vadd.f32 $0.0e+00, v9;
	v33 =	vld [tilespmem:s24+$0xFFFFFFA0]  }
0xc3: {  	v40 =	vmul.f32 $2.000000030e-01, v57;
	v10 =	vadd.f32 v10, v11;
	v17 =	vadd.f32 v17, v12;
	v50 =	vld [tilespmem:s24+$0xFFFFFFF0]  }
0xc4: {  	s25 =	simm.s32 $0x8200;
	v1 =	vmax.f32 v1, v16;
	v2 =	vadd.f32 v2, v26;
	v3 =	vadd.f32 v3, v37;
	v60 =	vld [tilespmem:s23+$0xFFFFFFA0]  }
0xc5: {  	v36 =	vmul.f32 $2.000000030e-01, v17;
	v19 =	vadd.f32 v34, v56;
	v59 =	vadd.f32 v30, v38;
	v34 =	vld [tilespmem:s25+$0x30]  }
0xc6: {  	v1 =	vmul.f32 v1, v41;
	v16 =	vadd.f32 v18, v5;
	v14 =	vadd.f32 v14, v31;
	v45 =	vld [tilespmem:s25+$0xFFFFFF70]  }
0xc7: {  	s26 =	simm.s32 $0x5000;
	v30 =	vadd.f32 v15, v27;
	v15 =	vmax.f32 v17, v36;
	v62 =	vadd.f32 v28, v22;
	v28 =	vld [tilespmem:s25+$0xFFFFFFC0];
	[tilespmem:$0x1FF10] =	vst v4  }
0xc8: {  	v25 =	vmovc v5;
	v61 =	vmul.f32 $2.000000030e-01, v59;
	v5 =	vmul.f32 $2.000000030e-01, v14;
	v0 =	vadd.f32 v0, v4;
	v4 =	vld [tilespmem:s26+$0xFFFFFF60]  }
0xc9: {  	v1 =	vadd.f32 v1, v24;
	v46 =	vmul.f32 v15, v49;
	v63 =	vmul.f32 $2.000000030e-01, v16;
	v26 =	vld [tilespmem:s25+$0x60]  }
0xca: {  	v43 =	vmul.f32 $2.000000030e-01, v19;
	v9 =	vmax.f32 v59, v61;
	v14 =	vmax.f32 v14, v5;
	v5 =	vld [tilespmem:s26+$0x60]  }
0xcb: {  	v37 =	vadd.f32 v46, v10;
	v16 =	vmax.f32 v16, v63;
	v17 =	vmul.f32 v9, v49;
	v15 =	vld [tilespmem:s25+$0x50]  }
0xcc: {  	v9 =	vmul.f32 $2.000000030e-01, v62;
	v14 =	vmul.f32 v14, v8;
	v29 =	vadd.f32 v29, v13;
	v18 =	vld [tilespmem:s26+$0x50]  }
0xcd: {  	v36 =	vmul.f32 v16, v49;
	v35 =	vadd.f32 v58, v50;
	v3 =	vadd.f32 v17, v3;
	v48 =	vld [tilespmem:s25+$0x10]  }
0xce: {  	v51 =	vadd.f32 v60, v33;
	v17 =	vmul.f32 $2.000000030e-01, v30;
	v11 =	vmax.f32 v62, v9;
	v52 =	vld [tilespmem:s25+$0x0]  }
0xcf: {  	v55 =	vld [tilespmem:s26+$0x0];
	v11 =	vmul.f32 v11, v7;
	v3 =	vadd.f32 v14, v3;
	v14 =	vmax.f32 v57, v40  }
0xd0: {  	v1 =	vadd.f32 v36, v1;
	v60 =	vld [tilespmem:s26+$0xFFFFFFB0];
	v47 =	vmul.f32 $2.000000030e-01, v0;
	v14 =	vmul.f32 v14, v49  }
0xd1: {  	v61 =	vld [tilespmem:s25+$0xFFFFFF60];
	v53 =	vmul.f32 $2.000000030e-01, v29;
	v56 =	vmul.f32 $2.000000030e-01, v35;
	v57 =	vmax.f32 v19, v43  }
0xd2: {  	v17 =	vmax.f32 v30, v17;
	v59 =	vmul.f32 v57, v8;
	v16 =	vmovc v5;
	v5 =	vld [tilespmem:s26+$0x10];
	v2 =	vadd.f32 v14, v2  }
0xd3: {  	v62 =	vld [tilespmem:s26+$0xFFFFFFC0];
	v58 =	vmul.f32 $2.000000030e-01, v51;
	v17 =	vmul.f32 v17, v8;
	v30 =	vmax.f32 v35, v56  }
0xd4: {  	v0 =	vmax.f32 v0, v47;
	v47 =	vld [tilespmem:s25+$0x80];
	v30 =	vmul.f32 v30, v7;
	v2 =	vadd.f32 v59, v2  }
0xd5: {  	v29 =	vmax.f32 v29, v53;
	v3 =	vadd.f32 v11, v3;
	v11 =	vld [tilespmem:s26+$0x70];
	v1 =	vadd.f32 v17, v1  }
0xd6: {  	v0 =	vmul.f32 v0, v8;
	v17 =	vld [tilespmem:s26+$0xFFFFFF70];
	v63 =	vadd.f32 v15, v18;
	v2 =	vadd.f32 v30, v2  }
0xd7: {  	v32 =	vadd.f32 v52, v55;
	(xrf2) =	vadd.scan.msk.f32 $0xffff, v3;
	v3 =	vld [tilespmem:s25+$0xFFFFFFB0];
	v26 =	vadd.f32 v26, v16;
	[tilespmem:$0x1FF20] =	vst v5  }
0xd8: {  	v14 =	vmovc v4;
	v4 =	vmax.f32 v51, v58;
	v57 =	vmul.f32 $2.000000030e-01, v63;
	(xrf2) =	vadd.scan.msk.f32 $0xffff, v2;
	v2 =	vld [tilespmem:s25+$0xFFFFFF90];
	[tilespmem:$0x1FF30] =	vst v55  }
0xd9: {  	v0 =	vadd.f32 v0, v37;
	v59 =	vmul.f32 $2.000000030e-01, v32;
	v4 =	vmul.f32 v4, v7;
	[tilespmem:$0x1FF40] =	vst v60  }
0xda: {  	v56 =	vmul.f32 $2.000000030e-01, v26;
	v35 =	vadd.f32 v61, v14;
	v61 =	vadd.f32 v28, v62;
	v58 =	vld [tilespmem:s25+$0xFFFFFFD0]  }
0xdb: {  	v36 =	vmax.f32 v63, v57;
	v32 =	vmax.f32 v32, v59;
	v30 =	vadd.f32 v48, v5;
	v51 =	vld [tilespmem:s25+$0x20]  }
0xdc: {  	v53 =	vmul.f32 $2.000000030e-01, v35;
	v28 =	vmul.f32 v32, v54;
	v3 =	vadd.f32 v3, v60;
	v5 =	vld [tilespmem:s26+$0x20]  }
0xdd: {  	v1 =	vadd.f32 v4, v1;
	v4 =	vmax.f32 v26, v56;
	v26 =	vmul.f32 v29, v7;
	v32 =	vld [tilespmem:s26+$0xFFFFFFE0]  }
0xde: {  	v24 =	vmovc v62;
	v62 =	vmax.f32 v35, v53;
	v35 =	vadd.f32 $0.0e+00, v28;
	v28 =	vld [tilespmem:s26+$0xFFFFFF80];
	v52 =	vmul.f32 $2.000000030e-01, v3  }
0xdf: {  	v63 =	vmul.f32 v36, v54;
	v9 =	vadd.f32 v45, v17;
	v46 =	vmul.f32 $2.000000030e-01, v30;
	v6 =	vld [tilespmem:s25+$0x70]  }
0xe0: {  	v44 =	vadd.f32 v26, v0;
	v26 =	vmul.f32 $2.000000030e-01, v61;
	v3 =	vmax.f32 v3, v52;
	v52 =	vld [tilespmem:s25+$0xFFFFFF80]  }
0xe1: {  	v48 =	vmul.f32 v4, v41;
	v0 =	vmul.f32 v62, v54;
	v30 =	vmax.f32 v30, v46;
	v29, _, _ =	vpop (xrf2);
	(xrf2) =	vadd.scan.msk.f32 $0xffff, v1;
	v1 =	vld [tilespmem:s25+$0xFFFFFFE0]  }
0xe2: {  	v26 =	vmax.f32 v61, v26;
	v46 =	vadd.f32 $0.0e+00, v63;
	v60 =	vmul.f32 $1.442695020e+00, v29;
	v29 =	vld [tilespmem:s26+$0xFFFFFFD0];
	[tilespmem:$0x1FF50] =	vst v5  }
0xe3: {  	v0 =	vadd.f32 $0.0e+00, v0;
	v10 =	vmul.f32 v30, v41;
	v3 =	vmul.f32 v3, v54;
	v40 =	vld [tilespmem:s25+$0x90]  }
0xe4: {  	v55 =	vmul.f32 v26, v41;
	v51 =	vadd.f32 v51, v5;
	v53 =	vadd.f32 v6, v11;
	v30 =	vld [tilespmem:s26+$0x90]  }
0xe5: {  	v45 =	vadd.f32 v10, v35;
	v3 =	vadd.f32 $0.0e+00, v3;
	v36 =	vld [tilespmem:s26+$0xFFFFFF90];
	v59 =	vbroadcast v60, $0xF  }
0xe6: {  	v37 =	vld [tilespmem:s26+$0x80];
	v60 =	vmul.f32 $2.000000030e-01, v9;
	v63 =	vmul.f32 $2.000000030e-01, v53;
	v52 =	vadd.f32 v52, v28;
	v26, _, _ =	vpop (xrf2)  }
0xe7: {  	v39 =	vadd.f32 v55, v3;
	v38 =	vadd.f32 v1, v32;
	v57 =	vmul.f32 $1.442695020e+00, v26;
	v26 =	vld [tilespmem:s26+$0x30]  }
0xe8: {  	v6 =	vmax.f32 v9, v60;
	v10 =	vmax.f32 v53, v63;
	v56 =	vadd.f32 v58, v29  }
0xe9: {  	v58 =	vmul.f32 $2.000000030e-01, v51;
	v62 =	vmul.f32 v6, v41;
	v40 =	vadd.f32 v40, v30  }
0xea: {  	v22 =	vmovc v11;
	v11 =	vmul.f32 $2.000000030e-01, v52;
	v2 =	vadd.f32 v2, v36;
	v57 =	vbroadcast v57, $0xF  }
0xeb: {  	v43 =	vadd.f32 v47, v37;
	v47 =	vld [tilespmem:s26+$0xFFFFFFA0];
	v1 =	vadd.f32 v62, v0;
	v6 =	vmul.f32 $2.000000030e-01, v40  }
0xec: {  	v62 =	vld [tilespmem:s25+$0xFFFFFFF0];
	v63 =	vmul.f32 $2.000000030e-01, v2;
	(erf) = vpow2.f32 v57;
	v57 =	vadd.f32 v34, v26  }
0xed: {  	v34 =	vmul.f32 v10, v49;
	v55 =	vmax.f32 v40, v6;
	v10 =	vmax.f32 v52, v11;
	v40 =	vld [tilespmem:s26+$0xFFFFFFF0]  }
0xee: {  	v51 =	vmax.f32 v51, v58;
	v0 =	vld [tilespmem:s25+$0xFFFFFFA0];
	v58 =	vmul.f32 v10, v49  }
0xef: {  	v46 =	vadd.f32 v48, v46;
	v2 =	vmax.f32 v2, v63  }
0xf0: {  	v11 =	vmul.f32 $2.000000030e-01, v43;
	v2 =	vmul.f32 v2, v8;
	v1 =	vadd.f32 v58, v1  }
0xf1: {  	v60 =	vmul.f32 $2.000000030e-01, v38;
	v34 =	vadd.f32 v34, v46  }
0xf2: {  	v43 =	vmax.f32 v43, v11;
	v58 =	vadd.f32 v62, v40;
	v62 =	vadd.f32 v2, v1;
	v1 =	vld [tilespmem:$0x1FF60]  }
0xf3: {  	v53 =	vld [tilespmem:s25+$0x40];
	s25 =	simm.s32 $0x8340;
	v3 =	vmul.f32 $2.000000030e-01, v57;
	v0 =	vadd.f32 v0, v47;
	v52 =	vmul.f32 v43, v8  }
0xf4: {  	s28 =	simm.s32 $0x5140;
	v61 =	vmul.f32 $2.000000030e-01, v56;
	(erf) = vpow2.f32 v59;
	v59 =	vld [tilespmem:s25+$0x60]  }
0xf5: {  	v52 =	vadd.f32 v52, v34;
	v34 =	vld [tilespmem:s28+$0x60];
	v2 =	vmax.f32 v57, v3;
	v3 =	vmul.f32 $2.000000030e-01, v0;
	v48 =	vpop (erf)  }
0xf6: {  	v35 =	vld [tilespmem:s26+$0x40];
	v38 =	vmax.f32 v38, v60;
	v56 =	vmax.f32 v56, v61;
	v42 =	vmul.f32 v48, v42  }
0xf7: {  	v60 =	vld [tilespmem:s25+$0x50];
	v9, _, _ =	vpop (xrf2);
	v56 =	vmul.f32 v56, v49;
	s26 =	simm.s32 $0xB2C0;
	v0 =	vmax.f32 v0, v3;
	v57 =	vmul.f32 v48, v1  }
0xf8: {  	v4 =	vmov v41;
	v41 =	vmul.f32 $1.442695020e+00, v9;
	v0 =	vmul.f32 v0, v7;
	v1 =	vld [tilespmem:$0x1FF70];
	[tilespmem:s26+$0xFFFFFFC0] =	vst v42  }
0xf9: {  	v9 =	vmul.f32 v51, v49;
	v51 =	vld [tilespmem:s25+$0xFFFFFF70];
	v39 =	vadd.f32 v56, v39;
	v56 =	vmul.f32 v38, v8;
	[tilespmem:s26+$0xFFFFFFD0] =	vst v57  }
0xfa: {  	v63 =	vmul.f32 v48, v50;
	v50 =	vadd.f32 v59, v34;
	v59 =	vadd.f32 v0, v62;
	v0 =	vld [tilespmem:$0x1FF80]  }
0xfb: {  	v5 =	vadd.f32 v9, v45;
	v45 =	vld [tilespmem:s25+$0x30]  }
0xfc: {  	v55 =	vmul.f32 v55, v7;
	v9 =	vadd.f32 v53, v35;
	v53 =	vld [tilespmem:s25+$0xFFFFFFC0]  }
0xfd: {  	v46 =	vld [tilespmem:s28+$0x50]  }
0xfe: {  	v38 =	vld [tilespmem:s28+$0x10];
	v61 =	vadd.f32 v56, v39;
	v52 =	vadd.f32 v55, v52;
	v56 =	vpop (erf)  }
0xff: {  	v10 =	vmul.f32 $2.000000030e-01, v9;
	v57 =	vmul.f32 v56, v0;
	v0 =	vld [tilespmem:$0x1FF90]  }
0x100: {  	v41 =	vbroadcast v41, $0xF;
	v39 =	vld [tilespmem:s28+$0x0];
	(xrf2) =	vadd.scan.msk.f32 $0xffff, v52  }
0x101: {  	v6 =	vmax.f32 v9, v10;
	v9 =	vld [tilespmem:s25+$0x0];
	v55 =	vmul.f32 $2.000000030e-01, v58  }
0x102: {  	(erf) = vpow2.f32 v41;
	v52 =	vld [tilespmem:s25+$0x10]  }
0x103: {  	v2 =	vmul.f32 v2, v8;
	v8 =	vld [tilespmem:s25+$0xFFFFFFB0];
	v60 =	vadd.f32 v60, v46;
	v55 =	vmax.f32 v58, v55;
	[tilespmem:s26+$0xFFFFFFF0] =	vst v63  }
0x104: {  	v54 =	vmul.f32 v55, v7;
	v55 =	vmul.f32 v56, v0;
	v0 =	vld [tilespmem:$0x1FFA0]  }
0x105: {  	v11 =	vmul.f32 $2.000000030e-01, v60;
	v42 =	vld [tilespmem:s28+$0xFFFFFFB0]  }
0x106: {  	v43 =	vld [tilespmem:s28+$0xFFFFFF60];
	v3 =	vadd.f32 v2, v5;
	v58 =	vmul.f32 v48, v1;
	v1 =	vmul.f32 $2.000000030e-01, v50  }
0x107: {  	v41 =	vld [tilespmem:s28+$0x70];
	v61 =	vadd.f32 v54, v61;
	v62 =	vadd.f32 v52, v38  }
0x108: {  	(xrf2) =	vadd.scan.msk.f32 $0xffff, v44;
	v44 =	vld [tilespmem:s28+$0xFFFFFFC0];
	v60 =	vmax.f32 v60, v11;
	v10 =	vmax.f32 v50, v1;
	v1 =	vmul.f32 v6, v7  }
0x109: {  	v2 =	vmul.f32 $2.000000030e-01, v62;
	v50 =	vld [tilespmem:s28+$0xFFFFFF70];
	v52 =	vmul.f32 v56, v0;
	v0 =	vadd.f32 v9, v39  }
0x10a: {  	s23 =	simm.s32 $0xB400;
	s24 =	simm.s32 $0xB400;
	v63 =	vld [tilespmem:s25+$0xFFFFFF60];
	v54 =	vmul.f32 v10, v4;
	v49 =	vadd.f32 v1, v3;
	v11, _, _ =	vpop (xrf2);
	v1 =	vadd.f32 v8, v42;
	[tilespmem:s26+$0xFFFFFFE0] =	vst v58  }
0x10b: {  	s29 =	simm.s32 $0x8;
	(xrf2) =	vadd.scan.msk.f32 $0xffff, v61;
	v61 =	vpop (erf);
	[tilespmem:s26+$0x60] =	vst v57;
	v58 =	vld [tilespmem:s25+$0x80];
	v57 =	vmul.f32 $1.442695020e+00, v11;
	v3 =	vmul.f32 $2.000000030e-01, v0  }
.LBB2_7:
0x10c: {  	_ =	sdelay $0x1  }
0x10d: {  	v4 =	vld [tilespmem:s25+$0xFFFFFF90]  }
0x10e: {  	v5 =	vld [tilespmem:s25+$0xFFFFFFD0]  }
0x10f: {  	v6 =	vld [tilespmem:s25+$0x20]  }
0x110: {  	v9 =	vld [tilespmem:$0x1FFD0];
	v19 =	vmovc v16;
	v16 =	vmul.f32 v56, v31;
	v2 =	vmax.f32 v62, v2;
	v63 =	vadd.f32 v63, v43  }
0x111: {  	v7 =	vld [tilespmem:s28+$0x20];
	v11 =	vmul.f32 $2.000000030e-01, v1;
	v0 =	vmax.f32 v0, v3;
	v3 =	vmul.f32 v61, v27;
	v27 =	vmovc v36;
	[tilespmem:s26+$0x70] =	vst v55  }
0x112: {  	v8 =	vld [tilespmem:s25+$0xFFFFFFE0];
	v62 =	vmul.f32 v56, v21;
	[tilespmem:s26+$0x90] =	vst v52;
	v53 =	vadd.f32 v53, v44;
	v36 =	vmul.f32 $2.000000030e-01, v63;
	v31, _, _ =	vpop (xrf2)  }
0x113: {  	v10 =	vmul.f32 v61, v33;
	v56 =	vld [tilespmem:s28+$0xFFFFFFD0];
	[tilespmem:s26+$0x80] =	vst v16;
	(xrf2) =	vadd.scan.msk.f32 $0xffff, v59;
	v55 =	vmul.f32 $1.442695020e+00, v31  }
0x114: {  	v1 =	vmax.f32 v1, v11;
	[tilespmem:s26+$0x50] =	vst v62;
	v11 =	vld [tilespmem:$0x1FFB0];
	v36 =	vmax.f32 v63, v36;
	v63 =	vmul.f32 $2.000000030e-01, v53  }
0x115: {  	v33 =	vmovc v47;
	v21 =	vmov v18;
	v52 =	vld [tilespmem:s25+$0x70];
	v36 =	vmul.f32 v36, v9;
	v47 =	vbroadcast v55, $0xF  }
0x116: {  	v18 =	vmovc v46;
	v16 =	vmovc v35;
	v31 =	vmov v37;
	v37 =	vmul.f32 v61, v25;
	v53 =	vmax.f32 v53, v63;
	v63 =	vld [tilespmem:$0x1FF00]  }
0x117: {  	[tilespmem:s26+$0xFFFFFFA0] =	vst v10;
	v35 =	vld [tilespmem:$0x1FF10];
	v46 =	vadd.f32 $0.0e+00, v36;
	v36 =	vmul.f32 v61, v23;
	v23 =	vmovc v17;
	v17 =	vmovc v50;
	(erf) = vpow2.f32 v47  }
0x118: {  	v48 =	vmul.f32 v48, v20;
	v0 =	vmul.f32 v0, v9;
	v59 =	vld [tilespmem:s25+$0xFFFFFF80];
	[tilespmem:s26+$0xFFFFFF80] =	vst v37;
	v51 =	vadd.f32 v51, v17  }
0x119: {  	v1 =	vmul.f32 v1, v9;
	v25 =	vmov v28;
	v62, _, _ =	vpop (xrf2);
	v28 =	vld [tilespmem:s28+$0xFFFFFF80];
	v47 =	vmul.f32 v53, v11  }
0x11a: {  	v15 =	vmov v43;
	[tilespmem:s26+$0xFFFFFF70] =	vst v36;
	v53 =	vmul.f32 $1.442695020e+00, v62;
	v62 =	vld [tilespmem:s25+$0x90];
	v43 =	vmul.f32 $2.000000030e-01, v51  }
0x11b: {  	v60 =	vmul.f32 v60, v9;
	v36 =	vld [tilespmem:s28+$0xFFFFFF90];
	v50 =	vmul.f32 v61, v63  }
0x11c: {  	v1 =	vadd.f32 $0.0e+00, v1;
	v52 =	vadd.f32 v52, v41;
	v43 =	vmax.f32 v51, v43;
	v51 =	vld [tilespmem:s28+$0x30]  }
0x11d: {  	v6 =	vadd.f32 v6, v7;
	v0 =	vadd.f32 $0.0e+00, v0;
	v2 =	vmul.f32 v2, v11;
	[tilespmem:s26+$0xFFFFFF60] =	vst v50;
	v50 =	vld [tilespmem:s28+$0x90];
	v10, _, _ =	vpop (xrf2)  }
0x11e: {  	[tilespmem:s26+$0xFFFFFF90] =	vst v3;
	v3 =	vmovc v14;
	v1 =	vadd.f32 v47, v1;
	v47 =	vld [tilespmem:$0x1FF50];
	v9 =	vmul.f32 $1.442695020e+00, v10;
	v10 =	vmul.f32 $2.000000030e-01, v52  }
0x11f: {  	v60 =	vadd.f32 $0.0e+00, v60;
	v0 =	vadd.f32 v2, v0;
	v55 =	vld [tilespmem:s28+$0xFFFFFFE0];
	v14 =	vmovc v26;
	[tilespmem:$0x1FF00] =	vst v3;
	v3 =	vmul.f32 $2.000000030e-01, v6  }
0x120: {  	v37 =	vld [tilespmem:s28+$0x80];
	v2 =	vbroadcast v53, $0xF;
	v43 =	vmul.f32 v43, v11;
	v10 =	vmax.f32 v52, v10;
	v20 =	vpop (erf)  }
0x121: {  	v52 =	vadd.f32 v45, v51;
	v26 =	vmovc v51;
	v51 =	vadd.f32 v54, v60;
	v54 =	vmul.f32 v20, v12;
	v12 =	vld [tilespmem:$0x1FEF0]  }
0x122: {  	v53 =	vld [tilespmem:s28+$0x40];
	(erf) = vpow2.f32 v2;
	v2 =	vadd.f32 v43, v46;
	v43 =	vadd.f32 v62, v50  }
0x123: {  	[tilespmem:$0x1FF10] =	vst v14;
	v59 =	vadd.f32 v59, v28;
	v14 =	vmov v47;
	v47 =	vld [tilespmem:s28+$0xFFFFFFA0];
	v62 =	vmul.f32 v20, v13  }
0x124: {  	[tilespmem:s26+$0xFFFFFFB0] =	vst v48;
	v3 =	vmax.f32 v6, v3;
	v45 =	vld [tilespmem:s25+$0x40];
	v6 =	vmul.f32 v20, v35;
	v48 =	vmul.f32 $2.000000030e-01, v43  }
0x125: {  	v58 =	vadd.f32 v58, v37;
	v13 =	vld [tilespmem:$0x1FFE0];
	v35 =	vmul.f32 $2.000000030e-01, v59;
	[tilespmem:s26+$0x40] =	vst v62  }
0x126: {  	v62 =	vld [tilespmem:s25+$0xFFFFFFF0];
	[tilespmem:s26+$0x30] =	vst v6;
	v6 =	vmax.f32 v43, v48;
	v43 =	vmul.f32 v20, v12;
	v12 =	vmov v7  }
0x127: {  	v5 =	vadd.f32 v5, v56;
	v8 =	vadd.f32 v8, v55;
	[tilespmem:$0x1FF50] =	vst v12;
	v12 =	vld [tilespmem:$0x1FEE0]  }
0x128: {  	v4 =	vadd.f32 v4, v36;
	v60 =	vmax.f32 v59, v35;
	v59 =	vld [tilespmem:s28+$0xFFFFFFF0];
	v48 =	vmul.f32 $2.000000030e-01, v58  }
0x129: {  	v57 =	vbroadcast v57, $0xF;
	v61 =	vmul.f32 $2.000000030e-01, v5;
	v35 =	vmov v53;
	v53 =	vld [tilespmem:$0x1FF20]  }
0x12a: {  	v63 =	vmul.f32 $2.000000030e-01, v8;
	v46 =	vmul.f32 $2.000000030e-01, v4;
	[tilespmem:s26+$0x10] =	vst v43;
	v43 =	vmax.f32 v58, v48;
	v58 =	vld [tilespmem:$0x1FFF0]  }
0x12b: {  	v5 =	vmax.f32 v5, v61;
	v9 =	vbroadcast v9, $0xF;
	[tilespmem:s26+$0x20] =	vst v54;
	v54 =	vld [tilespmem:s25+$0xFFFFFFA0];
	v3 =	vmul.f32 v3, v13  }
0x12c: {  	v8 =	vmax.f32 v8, v63;
	v10 =	vmul.f32 v10, v13;
	v20 =	vmul.f32 v20, v12;
	v12 =	vmovc v38;
	v38 =	vld [tilespmem:$0x1FF30]  }
0x12d: {  	v7 =	vmul.f32 v60, v13;
	v0 =	vadd.f32 v3, v0;
	v3 =	vadd.f32 v45, v35;
	[tilespmem:$0x1FF20] =	vst v12;
	v12 =	vld [tilespmem:$0x1FFC0]  }
0x12e: {  	v4 =	vmax.f32 v4, v46;
	v46 =	vld [tilespmem:$0x1FF40];
	s25 =	sadd.s32 $0x140, s25;
	v60 =	vmul.f32 $2.000000030e-01, v52;
	v5 =	vmul.f32 v5, v13  }
0x12f: {  	v2 =	vadd.f32 v7, v2;
	v45 =	vld [tilespmem:s25+$0x30];
	v7 =	vmul.f32 $2.000000030e-01, v3;
	[tilespmem:s26+$0x0] =	vst v20;
	v20 =	vmul.f32 v43, v58;
	v43 =	vmovc v53  }
0x130: {  	s28 =	sadd.s32 $0x140, s28;
	v10 =	vadd.f32 v10, v51;
	v48 =	vpop (erf);
	v51 =	vld [tilespmem:s25+$0xFFFFFF70];
	(erf) = vpow2.f32 v57;
	v57 =	vadd.f32 v62, v59  }
0x131: {  	v54 =	vadd.f32 v54, v47;
	v63 =	vmul.f32 v48, v24;
	v3 =	vmax.f32 v3, v7;
	v7 =	vld [tilespmem:s28+$0x60]  }
0x132: {  	v62 =	vmovc v42;
	v53 =	vld [tilespmem:s25+$0xFFFFFFC0];
	[tilespmem:$0x1FEF0] =	vst v43;
	v10 =	vadd.f32 v20, v10;
	v43 =	vmov v38;
	v6 =	vmul.f32 v6, v12  }
0x133: {  	v61 =	vmax.f32 v52, v60;
	v1 =	vadd.f32 v5, v1;
	[tilespmem:$0x1FF40] =	vst v62;
	(erf) = vpow2.f32 v9;
	s26 =	smov.u32 s24;
	v9 =	vld [tilespmem:s25+$0x0]  }
0x134: {  	v62 =	vmul.f32 v48, v29;
	[tilespmem:s26+$0xFFFFFFC0] =	vst v63;
	v20 =	vmov v46;
	v46 =	vld [tilespmem:s28+$0x50];
	v6 =	vadd.f32 v6, v10  }
0x135: {  	v4 =	vmul.f32 v4, v58;
	v63 =	vmul.f32 v48, v40;
	[tilespmem:$0x1FEE0] =	vst v43;
	v43 =	vmov v39;
	v39 =	vld [tilespmem:s25+$0x60]  }
0x136: {  	v42 =	vmul.f32 $2.000000030e-01, v57;
	v5 =	vmul.f32 v8, v58;
	[tilespmem:s26+$0xFFFFFFD0] =	vst v62;
	v10 =	vld [tilespmem:s25+$0x50];
	(xrf2) =	vadd.scan.msk.f32 $0xffff, v6  }
0x137: {  	v13 =	vmovc v16;
	v8 =	vmul.f32 v61, v58;
	v2 =	vadd.f32 v4, v2;
	v4 =	vmul.f32 $2.000000030e-01, v54;
	v38 =	vld [tilespmem:s28+$0x10];
	[tilespmem:s26+$0xFFFFFFF0] =	vst v63  }
0x138: {  	v16 =	vmovc v34;
	v24 =	vmovc v44;
	v29 =	vmov v56;
	v1 =	vadd.f32 v5, v1;
	v5 =	vmax.f32 v57, v42;
	v57 =	vld [tilespmem:s25+$0xFFFFFFB0]  }
0x139: {  	v60 =	vmul.f32 v48, v32;
	v32 =	vmovc v55;
	v8 =	vadd.f32 v8, v0;
	v4 =	vmax.f32 v54, v4;
	v6 =	vld [tilespmem:s25+$0x10]  }
0x13a: {  	v56 =	vpop (erf);
	v4 =	vmul.f32 v4, v12;
	v5 =	vmul.f32 v5, v12;
	v54 =	vadd.f32 v39, v7;
	v39 =	vld [tilespmem:s28+$0x0]  }
0x13b: {  	s29 =	sadd.s32 $0x4, s29;
	v40 =	vmovc v59;
	v42 =	vld [tilespmem:s28+$0xFFFFFFB0];
	v55 =	vmul.f32 v56, v22;
	v52 =	vmul.f32 v56, v30;
	v10 =	vadd.f32 v10, v46  }
0x13c: {  	p1 =	slt.u32 s29, $0x4C;
	v63 =	vld [tilespmem:s25+$0xFFFFFF60];
	[tilespmem:s26+$0xFFFFFFE0] =	vst v60;
	v3 =	vmul.f32 v3, v12;
	v59 =	vadd.f32 v4, v2;
	v4 =	vmul.f32 v56, v19  }
.Ltmp2:
0x13d: {  	v34 =	vmovc v7;
	v30 =	vmovc v50;
	v12 =	vmov v14;
	v50 =	vld [tilespmem:s28+$0xFFFFFF70];
	[tilespmem:$0x1FF30] =	vst v43;
	v58 =	vmul.f32 $2.000000030e-01, v54;
	v61 =	vmul.f32 $2.000000030e-01, v10;
	(pc) =	sbr.rel @p1 .LBB2_7-.Ltmp2, $4  }
0x13e: {  	v14 =	vmovc v15;
	v22 =	vmov v41;
	v44 =	vld [tilespmem:s28+$0xFFFFFFC0];
	v5 =	vadd.f32 v5, v1;
	[tilespmem:s26+$0x60] =	vst v4;
	v62 =	vadd.f32 v6, v38  }
0x13f: {  	v43 =	vld [tilespmem:s28+$0xFFFFFF60];
	(xrf2) =	vadd.scan.msk.f32 $0xffff, v49;
	v49 =	vadd.f32 v3, v8;
	v58 =	vmax.f32 v54, v58;
	v0 =	vadd.f32 v9, v39  }
0x140: {  	s23 =	sadd.s32 $0x140, s23;
	v41 =	vld [tilespmem:s28+$0x70];
	v1 =	vadd.f32 v57, v42;
	v2 =	vmul.f32 $2.000000030e-01, v62;
	v54 =	vmul.f32 v58, v11;
	v4, _, _ =	vpop (xrf2)  }
0x141: {  	s24 =	smov.u32 s23;
	v60 =	vmax.f32 v10, v61;
	v58 =	vld [tilespmem:s25+$0x80];
	v61 =	vpop (erf);
	v3 =	vmul.f32 $2.000000030e-01, v0;
	(xrf2) =	vadd.scan.msk.f32 $0xffff, v5;
	v57 =	vmul.f32 $1.442695020e+00, v4  }
0x142: {  	v2 =	vmax.f32 v62, v2  }
0x143: {  	[tilespmem:$0x1FDF0] =	vst v2;
	v0 =	vmax.f32 v0, v3  }
0x144: {  	[tilespmem:$0x1FDE0] =	vst v0  }
0x145: {  	v6 =	vmul.f32 $2.000000030e-01, v1;
	v9 =	vmul.f32 v56, v21;
	v21 =	vld [tilespmem:s28+$0x20]  }
0x146: {  	v62 =	vld [tilespmem:$0x1FFD0];
	v4 =	vadd.f32 v63, v43  }
0x147: {  	v2 =	vmax.f32 v1, v6;
	v6 =	vmul.f32 v56, v31  }
0x148: {  	v10 =	vadd.f32 v51, v50;
	v56 =	vmul.f32 v61, v25;
	v25 =	vld [tilespmem:$0x1FFB0];
	v3 =	vmul.f32 $2.000000030e-01, v4;
	_ =	sdelay $0x1  }
0x149: {  	v8 =	vld [tilespmem:s25+$0x20];
	v3 =	vmax.f32 v4, v3;
	v4 =	vmul.f32 $2.000000030e-01, v10;
	[tilespmem:$0x1FE10] =	vst v21  }
0x14a: {  	v5, _, _ =	vpop (xrf2);
	v3 =	vmul.f32 v3, v62;
	v1 =	vld [tilespmem:s28+$0x90]  }
0x14b: {  	v11 =	vmul.f32 v61, v23;
	v23 =	vld [tilespmem:$0x1FFF0];
	v5 =	vmul.f32 $1.442695020e+00, v5;
	v4 =	vmax.f32 v10, v4  }
0x14c: {  	v7 =	vadd.f32 v53, v44;
	v0 =	vld [tilespmem:$0x1FF00];
	v3 =	vadd.f32 $0.0e+00, v3;
	v4 =	vmul.f32 v4, v25  }
0x14d: {  	v51 =	vld [tilespmem:s25+$0x70];
	v5 =	vbroadcast v5, $0xF  }
0x14e: {  	v31 =	vmul.f32 $2.000000030e-01, v7;
	v15 =	vadd.f32 v4, v3;
	v3 =	vld [tilespmem:$0x1FFE0]  }
0x14f: {  	(erf) = vpow2.f32 v5;
	v5 =	vld [tilespmem:s25+$0x90];
	[tilespmem:$0x1FE00] =	vst v1  }
0x150: {  	v7 =	vmax.f32 v7, v31;
	v10 =	vmul.f32 v61, v27;
	v27, _, _ =	vpop (xrf2);
	v31 =	vld [tilespmem:s28+$0x80]  }
0x151: {  	v53 =	vmul.f32 v61, v33;
	v27 =	vmul.f32 $1.442695020e+00, v27;
	v33 =	vld [tilespmem:s25+$0xFFFFFFD0]  }
0x152: {  	v61 =	vmul.f32 v61, v0;
	v51 =	vadd.f32 v51, v41;
	v19 =	vld [tilespmem:s28+$0xFFFFFFD0]  }
0x153: {  	v4 =	vmul.f32 v60, v62;
	v27 =	vbroadcast v27, $0xF;
	v60 =	vld [tilespmem:s25+$0xFFFFFF80]  }
0x154: {  	v8 =	vadd.f32 v8, v21;
	v21 =	vld [tilespmem:s28+$0xFFFFFF80];
	v63 =	vmul.f32 $2.000000030e-01, v51;
	v5 =	vadd.f32 v5, v1  }
0x155: {  	v4 =	vadd.f32 $0.0e+00, v4;
	(erf) = vpow2.f32 v27;
	v27 =	vld [tilespmem:s25+$0xFFFFFFE0];
	v58 =	vadd.f32 v58, v31  }
0x156: {  	v0 =	vmul.f32 $2.000000030e-01, v8;
	[tilespmem:s26+$0xFFFFFFA0] =	vst v53;
	v51 =	vmax.f32 v51, v63;
	v63 =	vld [tilespmem:s28+$0xFFFFFFE0];
	v1 =	vmul.f32 $2.000000030e-01, v5  }
0x157: {  	(xrf2) =	vadd.scan.msk.f32 $0xffff, v59;
	v4 =	vadd.f32 v54, v4;
	v53 =	vld [tilespmem:$0x1FFC0];
	v51 =	vmul.f32 v51, v3;
	v59 =	vmul.f32 $2.000000030e-01, v58  }
0x158: {  	v2 =	vmul.f32 v2, v62;
	v0 =	vmax.f32 v8, v0;
	v1 =	vmax.f32 v5, v1;
	v5 =	vld [tilespmem:s25+$0xFFFFFFF0]  }
0x159: {  	v54 =	vadd.f32 v60, v21;
	v4 =	vadd.f32 v51, v4;
	v51 =	vld [tilespmem:s28+$0xFFFFFFF0];
	v8 =	vmax.f32 v58, v59  }
0x15a: {  	v2 =	vadd.f32 $0.0e+00, v2;
	v58 =	vadd.f32 v33, v19;
	v8 =	vmul.f32 v8, v23  }
0x15b: {  	v7 =	vmul.f32 v7, v25;
	v60 =	vmul.f32 $2.000000030e-01, v54;
	v27 =	vadd.f32 v27, v63  }
0x15c: {  	[tilespmem:s26+$0x70] =	vst v55;
	v1 =	vmul.f32 v1, v53;
	v4 =	vadd.f32 v8, v4;
	v8 =	vmul.f32 $2.000000030e-01, v58  }
0x15d: {  	v2 =	vadd.f32 v7, v2;
	[tilespmem:s26+$0x80] =	vst v6;
	v7 =	vmax.f32 v54, v60;
	v54 =	vmul.f32 $2.000000030e-01, v27  }
0x15e: {  	[tilespmem:s26+$0x50] =	vst v9;
	v58 =	vmax.f32 v58, v8;
	v1 =	vadd.f32 v1, v4;
	v4 =	vadd.f32 v5, v51  }
0x15f: {  	v9 =	vld [tilespmem:$0x1FDE0];
	v6 =	vmul.f32 v58, v3  }
0x160: {  	v59 =	vld [tilespmem:s25+$0xFFFFFF90];
	v8 =	vmax.f32 v27, v54;
	v54 =	vmul.f32 $2.000000030e-01, v4  }
0x161: {  	v8 =	vmul.f32 v8, v23;
	(xrf2) =	vadd.scan.msk.f32 $0xffff, v1;
	v1 =	vld [tilespmem:$0x1FDF0];
	[tilespmem:s26+$0xFFFFFF80] =	vst v56;
	v2 =	vadd.f32 v6, v2  }
0x162: {  	v33 =	vld [tilespmem:s28+$0xFFFFFF90];
	[tilespmem:s26+$0x90] =	vst v52;
	v4 =	vmax.f32 v4, v54  }
0x163: {  	[tilespmem:s26+$0xFFFFFF70] =	vst v11;
	v2 =	vadd.f32 v8, v2;
	v4 =	vmul.f32 v4, v53  }
0x164: {  	v48 =	vmul.f32 v48, v20;
	v60 =	vld [tilespmem:s28+$0xFFFFFFA0];
	[tilespmem:s26+$0xFFFFFF90] =	vst v10  }
0x165: {  	v5 =	vld [tilespmem:s25+$0xFFFFFFA0];
	[tilespmem:s26+$0xFFFFFF60] =	vst v61;
	v2 =	vadd.f32 v4, v2  }
0x166: {  	[tilespmem:s26+$0xFFFFFFB0] =	vst v48;
	(xrf2) =	vadd.scan.msk.f32 $0xffff, v49  }
0x167: {  	v27 =	vadd.f32 v59, v33;
	v59, _, _ =	vpop (xrf2);
	(xrf2) =	vadd.scan.msk.f32 $0xffff, v2;
	v2 =	vld [tilespmem:$0x1FF10];
	_ =	sdelay $0x1  }
0x168: {  	v55 =	vbroadcast v57, $0xF;
	v7 =	vmul.f32 v7, v3  }
0x169: {  	v6 =	vmul.f32 $1.442695020e+00, v59;
	v54 =	vmul.f32 $2.000000030e-01, v27;
	v5 =	vadd.f32 v5, v60;
	v4 =	vpop (erf)  }
0x16a: {  	v49 =	vld [tilespmem:s28+$0x30];
	(erf) = vpow2.f32 v55;
	v13 =	vmul.f32 v4, v13  }
0x16b: {  	v52 =	vld [tilespmem:s28+$0x40];
	v20 =	vmax.f32 v27, v54;
	v27 =	vmul.f32 $2.000000030e-01, v5;
	v2 =	vmul.f32 v4, v2  }
0x16c: {  	v56 =	vmov v3;
	v3 =	vadd.f32 v7, v15;
	v59 =	vld [tilespmem:s25+$0x40];
	v11 =	vmul.f32 v20, v23;
	[tilespmem:s26+$0x40] =	vst v13  }
0x16d: {  	v6 =	vbroadcast v6, $0xF;
	v5 =	vmax.f32 v5, v27;
	[tilespmem:s26+$0x30] =	vst v2  }
0x16e: {  	v9 =	vmul.f32 v9, v62;
	v3 =	vadd.f32 v11, v3;
	v5 =	vmul.f32 v5, v53;
	v2 =	vld [tilespmem:$0x1FEF0]  }
0x16f: {  	v1 =	vmul.f32 v1, v25;
	v45 =	vadd.f32 v45, v49;
	(erf) = vpow2.f32 v6  }
0x170: {  	v48 =	vmul.f32 v4, v12;
	v61 =	vpop (erf);
	v3 =	vadd.f32 v5, v3;
	v5 =	vadd.f32 $0.0e+00, v9;
	v57 =	vld [tilespmem:$0x1FEE0]  }
0x171: {  	v10 =	vadd.f32 v59, v52;
	v59 =	vmul.f32 $2.000000030e-01, v45;
	v12 =	vmul.f32 v61, v24;
	v55, _, _ =	vpop (xrf2)  }
0x172: {  	v0 =	vmul.f32 v0, v56;
	v13, _, _ =	vpop (xrf2);
	v1 =	vadd.f32 v1, v5;
	v5 =	vmul.f32 v61, v40;
	[tilespmem:s26+$0x20] =	vst v48  }
0x173: {  	(xrf2) =	vadd.scan.msk.f32 $0xffff, v3;
	v3 =	vmax.f32 v45, v59;
	[tilespmem:s24+$0xFFFFFFC0] =	vst v12;
	v45 =	vpop (erf);
	v2 =	vmul.f32 v4, v2  }
0x174: {  	v11 =	vmul.f32 $1.442695020e+00, v13;
	v0 =	vadd.f32 v0, v1;
	[tilespmem:s24+$0xFFFFFFF0] =	vst v5;
	v1 =	vmul.f32 v45, v16  }
0x175: {  	v4 =	vmul.f32 v4, v57;
	[tilespmem:s26+$0x10] =	vst v2;
	v2 =	vmul.f32 $2.000000030e-01, v10  }
0x176: {  	v3 =	vmul.f32 v3, v23;
	v5 =	vmul.f32 v45, v22;
	[tilespmem:s24+$0x60] =	vst v1  }
0x177: {  	v6 =	vbroadcast v11, $0xF;
	[tilespmem:s26+$0x0] =	vst v4;
	v4 =	vmul.f32 v61, v29;
	v2 =	vmax.f32 v10, v2  }
0x178: {  	v0 =	vadd.f32 v3, v0;
	v48, _, _ =	vpop (xrf2);
	v3 =	vmul.f32 v45, v37;
	[tilespmem:s24+$0x70] =	vst v5;
	v2 =	vmul.f32 v2, v53  }
0x179: {  	v12 =	vpop (erf);
	v1 =	vmul.f32 $1.442695020e+00, v48;
	[tilespmem:s24+$0xFFFFFFD0] =	vst v4;
	v4 =	vmul.f32 v61, v32  }
0x17a: {  	v5 =	vmul.f32 v12, v28;
	[tilespmem:s24+$0x80] =	vst v3;
	v0 =	vadd.f32 v2, v0;
	v2 =	vmul.f32 v45, v18  }
0x17b: {  	[tilespmem:s24+$0xFFFFFFE0] =	vst v4;
	v4 =	vmul.f32 v12, v47  }
0x17c: {  	(erf) = vpow2.f32 v6;
	v1 =	vbroadcast v1, $0xF;
	[tilespmem:s24+$0xFFFFFF80] =	vst v5  }
0x17d: {  	[tilespmem:s24+$0xFFFFFFA0] =	vst v4;
	v4 =	vmul.f32 v45, v30  }
0x17e: {  	(erf) = vpow2.f32 v1;
	[tilespmem:s24+$0x50] =	vst v2;
	v2, _, _ =	vpop (xrf2);
	(xrf2) =	vadd.scan.msk.f32 $0xffff, v0;
	v0 =	vmul.f32 v12, v17  }
0x17f: {  	[tilespmem:s24+$0x90] =	vst v4;
	v1 =	vmul.f32 $1.442695020e+00, v2;
	v2 =	vmul.f32 v12, v36  }
0x180: {  	[tilespmem:s24+$0xFFFFFF70] =	vst v0  }
0x181: {  	[tilespmem:s24+$0xFFFFFF90] =	vst v2  }
0x182: {  	v3 =	vmul.f32 $1.442695020e+00, v55;
	v0 =	vbroadcast v1, $0xF;
	v1 =	vld [tilespmem:$0x1FF40];
	_ =	sdelay $0x1  }
0x183: {  	v3 =	vbroadcast v3, $0xF  }
0x184: {  	v4 =	vmul.f32 v12, v14;
	v2 =	vpop (erf)  }
0x185: {  	(erf) = vpow2.f32 v3;
	v3 =	vmul.f32 v2, v35  }
0x186: {  	[tilespmem:s24+$0xFFFFFF60] =	vst v4;
	v1 =	vmul.f32 v61, v1  }
0x187: {  	(erf) = vpow2.f32 v0;
	v0 =	vmul.f32 v2, v26;
	[tilespmem:s24+$0x40] =	vst v3  }
0x188: {  	[tilespmem:s24+$0xFFFFFFB0] =	vst v1  }
0x189: {  	v1 =	vld [tilespmem:$0x1FF50];
	[tilespmem:s24+$0x30] =	vst v0  }
0x18a: {  	v0 =	vld [tilespmem:$0x1FF20]  }
0x18b: {  	v4 =	vld [tilespmem:$0x1FF30];
	_ =	sdelay $0x2  }
0x18c: {  	v1 =	vmul.f32 v2, v1  }
0x18d: {  	v0 =	vmul.f32 v2, v0  }
0x18e: {  	v3 =	vpop (erf);
	v2 =	vmul.f32 v2, v4;
	[tilespmem:s24+$0x20] =	vst v1  }
0x18f: {  	[tilespmem:s24+$0x10] =	vst v0;
	v0 =	vmul.f32 v3, v44  }
0x190: {  	s23 =	sadd.s32 $0x140, s23;
	[tilespmem:s24+$0x0] =	vst v2;
	v2 =	vmul.f32 v3, v19;
	v1, _, _ =	vpop (xrf2)  }
0x191: {  	v1 =	vmul.f32 $1.442695020e+00, v1;
	[tilespmem:s23+$0xFFFFFFC0] =	vst v0;
	v0 =	vmul.f32 v3, v51  }
0x192: {  	v4 =	vpop (erf);
	[tilespmem:s23+$0xFFFFFFD0] =	vst v2;
	v2 =	vmul.f32 v3, v63  }
0x193: {  	v5 =	vpop (erf);
	v1 =	vbroadcast v1, $0xF;
	[tilespmem:s23+$0xFFFFFFF0] =	vst v0;
	v0 =	vmul.f32 v4, v34  }
0x194: {  	[tilespmem:s23+$0xFFFFFFE0] =	vst v2;
	v2 =	vmul.f32 v5, v60  }
0x195: {  	(erf) = vpow2.f32 v1;
	v1 =	vmul.f32 v4, v41;
	[tilespmem:s23+$0x60] =	vst v0  }
0x196: {  	[tilespmem:s23+$0xFFFFFFA0] =	vst v2;
	v0 =	vmul.f32 v4, v31  }
0x197: {  	[tilespmem:s23+$0x70] =	vst v1  }
0x198: {  	[tilespmem:s23+$0x80] =	vst v0  }
0x199: {  	v0 =	vld [tilespmem:$0x1FE00];
	_ =	sdelay $0x1  }
0x19a: {  	v2 =	vmul.f32 v4, v46  }
0x19b: {  	v1 =	vmul.f32 v5, v21  }
0x19c: {  	[tilespmem:s23+$0x50] =	vst v2;
	v2 =	vmul.f32 v5, v50  }
0x19d: {  	[tilespmem:s23+$0xFFFFFF80] =	vst v1;
	v0 =	vmul.f32 v4, v0  }
0x19e: {  	v1 =	vmul.f32 v5, v33;
	[tilespmem:s23+$0xFFFFFF70] =	vst v2  }
0x19f: {  	[tilespmem:s23+$0x90] =	vst v0;
	v0 =	vmul.f32 v5, v43  }
0x1a0: {  	[tilespmem:s23+$0xFFFFFF90] =	vst v1;
	v1 =	vmul.f32 v3, v42;
	v2 =	vpop (erf)  }
0x1a1: {  	[tilespmem:s23+$0xFFFFFF60] =	vst v0;
	v0 =	vmul.f32 v2, v52  }
0x1a2: {  	[tilespmem:s23+$0xFFFFFFB0] =	vst v1  }
0x1a3: {  	[tilespmem:s23+$0x40] =	vst v0  }
0x1a4: {  	v0 =	vld [tilespmem:$0x1FE10];
	_ =	sdelay $0x1  }
0x1a5: {  	v1 =	vmul.f32 v2, v49;
	_ =	sdelay $0x1  }
0x1a6: {  	[tilespmem:s23+$0x30] =	vst v1;
	v1 =	vmul.f32 v2, v38  }
0x1a7: {  	v0 =	vmul.f32 v2, v0  }
0x1a8: {  	[tilespmem:s23+$0x10] =	vst v1;
	v2 =	vmul.f32 v2, v39  }
0x1a9: {  	[tilespmem:s23+$0x20] =	vst v0  }
0x1aa: {  	[tilespmem:s23+$0x0] =	vst v2;
	s23 =	smul.u32 $0xA0, s21  }
0x1ab: {  	[spmem:s3] =	stream.indirect.scatter.add.f32 [tilespmem:s5], [sflag:$0x4], $0x50, s14, s7, $0xb8;
	[tilespmem:$0x1AD10] =	vst v63  }
0x1ac: {  	s25 =	sadd.s32 $0xA0, s23  }
0x1ad: {  	[tilespmem:s8], [sflag:$0x2] =	stream.indirect.gather [hbm4b:s13+s7], $0x50, s25, s7, $0xb8;
	[tilespmem:$0x1AD10] =	vst v63  }
0x1ae: {  	s24 =	simm.s32 @!p0 $0x5;
	s26 =	sadd.s32 $0x27B0, s23  }
0x1af: {  	[tilespmem:s9], [sflag:$0x2] =	stream.indirect.gather [hbm4b:s13+s7], $0x50, s26, s7, $0xb8;
	[tilespmem:$0x1AD10] =	vst v63  }
0x1b0: {  	_ =	swait.ge @!p0 [sflag:s24], $0x1900  }
0x1b1: {  	[sflag:s24] =	ssyncset.done @!p0 $0x0  }
0x1b2: {  	[sflag:s24] =	ssyncadd.s32 @!p0 $0xFFFFE700  }
0x1b3: {  	_ =	swait.ge [sflag:s15], $0x1900  }
0x1b4: {  	[sflag:s15] =	ssyncset.done $0x0  }
0x1b5: {  	[sflag:s15] =	ssyncadd.s32 $0xFFFFE700  }
0x1b6: {  	_ =	swait.ge [sflag:s15], $0x1900  }
0x1b7: {  	[sflag:s15] =	ssyncset.done $0x0  }
0x1b8: {  	[sflag:s15] =	ssyncadd.s32 $0xFFFFE700  }
0x1b9: {  	v0 =	vld [tilespmem:s22+$0x2760];
	_ =	sdelay $0x4  }
0x1ba: {  	[tilespmem:$0xE470] =	vst v0  }
0x1bb: {  	v0 =	vld [tilespmem:s22+$0x2770];
	_ =	sdelay $0x4  }
0x1bc: {  	[tilespmem:$0xE480] =	vst v0  }
0x1bd: {  	v0 =	vld [tilespmem:s22+$0x2780];
	_ =	sdelay $0x4  }
0x1be: {  	[tilespmem:$0xE490] =	vst v0  }
0x1bf: {  	v0 =	vld [tilespmem:s22+$0x2790];
	_ =	sdelay $0x4  }
0x1c0: {  	[tilespmem:$0xE4A0] =	vst v0  }
0x1c1: {  	v0 =	vld [tilespmem:s22+$0x27A0];
	_ =	sdelay $0x4  }
0x1c2: {  	s26 =	simm.s32 $0x67C0;
	[tilespmem:$0xE4B0] =	vst v0  }
0x1c3: {  	s25 =	simm.s32 $0x99C0;
	v13 =	vld [tilespmem:s26+$0x60]  }
0x1c4: {  	v0 =	vld [tilespmem:s25+$0x30]  }
0x1c5: {  	v1 =	vld [tilespmem:s25+$0xFFFFFF70]  }
0x1c6: {  	v2 =	vld [tilespmem:s25+$0xFFFFFFC0]  }
0x1c7: {  	v19 =	vld [tilespmem:s26+$0xFFFFFF60]  }
0x1c8: {  	v3 =	vld [tilespmem:s25+$0x60];
	[tilespmem:$0x1FEB0] =	vst v13  }
0x1c9: {  	v4 =	vld [tilespmem:s25+$0x50]  }
0x1ca: {  	v12 =	vld [tilespmem:s26+$0x50]  }
0x1cb: {  	v5 =	vld [tilespmem:s25+$0x10]  }
0x1cc: {  	v52 =	vld [tilespmem:s26+$0x10]  }
0x1cd: {  	v55 =	vld [tilespmem:s25+$0x0]  }
0x1ce: {  	v57 =	vld [tilespmem:s26+$0x0]  }
0x1cf: {  	v61 =	vld [tilespmem:s26+$0x70]  }
0x1d0: {  	v59 =	vld [tilespmem:s25+$0xFFFFFFB0]  }
0x1d1: {  	v31 =	vld [tilespmem:s26+$0xFFFFFFB0]  }
0x1d2: {  	v60 =	vld [tilespmem:s25+$0xFFFFFF60]  }
0x1d3: {  	v39 =	vld [tilespmem:s26+$0xFFFFFFC0]  }
0x1d4: {  	v20 =	vld [tilespmem:s26+$0xFFFFFF70];
	[tilespmem:$0x1FEC0] =	vst v61  }
0x1d5: {  	v14 =	vld [tilespmem:s25+$0x80]  }
0x1d6: {  	v15 =	vld [tilespmem:s25+$0xFFFFFF90]  }
0x1d7: {  	v16 =	vld [tilespmem:s25+$0xFFFFFFD0]  }
0x1d8: {  	v17 =	vld [tilespmem:s25+$0x20]  }
0x1d9: {  	v63 =	vld [tilespmem:s26+$0x20]  }
0x1da: {  	v3 =	vadd.f32 v3, v13;
	v38 =	vld [tilespmem:s26+$0xFFFFFFD0]  }
0x1db: {  	v4 =	vadd.f32 v4, v12;
	v9 =	vadd.f32 v55, v57;
	v45 =	vld [tilespmem:s25+$0xFFFFFF80]  }
0x1dc: {  	v10 =	vadd.f32 v59, v31;
	v5 =	vadd.f32 v5, v52;
	v22 =	vld [tilespmem:s25+$0xFFFFFFE0];
	[tilespmem:$0x1FE20] =	vst v57  }
0x1dd: {  	v18 =	vmovc v12;
	v12 =	vmul.f32 $2.000000030e-01, v3;
	v11 =	vadd.f32 v60, v19;
	v2 =	vadd.f32 v2, v39;
	v42 =	vld [tilespmem:s26+$0xFFFFFFE0];
	[tilespmem:$0x1FE30] =	vst v52  }
0x1de: {  	v54 =	vmovc v23;
	v21 =	vmovc v19;
	v1 =	vadd.f32 v1, v20;
	v13 =	vmul.f32 $2.000000030e-01, v4;
	v23 =	vmul.f32 $2.000000030e-01, v9;
	v19 =	vld [tilespmem:s26+$0x90]  }
0x1df: {  	v58 =	vmovc v25;
	v25 =	vmul.f32 $2.000000030e-01, v10;
	v3 =	vmax.f32 v3, v12;
	v12 =	vmul.f32 $2.000000030e-01, v11;
	v24 =	vld [tilespmem:s26+$0xFFFFFF80]  }
0x1e0: {  	v27 =	vmul.f32 $2.000000030e-01, v5;
	v26 =	vld [tilespmem:s25+$0x70];
	v3 =	vmul.f32 v3, v58;
	v9 =	vmax.f32 v9, v23  }
0x1e1: {  	v28 =	vld [tilespmem:s26+$0xFFFFFF90];
	v10 =	vmax.f32 v10, v25;
	v11 =	vmax.f32 v11, v12;
	v25 =	vmul.f32 $2.000000030e-01, v2  }
0x1e2: {  	v30 =	vld [tilespmem:s26+$0x80];
	v4 =	vmax.f32 v4, v13;
	v9 =	vmul.f32 v9, v62;
	v10 =	vmul.f32 v10, v62  }
0x1e3: {  	v23 =	vld [tilespmem:s25+$0x90];
	v5 =	vmax.f32 v5, v27;
	v11 =	vmul.f32 v11, v62;
	v4 =	vmul.f32 v4, v62;
	[tilespmem:$0x1FED0] =	vst v19  }
0x1e4: {  	v5 =	vmul.f32 v5, v58;
	v2 =	vmax.f32 v2, v25;
	v17 =	vadd.f32 v17, v63;
	v46 =	vld [tilespmem:s26+$0x30]  }
0x1e5: {  	v27 =	vadd.f32 v16, v38;
	v16 =	vmul.f32 $2.000000030e-01, v1;
	v9 =	vadd.f32 $0.0e+00, v9;
	v12 =	vld [tilespmem:s26+$0x40];
	[tilespmem:$0x1FE40] =	vst v63  }
0x1e6: {  	v10 =	vadd.f32 $0.0e+00, v10;
	v11 =	vadd.f32 $0.0e+00, v11;
	v2 =	vmul.f32 v2, v58;
	v25 =	vld [tilespmem:s25+$0x40]  }
0x1e7: {  	v4 =	vadd.f32 $0.0e+00, v4;
	v22 =	vadd.f32 v22, v42;
	v47 =	vmul.f32 $2.000000030e-01, v17;
	v29 =	vld [tilespmem:s25+$0xFFFFFFF0]  }
0x1e8: {  	v1 =	vmax.f32 v1, v16;
	v16 =	vadd.f32 v26, v61;
	v51 =	vadd.f32 v45, v24;
	v35 =	vld [tilespmem:s26+$0xFFFFFFA0]  }
0x1e9: {  	v34 =	vmul.f32 $2.000000030e-01, v27;
	v36 =	vadd.f32 v15, v28;
	v14 =	vadd.f32 v14, v30;
	v50 =	vld [tilespmem:s26+$0xFFFFFFF0]  }
0x1ea: {  	v1 =	vmul.f32 v1, v58;
	v5 =	vadd.f32 v5, v9;
	v37 =	vmul.f32 $2.000000030e-01, v22;
	v26 =	vld [tilespmem:s25+$0xFFFFFFA0];
	s25 =	simm.s32 $0x9B00  }
0x1eb: {  	v2 =	vadd.f32 v2, v10;
	v52 =	vmul.f32 $2.000000030e-01, v16;
	v55 =	vmax.f32 v17, v47;
	v33 =	vld [tilespmem:s25+$0x30]  }
0x1ec: {  	v15 =	vmul.f32 $2.000000030e-01, v14;
	v1 =	vadd.f32 v1, v11;
	v40 =	vld [tilespmem:s25+$0xFFFFFF70];
	v11 =	vmul.f32 v55, v56  }
0x1ed: {  	s26 =	simm.s32 $0x6900;
	v32 =	vld [tilespmem:s25+$0xFFFFFFC0];
	v22 =	vmax.f32 v22, v37;
	v9 =	vmax.f32 v16, v52;
	v16 =	vadd.f32 v23, v19;
	[tilespmem:$0x1FE50] =	vst v46  }
0x1ee: {  	v23 =	vmul.f32 $2.000000030e-01, v51;
	v14 =	vmax.f32 v14, v15;
	v22 =	vmul.f32 v22, v54;
	v57 =	vld [tilespmem:s26+$0xFFFFFF60]  }
0x1ef: {  	v3 =	vadd.f32 v3, v4;
	v17 =	vmul.f32 v9, v56;
	v14 =	vmul.f32 v14, v54;
	v4 =	vld [tilespmem:s25+$0x60]  }
0x1f0: {  	v5 =	vadd.f32 v11, v5;
	v0 =	vadd.f32 v0, v46;
	v59 =	vmul.f32 $2.000000030e-01, v16;
	v15 =	vld [tilespmem:s26+$0x60]  }
0x1f1: {  	v60 =	vmax.f32 v51, v23;
	v3 =	vadd.f32 v17, v3;
	v23 =	vld [tilespmem:s25+$0x50];
	v17 =	vmul.f32 $2.000000030e-01, v36  }
0x1f2: {  	v8 =	vmul.f32 v60, v56;
	v43 =	vld [tilespmem:s25+$0x10];
	v25 =	vadd.f32 v25, v12;
	v29 =	vadd.f32 v29, v50  }
0x1f3: {  	v26 =	vadd.f32 v26, v35;
	v10 =	vmax.f32 v16, v59;
	v16 =	vld [tilespmem:s26+$0x50];
	[tilespmem:$0x1FE60] =	vst v12;
	v63 =	vmul.f32 $2.000000030e-01, v0  }
0x1f4: {  	v61 =	vmul.f32 v10, v53;
	v3 =	vadd.f32 v14, v3;
	v48 =	vld [tilespmem:s26+$0x10];
	v14 =	vmax.f32 v27, v34  }
0x1f5: {  	v27 =	vld [tilespmem:s25+$0x0];
	v1 =	vadd.f32 v8, v1;
	v49 =	vmul.f32 $2.000000030e-01, v25;
	v52 =	vmul.f32 $2.000000030e-01, v29  }
0x1f6: {  	v51 =	vld [tilespmem:s26+$0x0];
	v55 =	vmul.f32 $2.000000030e-01, v26;
	v17 =	vmax.f32 v36, v17;
	v14 =	vmul.f32 v14, v56  }
0x1f7: {  	v44 =	vld [tilespmem:s25+$0x80];
	v17 =	vmul.f32 v17, v54;
	v0 =	vmax.f32 v0, v63;
	v3 =	vadd.f32 v61, v3  }
0x1f8: {  	v41 =	vmovc v56;
	v56 =	vld [tilespmem:s26+$0xFFFFFFB0];
	v26 =	vmax.f32 v26, v55;
	v29 =	vmax.f32 v29, v52;
	v2 =	vadd.f32 v14, v2  }
0x1f9: {  	v4 =	vadd.f32 v4, v15;
	v1 =	vadd.f32 v17, v1;
	v26 =	vmul.f32 v26, v53;
	v17 =	vld [tilespmem:s26+$0xFFFFFF70]  }
0x1fa: {  	v61 =	vmax.f32 v25, v49;
	v29 =	vmul.f32 v29, v53;
	(xrf2) =	vadd.scan.msk.f32 $0xffff, v3;
	v3 =	vld [tilespmem:s25+$0xFFFFFFB0];
	v2 =	vadd.f32 v22, v2  }
0x1fb: {  	v59 =	vadd.f32 v23, v16;
	v23 =	vld [tilespmem:s26+$0x70];
	v60 =	vmul.f32 $2.000000030e-01, v4;
	v1 =	vadd.f32 v26, v1  }
0x1fc: {  	v0 =	vmul.f32 v0, v54;
	v14 =	vmovc v57;
	v57 =	vld [tilespmem:s25+$0xFFFFFF60];
	v25 =	vadd.f32 v43, v48;
	v2 =	vadd.f32 v29, v2  }
0x1fd: {  	v22 =	vld [tilespmem:s26+$0xFFFFFFC0];
	[tilespmem:$0x1FE70] =	vst v48;
	v63 =	vadd.f32 v27, v51;
	v26 =	vmul.f32 $2.000000030e-01, v59;
	v4 =	vmax.f32 v4, v60  }
0x1fe: {  	v29 =	vmul.f32 v61, v53;
	v9 =	vmul.f32 $2.000000030e-01, v25;
	(xrf2) =	vadd.scan.msk.f32 $0xffff, v2;
	v2 =	vld [tilespmem:s25+$0xFFFFFF90];
	[tilespmem:$0x1FE80] =	vst v51  }
0x1ff: {  	v0 =	vadd.f32 v0, v5;
	v55 =	vmul.f32 $2.000000030e-01, v63;
	v4 =	vmul.f32 v4, v58;
	[tilespmem:$0x1FE90] =	vst v56  }
0x200: {  	v36 =	vmax.f32 v59, v26;
	v40 =	vadd.f32 v40, v17;
	v3 =	vadd.f32 v3, v56;
	v43 =	vld [tilespmem:s25+$0xFFFFFFD0]  }
0x201: {  	v37 =	vmax.f32 v63, v55;
	v25 =	vmax.f32 v25, v9;
	v34 =	vadd.f32 v57, v14;
	v10 =	vld [tilespmem:s25+$0x20]  }
0x202: {  	v57 =	vld [tilespmem:s26+$0x20];
	v59 =	vadd.f32 v32, v22;
	v37 =	vmul.f32 v37, v62;
	v56 =	vmul.f32 $2.000000030e-01, v3  }
0x203: {  	v45 =	vadd.f32 v29, v0;
	v27 =	vld [tilespmem:s26+$0xFFFFFFD0];
	v25 =	vmul.f32 v25, v58;
	v26 =	vmul.f32 $2.000000030e-01, v34  }
0x204: {  	v63 =	vld [tilespmem:s25+$0x70];
	v29 =	vmul.f32 $2.000000030e-01, v59;
	v61 =	vadd.f32 $0.0e+00, v37;
	v3 =	vmax.f32 v3, v56  }
0x205: {  	v9 =	vmul.f32 $2.000000030e-01, v40;
	v5, _, _ =	vpop (xrf2);
	v26 =	vmax.f32 v34, v26;
	v3 =	vmul.f32 v3, v62  }
0x206: {  	v32 =	vld [tilespmem:s26+$0xFFFFFFE0];
	v29 =	vmax.f32 v59, v29;
	v59 =	vadd.f32 v25, v61;
	v5 =	vmul.f32 $1.442695020e+00, v5  }
0x207: {  	(xrf2) =	vadd.scan.msk.f32 $0xffff, v1;
	v1 =	vld [tilespmem:s25+$0xFFFFFFE0];
	v0 =	vmul.f32 v26, v62;
	v62 =	vmul.f32 v36, v62;
	v47 =	vadd.f32 v10, v57  }
0x208: {  	v6 =	vmovc v58;
	v60 =	vld [tilespmem:s25+$0xFFFFFF80];
	v52 =	vmul.f32 v29, v58;
	v55 =	vadd.f32 v43, v27;
	v10 =	vmax.f32 v40, v9  }
0x209: {  	v11 =	vmovc v53;
	v26 =	vld [tilespmem:s26+$0xFFFFFF80];
	[tilespmem:$0x1FEA0] =	vst v57;
	v49 =	vadd.f32 v63, v23;
	v3 =	vadd.f32 $0.0e+00, v3;
	v7 =	vmul.f32 v10, v6  }
0x20a: {  	v36 =	vld [tilespmem:s26+$0xFFFFFF90];
	v0 =	vadd.f32 $0.0e+00, v0;
	v53 =	vmul.f32 $2.000000030e-01, v47;
	v46 =	vadd.f32 $0.0e+00, v62;
	v29, _, _ =	vpop (xrf2)  }
0x20b: {  	v37 =	vld [tilespmem:s26+$0x80];
	v58 =	vmul.f32 $2.000000030e-01, v55;
	v3 =	vadd.f32 v52, v3;
	v8 =	vmul.f32 $1.442695020e+00, v29  }
0x20c: {  	v56 =	vld [tilespmem:s25+$0x90];
	v5 =	vbroadcast v5, $0xF;
	v1 =	vadd.f32 v1, v32;
	v0 =	vadd.f32 v7, v0  }
0x20d: {  	v10 =	vmax.f32 v47, v53;
	v55 =	vmax.f32 v55, v58;
	v29 =	vld [tilespmem:s26+$0x90];
	v43 =	vbroadcast v8, $0xF  }
0x20e: {  	v25 =	vld [tilespmem:s26+$0x30];
	v51 =	vadd.f32 v60, v26;
	v10 =	vmul.f32 v10, v41;
	v8 =	vmul.f32 $2.000000030e-01, v49  }
0x20f: {  	v4 =	vadd.f32 v4, v46;
	v55 =	vmul.f32 v55, v41;
	(erf) = vpow2.f32 v43  }
0x210: {  	v40 =	vld [tilespmem:s26+$0xFFFFFFF0];
	v63 =	vadd.f32 v44, v37;
	v9 =	vmax.f32 v49, v8;
	v8 =	vmul.f32 $2.000000030e-01, v51  }
0x211: {  	v60 =	vld [tilespmem:s25+$0xFFFFFFF0];
	v57 =	vmul.f32 $2.000000030e-01, v1;
	v2 =	vadd.f32 v2, v36;
	v3 =	vadd.f32 v55, v3  }
0x212: {  	v43 =	vadd.f32 v56, v29;
	v61 =	vmax.f32 v51, v8;
	v51 =	vmul.f32 $2.000000030e-01, v63  }
0x213: {  	v53 =	vmul.f32 $2.000000030e-01, v2;
	v56 =	vadd.f32 v33, v25;
	v33 =	vmul.f32 v9, v41  }
0x214: {  	v52 =	vld [tilespmem:s25+$0xFFFFFFA0];
	v9 =	vmul.f32 $2.000000030e-01, v43;
	v49 =	vmul.f32 v61, v41;
	v63 =	vmax.f32 v63, v51  }
0x215: {  	v47 =	vld [tilespmem:s26+$0xFFFFFFA0];
	v1 =	vmax.f32 v1, v57;
	v4 =	vadd.f32 v33, v4;
	v33 =	vmul.f32 v63, v54  }
0x216: {  	v34 =	vld [tilespmem:s26+$0x40];
	(erf) = vpow2.f32 v5;
	v5 =	vadd.f32 v60, v40;
	v43 =	vmax.f32 v43, v9  }
0x217: {  	v44 =	vld [tilespmem:s25+$0x40];
	v9 =	vadd.f32 v10, v59;
	v59 =	vmul.f32 v43, v11;
	v4 =	vadd.f32 v33, v4  }
0x218: {  	s25 =	simm.s32 $0x9C40;
	v1 =	vmul.f32 v1, v54;
	v2 =	vmax.f32 v2, v53;
	v0 =	vadd.f32 v49, v0;
	v49 =	vpop (erf)  }
0x219: {  	v57 =	vld [tilespmem:s25+$0x50];
	v58 =	vmul.f32 $2.000000030e-01, v5;
	v4 =	vadd.f32 v59, v4;
	v59 =	vmul.f32 v49, v39  }
0x21a: {  	s26 =	simm.s32 $0xCBC0;
	v52 =	vadd.f32 v52, v47;
	v53 =	vld [tilespmem:s25+$0xFFFFFFC0];
	v2 =	vmul.f32 v2, v54;
	v55 =	vmul.f32 v49, v38  }
0x21b: {  	s28 =	simm.s32 $0x6A40;
	v7 =	vmovc v54;
	v60 =	vld [tilespmem:s25+$0x60];
	v61 =	vmul.f32 $2.000000030e-01, v56;
	v54 =	vadd.f32 v1, v3;
	v3 =	vmax.f32 v5, v58;
	[tilespmem:s26+$0xFFFFFFC0] =	vst v59  }
0x21c: {  	v46 =	vadd.f32 v44, v34;
	v5 =	vmul.f32 v3, v11;
	v33 =	vld [tilespmem:s28+$0x60];
	[tilespmem:s26+$0xFFFFFFD0] =	vst v55  }
0x21d: {  	v41 =	vadd.f32 v2, v0;
	v2 =	vmax.f32 v56, v61;
	v61 =	vmul.f32 $2.000000030e-01, v52;
	v3 =	vld [tilespmem:$0x1FEB0]  }
0x21e: {  	v44 =	vld [tilespmem:s25+$0x30];
	v10 =	vmul.f32 $2.000000030e-01, v46  }
0x21f: {  	v51 =	vld [tilespmem:s25+$0xFFFFFF70];
	v39 =	vmax.f32 v52, v61  }
0x220: {  	v48, _, _ =	vpop (xrf2);
	v10 =	vmax.f32 v46, v10;
	v46 =	vld [tilespmem:s28+$0x50];
	v52 =	vmul.f32 v39, v11  }
0x221: {  	v62 =	vmul.f32 $1.442695020e+00, v48;
	v38 =	vld [tilespmem:s28+$0x10];
	v8 =	vadd.f32 v60, v33;
	v60 =	vpop (erf)  }
0x222: {  	v58 =	vadd.f32 v52, v41;
	v41 =	vmul.f32 v60, v3;
	v3 =	vld [tilespmem:$0x1FEC0]  }
0x223: {  	v62 =	vbroadcast v62, $0xF;
	v61 =	vld [tilespmem:s25+$0x0];
	(xrf2) =	vadd.scan.msk.f32 $0xffff, v4  }
0x224: {  	v50 =	vmul.f32 v49, v50;
	v4 =	vld [tilespmem:s25+$0x10]  }
0x225: {  	(erf) = vpow2.f32 v62;
	v48 =	vmul.f32 v49, v42;
	v42 =	vld [tilespmem:s28+$0xFFFFFFB0]  }
0x226: {  	v39 =	vld [tilespmem:s28+$0x0];
	[tilespmem:s26+$0xFFFFFFF0] =	vst v50  }
0x227: {  	v1 =	vadd.f32 v57, v46;
	v56 =	vmul.f32 v60, v3;
	v3 =	vld [tilespmem:$0x1FED0]  }
0x228: {  	v59 =	vld [tilespmem:s25+$0xFFFFFFB0];
	v0 =	vmul.f32 $2.000000030e-01, v8  }
0x229: {  	v63 =	vld [tilespmem:s25+$0xFFFFFF60];
	v2 =	vmul.f32 v2, v7;
	v57 =	vadd.f32 v4, v38;
	v4 =	vmul.f32 $2.000000030e-01, v1  }
0x22a: {  	v43 =	vld [tilespmem:s28+$0xFFFFFF60];
	v5 =	vadd.f32 v5, v54;
	v8 =	vmax.f32 v8, v0  }
0x22b: {  	v9 =	vadd.f32 v2, v9;
	(xrf2) =	vadd.scan.msk.f32 $0xffff, v45;
	v45 =	vld [tilespmem:s28+$0xFFFFFFC0];
	v54 =	vmul.f32 v8, v6;
	v2 =	vmul.f32 $2.000000030e-01, v57  }
0x22c: {  	v13 =	vmovc v20;
	v0 =	vadd.f32 v61, v39;
	v50 =	vld [tilespmem:s28+$0xFFFFFF70];
	v52 =	vmul.f32 v60, v3;
	v3 =	vmul.f32 v10, v11  }
0x22d: {  	s24 =	simm.s32 $0xCD00;
	s22 =	simm.s32 $0xCD00;
	v61 =	vmax.f32 v1, v4;
	v1 =	vadd.f32 v59, v42;
	v59 =	vld [tilespmem:s25+$0x80];
	v4, _, _ =	vpop (xrf2);
	(xrf2) =	vadd.scan.msk.f32 $0xffff, v5;
	[tilespmem:s26+$0xFFFFFFE0] =	vst v48  }
0x22e: {  	s29 =	simm.s32 $0x8;
	v62 =	vpop (erf);
	v55 =	vmul.f32 $1.442695020e+00, v4;
	[tilespmem:s26+$0x60] =	vst v41;
	v41 =	vld [tilespmem:s28+$0x70];
	v48 =	vadd.f32 v3, v9;
	v3 =	vmul.f32 $2.000000030e-01, v0  }
.LBB2_9:
0x22f: {  	_ = 	snop  }
0x230: {  	v9 =	vmul.f32 $2.000000030e-01, v1  }
0x231: {  	v5 =	vld [tilespmem:s25+$0xFFFFFF90]  }
0x232: {  	v11 =	vmul.f32 v62, v35;
	v7 =	vmul.f32 v60, v18;
	v1 =	vmax.f32 v1, v9;
	v9 =	vld [tilespmem:$0x1FFD0]  }
0x233: {  	v35 =	vmovc v47;
	v18 =	vmovc v16;
	v16 =	vmul.f32 v60, v30;
	v10 =	vmul.f32 v62, v24;
	v19 =	vmov v46;
	v12 =	vld [tilespmem:$0x1FFB0]  }
0x234: {  	v46 =	vmul.f32 v62, v13;
	v2 =	vmax.f32 v57, v2;
	v57 =	vld [tilespmem:s28+$0xFFFFFFD0];
	[tilespmem:s26+$0xFFFFFFA0] =	vst v11;
	v4 =	vadd.f32 v63, v43  }
0x235: {  	v20 =	vmovc v22;
	v0 =	vmax.f32 v0, v3;
	v3 =	vmul.f32 v62, v28;
	v47 =	vld [tilespmem:s25+$0xFFFFFF80];
	v53 =	vadd.f32 v53, v45  }
0x236: {  	v22 =	vmovc v17;
	v28 =	vmovc v36;
	[tilespmem:s26+$0xFFFFFF80] =	vst v10;
	v63 =	vld [tilespmem:s25+$0xFFFFFFD0];
	v17 =	vmov v50;
	v50 =	vmul.f32 v62, v21;
	v36 =	vmul.f32 $2.000000030e-01, v4  }
0x237: {  	v24 =	vmov v26;
	[tilespmem:s26+$0x70] =	vst v56;
	v26 =	vld [tilespmem:s28+$0xFFFFFF80];
	v11 =	vmul.f32 $2.000000030e-01, v53;
	v0 =	vmul.f32 v0, v9  }
0x238: {  	v6 =	vld [tilespmem:s25+$0x20];
	[tilespmem:s26+$0x50] =	vst v7;
	v30, _, _ =	vpop (xrf2);
	v4 =	vmax.f32 v4, v36;
	v1 =	vmul.f32 v1, v9;
	v7 =	vmul.f32 v61, v9  }
0x239: {  	v8 =	vld [tilespmem:s28+$0x20];
	[tilespmem:s26+$0x90] =	vst v52;
	v61 =	vmax.f32 v53, v11;
	v11 =	vadd.f32 v51, v17;
	v36 =	vmul.f32 $1.442695020e+00, v30;
	v10, _, _ =	vpop (xrf2)  }
0x23a: {  	v60 =	vld [tilespmem:s25+$0xFFFFFFE0];
	[tilespmem:s26+$0x80] =	vst v16;
	v4 =	vmul.f32 v4, v9;
	v9 =	vmul.f32 $1.442695020e+00, v10  }
0x23b: {  	v62 =	vld [tilespmem:s25+$0x90];
	(xrf2) =	vadd.scan.msk.f32 $0xffff, v58;
	v58 =	vadd.f32 v63, v57;
	v10 =	vmul.f32 $2.000000030e-01, v11;
	v36 =	vbroadcast v36, $0xF  }
0x23c: {  	[tilespmem:s26+$0xFFFFFF70] =	vst v46;
	v2 =	vmul.f32 v2, v12;
	v63 =	vadd.f32 v47, v26;
	v47 =	vld [tilespmem:s28+$0x30];
	v0 =	vadd.f32 $0.0e+00, v0  }
0x23d: {  	v16 =	vmovc v15;
	v15 =	vmovc v43;
	v4 =	vadd.f32 $0.0e+00, v4;
	v43 =	vmax.f32 v11, v10;
	(erf) = vpow2.f32 v36;
	v36 =	vld [tilespmem:s28+$0xFFFFFF90]  }
0x23e: {  	v0 =	vadd.f32 v2, v0;
	v2 =	vbroadcast v9, $0xF;
	[tilespmem:s26+$0xFFFFFF60] =	vst v50;
	v50 =	vld [tilespmem:s28+$0x90];
	v43 =	vmul.f32 v43, v12  }
0x23f: {  	v56 =	vld [tilespmem:s28+$0xFFFFFFE0];
	v52 =	vmul.f32 v61, v12;
	v1 =	vadd.f32 $0.0e+00, v1  }
0x240: {  	v53 =	vld [tilespmem:s25+$0x70];
	(erf) = vpow2.f32 v2;
	v2 =	vadd.f32 v43, v4;
	v4 =	vmul.f32 v49, v31  }
0x241: {  	v6 =	vadd.f32 v6, v8;
	v30 =	vmov v37;
	v37 =	vld [tilespmem:s28+$0x80]  }
0x242: {  	v7 =	vadd.f32 $0.0e+00, v7;
	v1 =	vadd.f32 v52, v1;
	[tilespmem:s26+$0xFFFFFFB0] =	vst v4;
	v4 =	vld [tilespmem:$0x1FE50]  }
0x243: {  	v52 =	vmovc v25;
	v25 =	vmov v47;
	v31 =	vadd.f32 v62, v50;
	v62 =	vadd.f32 v44, v47;
	v47 =	vld [tilespmem:$0x1FEA0]  }
0x244: {  	v13 =	vld [tilespmem:$0x1FFE0]  }
0x245: {  	v7 =	vadd.f32 v54, v7;
	v54 =	vld [tilespmem:$0x1FE40];
	[tilespmem:s26+$0xFFFFFF90] =	vst v3;
	v3 =	vmul.f32 $2.000000030e-01, v6  }
0x246: {  	v21 =	vmov v14;
	v51 =	vadd.f32 v53, v41;
	v53 =	vld [tilespmem:s28+$0x40];
	v11, _, _ =	vpop (xrf2)  }
0x247: {  	v14 =	vmov v34;
	v3 =	vmax.f32 v6, v3;
	[tilespmem:$0x1FE50] =	vst v52;
	v44 =	vld [tilespmem:s25+$0x40];
	v49 =	vmul.f32 $2.000000030e-01, v31;
	v6 =	vpop (erf)  }
0x248: {  	v59 =	vadd.f32 v59, v37;
	v9 =	vmul.f32 $1.442695020e+00, v11;
	v11 =	vld [tilespmem:$0x1FE60];
	[tilespmem:$0x1FE60] =	vst v14;
	v14 =	vmul.f32 v6, v4;
	v4 =	vmovc v47  }
0x249: {  	v34 =	vmul.f32 $2.000000030e-01, v63;
	[tilespmem:$0x1FE40] =	vst v4;
	v4 =	vmax.f32 v31, v49;
	v49 =	vld [tilespmem:$0x1FE30]  }
0x24a: {  	v10 =	vmul.f32 $2.000000030e-01, v51;
	v52 =	vld [tilespmem:s25+$0xFFFFFFF0];
	[tilespmem:s26+$0x30] =	vst v14;
	v14 =	vmul.f32 $2.000000030e-01, v59  }
0x24b: {  	v63 =	vmax.f32 v63, v34;
	v47 =	vld [tilespmem:s28+$0xFFFFFFA0]  }
0x24c: {  	v10 =	vmax.f32 v51, v10;
	v51 =	vmul.f32 v6, v54;
	v54 =	vmovc v8;
	v59 =	vmax.f32 v59, v14;
	v14 =	vld [tilespmem:$0x1FFF0]  }
0x24d: {  	v5 =	vadd.f32 v5, v36;
	v8 =	vmul.f32 v63, v13;
	v63 =	vld [tilespmem:s25+$0xFFFFFFA0];
	v43 =	vmul.f32 v6, v11;
	[tilespmem:$0x1FEA0] =	vst v54  }
0x24e: {  	v3 =	vmul.f32 v3, v13;
	[tilespmem:s26+$0x20] =	vst v51;
	v31 =	vmul.f32 v6, v49;
	v49 =	vld [tilespmem:$0x1FE20]  }
0x24f: {  	v55 =	vbroadcast v55, $0xF;
	v34 =	vmov v53;
	v54 =	vld [tilespmem:s28+$0xFFFFFFF0];
	[tilespmem:s26+$0x40] =	vst v43;
	v43 =	vmul.f32 $2.000000030e-01, v5  }
0x250: {  	v10 =	vmul.f32 v10, v13;
	v0 =	vadd.f32 v3, v0;
	v3 =	vadd.f32 v44, v34;
	s25 =	sadd.s32 $0x140, s25;
	[tilespmem:s26+$0x10] =	vst v31;
	v31 =	vld [tilespmem:$0x1FE70]  }
0x251: {  	v2 =	vadd.f32 v8, v2;
	v5 =	vmax.f32 v5, v43;
	v44 =	vld [tilespmem:s25+$0x30];
	v8 =	vmul.f32 v59, v14;
	v59 =	vmovc v38  }
0x252: {  	v7 =	vadd.f32 v10, v7;
	v11 =	vmul.f32 $2.000000030e-01, v62;
	v5 =	vmul.f32 v5, v14;
	[tilespmem:$0x1FE70] =	vst v59;
	v59 =	vld [tilespmem:$0x1FFC0]  }
0x253: {  	v63 =	vadd.f32 v63, v47;
	v6 =	vmul.f32 v6, v49;
	v49 =	vpop (erf);
	(erf) = vpow2.f32 v55;
	v55 =	vld [tilespmem:$0x1FE90]  }
0x254: {  	v9 =	vbroadcast v9, $0xF;
	v11 =	vmax.f32 v62, v11;
	v7 =	vadd.f32 v8, v7;
	v8 =	vld [tilespmem:s25+$0x60]  }
0x255: {  	v11 =	vmul.f32 v11, v14;
	v2 =	vadd.f32 v5, v2;
	v5 =	vmul.f32 $2.000000030e-01, v63;
	[tilespmem:s26+$0x0] =	vst v6;
	v53 =	vmovc v31;
	v31 =	vld [tilespmem:$0x1FE80]  }
0x256: {  	v60 =	vadd.f32 v60, v56;
	v62 =	vmul.f32 v49, v27;
	(erf) = vpow2.f32 v9;
	[tilespmem:$0x1FE30] =	vst v53;
	v53 =	vld [tilespmem:s25+$0xFFFFFFC0]  }
0x257: {  	s28 =	sadd.s32 $0x140, s28;
	v43 =	vmov v39;
	v6 =	vmul.f32 $2.000000030e-01, v3;
	v9 =	vld [tilespmem:s25+$0x0];
	v4 =	vmul.f32 v4, v59  }
0x258: {  	v46 =	vmul.f32 $2.000000030e-01, v60;
	s26 =	smov.u32 s24;
	[tilespmem:$0x1FE80] =	vst v43;
	v5 =	vmax.f32 v63, v5;
	v63 =	vmul.f32 v49, v40;
	v39 =	vld [tilespmem:s28+$0x0]  }
0x259: {  	v11 =	vadd.f32 v11, v0;
	[tilespmem:s26+$0xFFFFFFD0] =	vst v62;
	v3 =	vmax.f32 v3, v6;
	v6 =	vld [tilespmem:s28+$0x60];
	v4 =	vadd.f32 v4, v7  }
0x25a: {  	v61 =	vmul.f32 $2.000000030e-01, v58;
	v51 =	vld [tilespmem:s25+$0xFFFFFF70];
	v27 =	vmovc v57;
	v40 =	vmovc v54;
	v5 =	vmul.f32 v5, v59;
	[tilespmem:s26+$0xFFFFFFF0] =	vst v63;
	v10 =	vmov v31  }
0x25b: {  	v3 =	vmul.f32 v3, v59;
	v7 =	vld [tilespmem:s25+$0x50];
	v31 =	vmovc v55;
	[tilespmem:$0x1FE20] =	vst v10;
	v10 =	vadd.f32 v52, v54;
	(xrf2) =	vadd.scan.msk.f32 $0xffff, v4  }
0x25c: {  	v55 =	vmovc v42;
	v52 =	vmax.f32 v58, v61;
	v58 =	vmax.f32 v60, v46;
	v60 =	vmul.f32 v49, v20;
	v46 =	vld [tilespmem:s28+$0x50]  }
0x25d: {  	v43 =	vld [tilespmem:s28+$0xFFFFFF60];
	[tilespmem:$0x1FE90] =	vst v55;
	v0 =	vadd.f32 v9, v39;
	v38 =	vmul.f32 v52, v13;
	v61 =	vmul.f32 v58, v14  }
0x25e: {  	v4 =	vld [tilespmem:s25+$0x10];
	v13 =	vmovc v22;
	v22 =	vmovc v45;
	v8 =	vadd.f32 v8, v6;
	v45 =	vmul.f32 v49, v32;
	v42 =	vmul.f32 $2.000000030e-01, v10  }
0x25f: {  	v14 =	vmovc v15;
	(xrf2) =	vadd.scan.msk.f32 $0xffff, v48;
	v58 =	vadd.f32 v5, v2;
	[tilespmem:s26+$0xFFFFFFC0] =	vst v60;
	v1 =	vadd.f32 v38, v1;
	v38 =	vld [tilespmem:s28+$0x10]  }
0x260: {  	s29 =	sadd.s32 $0x4, s29;
	v32 =	vmovc v56;
	v15 =	vmovc v33;
	v48 =	vadd.f32 v3, v11;
	v3 =	vmul.f32 $2.000000030e-01, v0;
	v55 =	vld [tilespmem:s25+$0xFFFFFFB0];
	v10 =	vmax.f32 v10, v42  }
0x261: {  	p0 =	slt.u32 s29, $0x4C;
	v54 =	vmul.f32 $2.000000030e-01, v8;
	v60 =	vpop (erf);
	v42 =	vld [tilespmem:s28+$0xFFFFFFB0];
	v7 =	vadd.f32 v7, v46;
	v10 =	vmul.f32 v10, v59  }
.Ltmp3:
0x262: {  	v63 =	vld [tilespmem:s25+$0xFFFFFF60];
	[tilespmem:s26+$0xFFFFFFE0] =	vst v45;
	v1 =	vadd.f32 v61, v1;
	v5 =	vmul.f32 v60, v16;
	v56 =	vmul.f32 v60, v23;
	(pc) =	sbr.rel @p0 .LBB2_9-.Ltmp3, $4  }
0x263: {  	v33 =	vmovc v6;
	v16 =	vmovc v19;
	v52 =	vmul.f32 v60, v29;
	v29 =	vmov v50;
	v45 =	vld [tilespmem:s28+$0xFFFFFFC0];
	v19 =	vmul.f32 $2.000000030e-01, v7  }
0x264: {  	v8 =	vmax.f32 v8, v54;
	v50 =	vld [tilespmem:s28+$0xFFFFFF70];
	v10 =	vadd.f32 v10, v1;
	[tilespmem:s26+$0x60] =	vst v5;
	v57 =	vadd.f32 v4, v38  }
0x265: {  	s22 =	sadd.s32 $0x140, s22;
	v23 =	vmov v41;
	v54 =	vmul.f32 v8, v12;
	v41 =	vld [tilespmem:s28+$0x70];
	v61 =	vmax.f32 v7, v19;
	v4, _, _ =	vpop (xrf2)  }
0x266: {  	s24 =	smov.u32 s22;
	v62 =	vpop (erf);
	v59 =	vld [tilespmem:s25+$0x80];
	v1 =	vadd.f32 v55, v42;
	v2 =	vmul.f32 $2.000000030e-01, v57;
	(xrf2) =	vadd.scan.msk.f32 $0xffff, v10;
	v55 =	vmul.f32 $1.442695020e+00, v4  }
0x267: {  	_ =	sdelay $0x1  }
0x268: {  	v10 =	vmul.f32 v60, v18;
	v11 =	vmul.f32 v60, v30;
	v60 =	vadd.f32 v51, v50  }
0x269: {  	v2 =	vmax.f32 v57, v2  }
0x26a: {  	[tilespmem:$0x1FDD0] =	vst v2;
	v12 =	vmul.f32 $2.000000030e-01, v60  }
0x26b: {  	v4 =	vadd.f32 v63, v43;
	v57 =	vld [tilespmem:s25+$0x70]  }
0x26c: {  	v6 =	vmul.f32 $2.000000030e-01, v1;
	v9 =	vadd.f32 v53, v45;
	v30 =	vmax.f32 v60, v12;
	v12 =	vld [tilespmem:$0x1FFD0]  }
0x26d: {  	v0 =	vmax.f32 v0, v3;
	v8 =	vmul.f32 $2.000000030e-01, v4  }
0x26e: {  	v3 =	vmul.f32 v62, v28;
	v1 =	vmax.f32 v1, v6;
	v6 =	vmul.f32 $2.000000030e-01, v9  }
0x26f: {  	v53 =	vmul.f32 v62, v21;
	v2 =	vmul.f32 v62, v35;
	v4 =	vmax.f32 v4, v8  }
0x270: {  	v19 =	vld [tilespmem:$0x1FFB0];
	v8 =	vmul.f32 v62, v24;
	v6 =	vmax.f32 v9, v6;
	v9 =	vmul.f32 v62, v13  }
0x271: {  	v62 =	vmul.f32 v49, v31;
	v49 =	vld [tilespmem:$0x1FFE0];
	v60 =	vadd.f32 v57, v41;
	v21 =	vmul.f32 v61, v12  }
0x272: {  	v5, _, _ =	vpop (xrf2);
	v18 =	vld [tilespmem:s28+$0x80]  }
0x273: {  	v5 =	vmul.f32 $1.442695020e+00, v5;
	v35 =	vld [tilespmem:s25+$0x90];
	v13 =	vadd.f32 $0.0e+00, v21;
	v21 =	vmul.f32 $2.000000030e-01, v60  }
0x274: {  	v57 =	vld [tilespmem:s28+$0x90];
	v1 =	vmul.f32 v1, v12  }
0x275: {  	v7 =	vld [tilespmem:s25+$0xFFFFFF90];
	v5 =	vbroadcast v5, $0xF;
	v6 =	vmul.f32 v6, v19;
	v51 =	vmax.f32 v60, v21  }
0x276: {  	v20 =	vld [tilespmem:s28+$0xFFFFFF80];
	v1 =	vadd.f32 $0.0e+00, v1;
	v54 =	vadd.f32 v54, v13;
	v13 =	vmul.f32 v51, v49  }
0x277: {  	(erf) = vpow2.f32 v5;
	v5 =	vld [tilespmem:s25+$0xFFFFFF80];
	v59 =	vadd.f32 v59, v18  }
0x278: {  	v63, _, _ =	vpop (xrf2);
	v4 =	vmul.f32 v4, v12;
	v1 =	vadd.f32 v6, v1;
	v6 =	vadd.f32 v13, v54;
	v13 =	vld [tilespmem:$0x1FFF0]  }
0x279: {  	v28 =	vld [tilespmem:s28+$0xFFFFFFD0];
	v24 =	vmul.f32 $1.442695020e+00, v63;
	v63 =	vmul.f32 $2.000000030e-01, v59;
	v60 =	vadd.f32 v35, v57  }
0x27a: {  	v30 =	vmul.f32 v30, v19;
	v61 =	vld [tilespmem:s25+$0xFFFFFFD0];
	v4 =	vadd.f32 $0.0e+00, v4  }
0x27b: {  	v31 =	vld [tilespmem:s28+$0xFFFFFFE0];
	v59 =	vmax.f32 v59, v63;
	v63 =	vmul.f32 $2.000000030e-01, v60  }
0x27c: {  	v24 =	vbroadcast v24, $0xF;
	v4 =	vadd.f32 v30, v4;
	v30 =	vld [tilespmem:s25+$0xFFFFFFE0];
	[tilespmem:s26+$0xFFFFFFA0] =	vst v2  }
0x27d: {  	v5 =	vadd.f32 v5, v20;
	v54 =	vmul.f32 v59, v13;
	v59 =	vmax.f32 v60, v63;
	v63 =	vld [tilespmem:$0x1FFC0]  }
0x27e: {  	(xrf2) =	vadd.scan.msk.f32 $0xffff, v58;
	(erf) = vpow2.f32 v24;
	v24 =	vld [tilespmem:s28+$0xFFFFFF90]  }
0x27f: {  	v58 =	vadd.f32 v61, v28;
	v61 =	vmul.f32 $2.000000030e-01, v5  }
0x280: {  	v21 =	vld [tilespmem:s28+$0xFFFFFFF0]  }
0x281: {  	v51 =	vld [tilespmem:s25+$0xFFFFFFF0];
	v5 =	vmax.f32 v5, v61;
	v60 =	vmul.f32 $2.000000030e-01, v58  }
0x282: {  	v2 =	vadd.f32 v54, v6;
	v6 =	vadd.f32 v30, v31;
	v54 =	vmul.f32 v59, v63  }
0x283: {  	v7 =	vadd.f32 v7, v24;
	v5 =	vmul.f32 v5, v49;
	[tilespmem:s26+$0x70] =	vst v56  }
0x284: {  	[tilespmem:s26+$0x80] =	vst v11;
	v60 =	vmax.f32 v58, v60;
	v2 =	vadd.f32 v54, v2;
	v54 =	vmul.f32 $2.000000030e-01, v6  }
0x285: {  	v4 =	vadd.f32 v5, v4;
	[tilespmem:s26+$0x50] =	vst v10;
	v5 =	vmul.f32 v60, v49  }
0x286: {  	v11 =	vadd.f32 v51, v21;
	v10 =	vmul.f32 $2.000000030e-01, v7;
	[tilespmem:s26+$0xFFFFFF80] =	vst v8;
	v6 =	vmax.f32 v6, v54  }
0x287: {  	v35 =	vld [tilespmem:s28+$0xFFFFFFA0];
	[tilespmem:s26+$0x90] =	vst v52;
	v1 =	vadd.f32 v5, v1;
	v5 =	vmul.f32 v6, v13  }
0x288: {  	v61 =	vld [tilespmem:s25+$0xFFFFFFA0];
	v8, _, _ =	vpop (xrf2);
	[tilespmem:s26+$0xFFFFFF70] =	vst v9;
	v7 =	vmax.f32 v7, v10;
	v60 =	vmul.f32 $2.000000030e-01, v11  }
0x289: {  	[tilespmem:s26+$0xFFFFFF90] =	vst v3;
	v7 =	vmul.f32 v7, v13;
	v1 =	vadd.f32 v5, v1;
	v5 =	vmul.f32 $1.442695020e+00, v8  }
0x28a: {  	[tilespmem:s26+$0xFFFFFF60] =	vst v53;
	v8 =	vbroadcast v55, $0xF  }
0x28b: {  	v53 =	vld [tilespmem:$0x1FE60];
	(xrf2) =	vadd.scan.msk.f32 $0xffff, v2;
	v2 =	vmax.f32 v11, v60;
	v5 =	vbroadcast v5, $0xF  }
0x28c: {  	[tilespmem:s26+$0xFFFFFFB0] =	vst v62;
	v2 =	vmul.f32 v2, v63;
	(erf) = vpow2.f32 v8  }
0x28d: {  	v58 =	vadd.f32 v61, v35;
	v4 =	vadd.f32 v7, v4;
	v7 =	vpop (erf);
	(erf) = vpow2.f32 v5;
	v5 =	vld [tilespmem:$0x1FE50]  }
0x28e: {  	v1 =	vadd.f32 v2, v1  }
0x28f: {  	v10 =	vmul.f32 $2.000000030e-01, v58;
	(xrf2) =	vadd.scan.msk.f32 $0xffff, v48  }
0x290: {  	v30 =	vld [tilespmem:s28+$0x20];
	(xrf2) =	vadd.scan.msk.f32 $0xffff, v1;
	v1 =	vmul.f32 v7, v53  }
0x291: {  	v59 =	vld [tilespmem:s25+$0x20];
	v9 =	vmax.f32 v58, v10  }
0x292: {  	v48 =	vld [tilespmem:s28+$0x30];
	v8 =	vmul.f32 v9, v63;
	[tilespmem:s26+$0x40] =	vst v1;
	v5 =	vmul.f32 v7, v5  }
0x293: {  	v1 =	vld [tilespmem:$0x1FDD0]  }
0x294: {  	v4 =	vadd.f32 v8, v4;
	v8 =	vld [tilespmem:$0x1FE40];
	[tilespmem:s26+$0x30] =	vst v5  }
0x295: {  	v9 =	vld [tilespmem:$0x1FE30]  }
0x296: {  	v10 =	vld [tilespmem:$0x1FE20]  }
0x297: {  	v6 =	vadd.f32 v59, v30;
	_ =	sdelay $0x1  }
0x298: {  	v61 =	vmul.f32 $2.000000030e-01, v6;
	v8 =	vmul.f32 v7, v8  }
0x299: {  	v51 =	vld [tilespmem:s28+$0x40];
	v9 =	vmul.f32 v7, v9  }
0x29a: {  	v52 =	vld [tilespmem:s25+$0x40];
	v3 =	vmax.f32 v6, v61;
	v6 =	vadd.f32 v44, v48;
	[tilespmem:s26+$0x20] =	vst v8;
	v7 =	vmul.f32 v7, v10;
	v10 =	vpop (erf)  }
0x29b: {  	v11 =	vmul.f32 v10, v22;
	[tilespmem:s26+$0x10] =	vst v9  }
0x29c: {  	v5, _, _ =	vpop (xrf2);
	v8 =	vmul.f32 $2.000000030e-01, v6;
	[tilespmem:s26+$0x0] =	vst v7;
	v7 =	vmul.f32 v10, v27  }
0x29d: {  	v54 =	vmul.f32 v10, v40;
	[tilespmem:s24+$0xFFFFFFC0] =	vst v11;
	v9, _, _ =	vpop (xrf2)  }
0x29e: {  	v6 =	vmax.f32 v6, v8;
	[tilespmem:s24+$0xFFFFFFD0] =	vst v7;
	v7 =	vmul.f32 v10, v32;
	v8 =	vmul.f32 $1.442695020e+00, v9;
	v9 =	vpop (erf)  }
0x29f: {  	v2 =	vadd.f32 v52, v51;
	[tilespmem:s24+$0xFFFFFFF0] =	vst v54;
	v55 =	vmul.f32 v9, v15  }
0x2a0: {  	v0 =	vmul.f32 v0, v12;
	v56 =	vmul.f32 v9, v23;
	[tilespmem:s24+$0xFFFFFFE0] =	vst v7  }
0x2a1: {  	(xrf2) =	vadd.scan.msk.f32 $0xffff, v4;
	v4 =	vmul.f32 $2.000000030e-01, v2;
	v60 =	vmul.f32 v9, v16;
	[tilespmem:s24+$0x60] =	vst v55  }
0x2a2: {  	v3 =	vmul.f32 v3, v49;
	v11 =	vpop (erf);
	v61 =	vmul.f32 v9, v29;
	[tilespmem:s24+$0x70] =	vst v56  }
0x2a3: {  	v1 =	vmul.f32 v1, v19;
	v2 =	vmax.f32 v2, v4;
	v4 =	vmul.f32 v11, v47;
	[tilespmem:s24+$0x50] =	vst v60  }
0x2a4: {  	v0 =	vadd.f32 $0.0e+00, v0;
	v8 =	vbroadcast v8, $0xF;
	v16 =	vmul.f32 v11, v17;
	[tilespmem:s24+$0x90] =	vst v61  }
0x2a5: {  	v17 =	vmul.f32 v11, v36;
	v7, _, _ =	vpop (xrf2);
	[tilespmem:s24+$0xFFFFFFA0] =	vst v4;
	v4 =	vmul.f32 v9, v37  }
0x2a6: {  	v0 =	vadd.f32 v1, v0;
	(erf) = vpow2.f32 v8;
	v59 =	vmul.f32 $1.442695020e+00, v7;
	[tilespmem:s24+$0xFFFFFF70] =	vst v16  }
0x2a7: {  	v6 =	vmul.f32 v6, v13;
	[tilespmem:s24+$0x80] =	vst v4;
	v4 =	vmul.f32 v11, v26  }
0x2a8: {  	v0 =	vadd.f32 v3, v0;
	v58 =	vmul.f32 v2, v63;
	[tilespmem:s24+$0xFFFFFF90] =	vst v17;
	v2 =	vbroadcast v59, $0xF  }
0x2a9: {  	[tilespmem:s24+$0xFFFFFF80] =	vst v4  }
0x2aa: {  	v62 =	vmul.f32 $1.442695020e+00, v5;
	v0 =	vadd.f32 v6, v0;
	(erf) = vpow2.f32 v2;
	v2 =	vld [tilespmem:$0x1FE90];
	_ =	sdelay $0x1  }
0x2ab: {  	v1 =	vbroadcast v62, $0xF;
	v0 =	vadd.f32 v58, v0;
	_ =	sdelay $0x1  }
0x2ac: {  	(xrf2) =	vadd.scan.msk.f32 $0xffff, v0;
	v4 =	vmul.f32 v11, v14;
	v15, _, _ =	vpop (xrf2);
	(erf) = vpow2.f32 v1  }
0x2ad: {  	v0 =	vmul.f32 $1.442695020e+00, v15;
	v22 =	vpop (erf);
	v2 =	vmul.f32 v10, v2  }
0x2ae: {  	[tilespmem:s24+$0xFFFFFF60] =	vst v4;
	v23 =	vmul.f32 v22, v34  }
0x2af: {  	v0 =	vbroadcast v0, $0xF;
	v26 =	vmul.f32 v22, v25;
	[tilespmem:s24+$0xFFFFFFB0] =	vst v2  }
0x2b0: {  	[tilespmem:s24+$0x40] =	vst v23  }
0x2b1: {  	(erf) = vpow2.f32 v0;
	v0 =	vld [tilespmem:$0x1FEA0];
	[tilespmem:s24+$0x30] =	vst v26  }
0x2b2: {  	v27 =	vpop (erf);
	v3 =	vld [tilespmem:$0x1FE80]  }
0x2b3: {  	v29 =	vmul.f32 v27, v45  }
0x2b4: {  	s22 =	sadd.s32 $0x140, s22;
	v34 =	vmul.f32 v27, v28  }
0x2b5: {  	v2 =	vld [tilespmem:$0x1FE70];
	v36 =	vmul.f32 v27, v21;
	v4 =	vpop (erf);
	[tilespmem:s22+$0xFFFFFFC0] =	vst v29  }
0x2b6: {  	v32, _, _ =	vpop (xrf2);
	v37 =	vmul.f32 v27, v31;
	v40 =	vmul.f32 v4, v33;
	[tilespmem:s22+$0xFFFFFFD0] =	vst v34  }
0x2b7: {  	[tilespmem:s22+$0xFFFFFFF0] =	vst v36;
	v1 =	vmul.f32 v22, v3;
	v3 =	vmul.f32 $1.442695020e+00, v32  }
0x2b8: {  	v45 =	vmul.f32 v4, v41;
	[tilespmem:s22+$0xFFFFFFE0] =	vst v37  }
0x2b9: {  	v47 =	vmul.f32 v4, v18;
	[tilespmem:s22+$0x60] =	vst v40;
	v3 =	vbroadcast v3, $0xF  }
0x2ba: {  	v52 =	vmul.f32 v4, v46;
	[tilespmem:s22+$0x70] =	vst v45  }
0x2bb: {  	v54 =	vmul.f32 v4, v57;
	[tilespmem:s22+$0x80] =	vst v47;
	v5 =	vpop (erf);
	(erf) = vpow2.f32 v3  }
0x2bc: {  	[tilespmem:s22+$0x50] =	vst v52;
	v0 =	vmul.f32 v22, v0  }
0x2bd: {  	[tilespmem:s22+$0x90] =	vst v54;
	v2 =	vmul.f32 v22, v2  }
0x2be: {  	[tilespmem:s24+$0x20] =	vst v0  }
0x2bf: {  	v44 =	vmul.f32 v5, v35;
	[tilespmem:s24+$0x10] =	vst v2  }
0x2c0: {  	v53 =	vmul.f32 v5, v20;
	[tilespmem:s24+$0x0] =	vst v1  }
0x2c1: {  	v55 =	vmul.f32 v5, v50;
	[tilespmem:s22+$0xFFFFFFA0] =	vst v44  }
0x2c2: {  	v56 =	vmul.f32 v5, v24;
	[tilespmem:s22+$0xFFFFFF80] =	vst v53  }
0x2c3: {  	v57 =	vmul.f32 v5, v43;
	[tilespmem:s22+$0xFFFFFF70] =	vst v55  }
0x2c4: {  	v0 =	vmul.f32 v27, v42;
	[tilespmem:s22+$0xFFFFFF90] =	vst v56;
	v58 =	vpop (erf)  }
0x2c5: {  	[tilespmem:s22+$0xFFFFFF60] =	vst v57;
	v59 =	vmul.f32 v58, v51  }
0x2c6: {  	[tilespmem:s22+$0xFFFFFFB0] =	vst v0;
	v60 =	vmul.f32 v58, v48  }
0x2c7: {  	p0 =	seq.s32 s21, $0x3D;
	v61 =	vmul.f32 v58, v30;
	[tilespmem:s22+$0x40] =	vst v59  }
.Ltmp4:
0x2c8: {  	v62 =	vmul.f32 v58, v38;
	[tilespmem:s22+$0x30] =	vst v60;
	(pc) =	sbr.rel @p0 .LBB2_12-.Ltmp4, $4  }
0x2c9: {  	v1 =	vmul.f32 v58, v39;
	[tilespmem:s22+$0x20] =	vst v61  }
0x2ca: {  	[tilespmem:s22+$0x10] =	vst v62  }
0x2cb: {  	[tilespmem:s22+$0x0] =	vst v1  }
0x2cc: {  	v7 =	vmovc v63;
	v8 =	vmov v13;
	v41 =	vmov v19;
	v54 =	vmov v12;
	[spmem:s3] =	stream.indirect.scatter.add.f32 [tilespmem:s17], [sflag:$0x5], $0x50, s16, s7, $0xb8;
	[tilespmem:$0x1AD10] =	vst v63  }
.Ltmp5:
0x2cd: {  	(pc) =	sbr.rel .LBB2_6-.Ltmp5, $4  }
0x2ce: {  	s22 =	sadd.s32 $0xF0, s23  }
0x2cf: {  	[tilespmem:s11], [sflag:$0x3] =	stream.indirect.gather [hbm4b:s13+s7], $0x50, s22, s7, $0xb8;
	[tilespmem:$0x1AD10] =	vst v63  }
0x2d0: {  	s29 =	sadd.s32 $0x2800, s23;
	s21 =	sadd.s32 $0x1, s21  }
0x2d1: {  	[tilespmem:s12], [sflag:$0x3] =	stream.indirect.gather [hbm4b:s13+s7], $0x50, s29, s7, $0xb8;
	[tilespmem:$0x1AD10] =	vst v63  }
.LBB2_12:
0x2d2: {  	_ =	swait.ge [sflag:s18], $0x1900  }
0x2d3: {  	[sflag:s18] =	ssyncset.done $0x0  }
0x2d4: {  	[sflag:s18] =	ssyncadd.s32 $0xFFFFE700  }
0x2d5: {  	_ =	swait.ge [sflag:s0], $0x1900  }
0x2d6: {  	[sflag:s0] =	ssyncset.done $0x0  }
0x2d7: {  	[sflag:s0] =	ssyncadd.s32 $0xFFFFE700  }
0x2d8: {  	_ =	swait.ge [sflag:s0], $0x1900  }
0x2d9: {  	[sflag:s0] =	ssyncset.done $0x0  }
0x2da: {  	[sflag:s0] =	ssyncadd.s32 $0xFFFFE700  }
0x2db: {  	v0 =	vld [tilespmem:$0x4DD0]  }
0x2dc: {  	v1 =	vld [tilespmem:$0x4DE0]  }
0x2dd: {  	v2 =	vld [tilespmem:$0x4DF0]  }
0x2de: {  	v3 =	vld [tilespmem:$0x4E00]  }
0x2df: {  	v4 =	vld [tilespmem:$0x4E10]  }
0x2e0: {  	[tilespmem:$0xE420] =	vst v0  }
0x2e1: {  	[tilespmem:$0xE430] =	vst v1  }
0x2e2: {  	[tilespmem:$0xE440] =	vst v2  }
0x2e3: {  	[tilespmem:$0xE450] =	vst v3  }
0x2e4: {  	s22 =	simm.s32 $0x4EC0;
	[tilespmem:$0xE460] =	vst v4  }
0x2e5: {  	s21 =	simm.s32 $0x80C0;
	v17 =	vld [tilespmem:s22+$0x60]  }
0x2e6: {  	v0 =	vld [tilespmem:s21+$0x30]  }
0x2e7: {  	v1 =	vld [tilespmem:s21+$0xFFFFFF70]  }
0x2e8: {  	v2 =	vld [tilespmem:s21+$0xFFFFFFC0]  }
0x2e9: {  	v19 =	vld [tilespmem:s22+$0xFFFFFF60]  }
0x2ea: {  	v3 =	vld [tilespmem:s21+$0x60];
	[tilespmem:$0x1FDA0] =	vst v17  }
0x2eb: {  	v4 =	vld [tilespmem:s21+$0x50]  }
0x2ec: {  	v12 =	vld [tilespmem:s22+$0x50]  }
0x2ed: {  	v5 =	vld [tilespmem:s21+$0x10]  }
0x2ee: {  	v13 =	vld [tilespmem:s22+$0x10]  }
0x2ef: {  	v6 =	vld [tilespmem:s21+$0x0]  }
0x2f0: {  	v22 =	vld [tilespmem:s22+$0x0]  }
0x2f1: {  	v34 =	vld [tilespmem:s22+$0x70]  }
0x2f2: {  	v9 =	vld [tilespmem:s21+$0xFFFFFFB0]  }
0x2f3: {  	v21 =	vld [tilespmem:s22+$0xFFFFFFB0]  }
0x2f4: {  	v10 =	vld [tilespmem:s21+$0xFFFFFF60]  }
0x2f5: {  	v39 =	vld [tilespmem:s22+$0xFFFFFFC0]  }
0x2f6: {  	v20 =	vld [tilespmem:s22+$0xFFFFFF70];
	[tilespmem:$0x1FDB0] =	vst v34  }
0x2f7: {  	v11 =	vld [tilespmem:s21+$0x80]  }
0x2f8: {  	v14 =	vld [tilespmem:s21+$0xFFFFFF90]  }
0x2f9: {  	v15 =	vld [tilespmem:s21+$0xFFFFFFD0]  }
0x2fa: {  	v16 =	vld [tilespmem:s21+$0x20]  }
0x2fb: {  	v29 =	vld [tilespmem:s22+$0x20]  }
0x2fc: {  	v38 =	vld [tilespmem:s22+$0xFFFFFFD0]  }
0x2fd: {  	v3 =	vadd.f32 v3, v17;
	v17 =	vld [tilespmem:s21+$0xFFFFFF80]  }
0x2fe: {  	v4 =	vadd.f32 v4, v12;
	v6 =	vadd.f32 v6, v22;
	v18 =	vld [tilespmem:s21+$0xFFFFFFE0];
	[tilespmem:$0x1FCF0] =	vst v22  }
0x2ff: {  	v24 =	vmovc v12;
	v12 =	vmul.f32 $2.000000030e-01, v3;
	v9 =	vadd.f32 v9, v21;
	v5 =	vadd.f32 v5, v13;
	v42 =	vld [tilespmem:s22+$0xFFFFFFE0];
	[tilespmem:$0x1FD00] =	vst v13  }
0x300: {  	v10 =	vadd.f32 v10, v19;
	v2 =	vadd.f32 v2, v39;
	v13 =	vmul.f32 $2.000000030e-01, v4;
	v36 =	vld [tilespmem:s22+$0x90]  }
0x301: {  	v1 =	vadd.f32 v1, v20;
	v22 =	vmovc v19;
	v19 =	vmul.f32 $2.000000030e-01, v6;
	v23 =	vmul.f32 $2.000000030e-01, v9;
	v25 =	vld [tilespmem:s22+$0xFFFFFF80]  }
0x302: {  	v3 =	vmax.f32 v3, v12;
	v28 =	vmul.f32 $2.000000030e-01, v5;
	v12 =	vmul.f32 $2.000000030e-01, v10;
	v26 =	vld [tilespmem:s21+$0x70]  }
0x303: {  	v59 =	vmul.f32 $2.000000030e-01, v2;
	v27 =	vld [tilespmem:s22+$0xFFFFFF90];
	v3 =	vmul.f32 v3, v41;
	v6 =	vmax.f32 v6, v19  }
0x304: {  	v32 =	vld [tilespmem:s22+$0x80];
	v9 =	vmax.f32 v9, v23;
	v10 =	vmax.f32 v10, v12;
	v4 =	vmax.f32 v4, v13  }
0x305: {  	v19 =	vld [tilespmem:s21+$0x90];
	v5 =	vmax.f32 v5, v28;
	v6 =	vmul.f32 v6, v54;
	v9 =	vmul.f32 v9, v54;
	[tilespmem:$0x1FDC0] =	vst v36  }
0x306: {  	v10 =	vmul.f32 v10, v54;
	v4 =	vmul.f32 v4, v54;
	v60 =	vadd.f32 v16, v29;
	v12 =	vld [tilespmem:s22+$0x30]  }
0x307: {  	v2 =	vmax.f32 v2, v59;
	v6 =	vadd.f32 $0.0e+00, v6;
	v40 =	vadd.f32 $0.0e+00, v9;
	v13 =	vld [tilespmem:s22+$0x40];
	[tilespmem:$0x1FD10] =	vst v29  }
0x308: {  	v2 =	vmul.f32 v2, v41;
	v10 =	vadd.f32 $0.0e+00, v10;
	v4 =	vadd.f32 $0.0e+00, v4;
	v28 =	vld [tilespmem:s21+$0x40]  }
0x309: {  	v5 =	vmul.f32 v5, v41;
	v18 =	vadd.f32 v18, v42;
	v17 =	vadd.f32 v17, v25;
	v30 =	vld [tilespmem:s21+$0xFFFFFFF0]  }
0x30a: {  	v16 =	vmul.f32 $2.000000030e-01, v60;
	v11 =	vadd.f32 v11, v32;
	v29 =	vadd.f32 v15, v38;
	v33 =	vld [tilespmem:s22+$0xFFFFFFA0]  }
0x30b: {  	s28 =	simm.s32 $0x8200;
	v15 =	vmul.f32 $2.000000030e-01, v1;
	v5 =	vadd.f32 v5, v6;
	v6 =	vadd.f32 v14, v27;
	v50 =	vld [tilespmem:s22+$0xFFFFFFF0]  }
0x30c: {  	v35 =	vmul.f32 $2.000000030e-01, v18;
	v2 =	vadd.f32 v2, v40;
	v3 =	vadd.f32 v3, v4;
	v37 =	vld [tilespmem:s28+$0xFFFFFF70]  }
0x30d: {  	v63 =	vld [tilespmem:s28+$0xFFFFFFC0];
	v31 =	vmul.f32 $2.000000030e-01, v29;
	v1 =	vmax.f32 v1, v15;
	v15 =	vadd.f32 v26, v34  }
0x30e: {  	v61 =	vmax.f32 v60, v16;
	v26 =	vld [tilespmem:s21+$0xFFFFFFA0];
	v18 =	vmax.f32 v18, v35;
	v1 =	vmul.f32 v1, v41  }
0x30f: {  	s29 =	simm.s32 $0x5000;
	v34 =	vld [tilespmem:s28+$0x30];
	v18 =	vmul.f32 v18, v8;
	v14 =	vmul.f32 $2.000000030e-01, v15;
	v55 =	vmax.f32 v29, v31;
	[tilespmem:$0x1FD20] =	vst v12  }
0x310: {  	v1 =	vadd.f32 v1, v10;
	v0 =	vadd.f32 v0, v12;
	v12 =	vmul.f32 $2.000000030e-01, v17;
	v51 =	vld [tilespmem:s29+$0xFFFFFF60]  }
0x311: {  	v62 =	vmax.f32 v15, v14;
	v14 =	vadd.f32 v19, v36;
	v15 =	vmul.f32 $2.000000030e-01, v11;
	v4 =	vld [tilespmem:s28+$0x60]  }
0x312: {  	v10 =	vmul.f32 v61, v49;
	v52 =	vld [tilespmem:s28+$0x50];
	v30 =	vadd.f32 v30, v50;
	v16 =	vmul.f32 v62, v49  }
0x313: {  	v43 =	vld [tilespmem:s28+$0x10];
	v17 =	vmax.f32 v17, v12;
	v19 =	vmul.f32 $2.000000030e-01, v14;
	v11 =	vmax.f32 v11, v15  }
0x314: {  	v26 =	vadd.f32 v26, v33;
	v15 =	vld [tilespmem:s29+$0x60];
	v3 =	vadd.f32 v16, v3;
	v11 =	vmul.f32 v11, v8  }
0x315: {  	v12 =	vmul.f32 $2.000000030e-01, v6;
	v17 =	vmul.f32 v17, v49;
	v16 =	vld [tilespmem:s29+$0x50];
	[tilespmem:$0x1FD30] =	vst v13;
	v14 =	vmax.f32 v14, v19  }
0x316: {  	v57 =	vmul.f32 $2.000000030e-01, v26;
	v53 =	vld [tilespmem:s29+$0x10];
	v14 =	vmul.f32 v14, v7;
	v3 =	vadd.f32 v11, v3  }
0x317: {  	v6 =	vmax.f32 v6, v12;
	v29 =	vld [tilespmem:s28+$0x0];
	v1 =	vadd.f32 v17, v1;
	v17 =	vmul.f32 $2.000000030e-01, v30  }
0x318: {  	v56 =	vld [tilespmem:s29+$0x0];
	v6 =	vmul.f32 v6, v8;
	v3 =	vadd.f32 v14, v3;
	v14 =	vmul.f32 v55, v49  }
0x319: {  	v28 =	vadd.f32 v28, v13;
	v19 =	vmul.f32 $2.000000030e-01, v0;
	v12 =	vld [tilespmem:s29+$0xFFFFFFB0];
	v26 =	vmax.f32 v26, v57  }
0x31a: {  	v17 =	vmax.f32 v30, v17;
	v30 =	vld [tilespmem:s28+$0xFFFFFF60];
	v1 =	vadd.f32 v6, v1;
	v2 =	vadd.f32 v14, v2  }
0x31b: {  	v0 =	vmax.f32 v0, v19;
	v6 =	vmul.f32 v26, v7;
	(xrf2) =	vadd.scan.msk.f32 $0xffff, v3;
	v3 =	vld [tilespmem:s28+$0xFFFFFFB0];
	[tilespmem:$0x1FD40] =	vst v15  }
0x31c: {  	v4 =	vadd.f32 v4, v15;
	v13 =	vld [tilespmem:s29+$0xFFFFFFC0];
	v2 =	vadd.f32 v18, v2;
	v18 =	vmul.f32 v17, v7  }
0x31d: {  	v5 =	vadd.f32 v10, v5;
	v0 =	vmul.f32 v0, v8;
	v1 =	vadd.f32 v6, v1;
	v14 =	vld [tilespmem:s29+$0x70]  }
0x31e: {  	v58 =	vmul.f32 $2.000000030e-01, v4;
	v60 =	vadd.f32 v29, v56;
	v6 =	vld [tilespmem:s28+$0x80];
	v2 =	vadd.f32 v18, v2  }
0x31f: {  	v31 =	vmul.f32 $2.000000030e-01, v28;
	v26 =	vadd.f32 v52, v16;
	v0 =	vadd.f32 v0, v5;
	v17 =	vld [tilespmem:s29+$0xFFFFFF70];
	[tilespmem:$0x1FD50] =	vst v53  }
0x320: {  	v4 =	vmax.f32 v4, v58;
	v47 =	vmul.f32 $2.000000030e-01, v60;
	(xrf2) =	vadd.scan.msk.f32 $0xffff, v2;
	v2 =	vld [tilespmem:s28+$0xFFFFFF90];
	[tilespmem:$0x1FD60] =	vst v56  }
0x321: {  	v30 =	vadd.f32 v30, v51;
	v4 =	vmul.f32 v4, v41;
	v18 =	vmax.f32 v28, v31;
	[tilespmem:$0x1FD70] =	vst v12  }
0x322: {  	v28 =	vadd.f32 v43, v53;
	v31 =	vmul.f32 $2.000000030e-01, v26;
	v40 =	vmax.f32 v60, v47;
	v61 =	vld [tilespmem:s28+$0xFFFFFFD0];
	[tilespmem:$0x1FD80] =	vst v51  }
0x323: {  	v59 =	vmul.f32 v18, v7;
	v3 =	vadd.f32 v3, v12;
	v40 =	vmul.f32 v40, v54;
	v46 =	vld [tilespmem:s28+$0x20]  }
0x324: {  	v44 =	vmul.f32 $2.000000030e-01, v28;
	v26 =	vmax.f32 v26, v31;
	v31 =	vmul.f32 $2.000000030e-01, v30;
	v62 =	vld [tilespmem:s29+$0x20]  }
0x325: {  	v36 =	vadd.f32 v63, v13;
	v48 =	vmul.f32 $2.000000030e-01, v3;
	v45 =	vadd.f32 v59, v0;
	v29 =	vld [tilespmem:s29+$0xFFFFFFD0]  }
0x326: {  	v26 =	vmul.f32 v26, v54;
	v9 =	vadd.f32 v37, v17;
	v63 =	vld [tilespmem:s28+$0xFFFFFF80];
	v30 =	vmax.f32 v30, v31  }
0x327: {  	v31 =	vld [tilespmem:s29+$0xFFFFFFE0];
	v10 =	vmax.f32 v28, v44;
	v0 =	vmul.f32 v30, v54;
	v30 =	vmul.f32 $2.000000030e-01, v36  }
0x328: {  	v40 =	vadd.f32 $0.0e+00, v40;
	v28 =	vld [tilespmem:s29+$0xFFFFFF80];
	v3 =	vmax.f32 v3, v48;
	v35 =	vmul.f32 v10, v41;
	v5, _, _ =	vpop (xrf2);
	(xrf2) =	vadd.scan.msk.f32 $0xffff, v1  }
0x329: {  	v11 =	vld [tilespmem:s28+$0x70];
	v55 =	vadd.f32 $0.0e+00, v26;
	v57 =	vmul.f32 $2.000000030e-01, v9;
	v30 =	vmax.f32 v36, v30  }
0x32a: {  	v15 =	vmovc v41;
	v3 =	vmul.f32 v3, v54;
	v1 =	vld [tilespmem:s28+$0xFFFFFFE0];
	v5 =	vmul.f32 $1.442695020e+00, v5;
	v0 =	vadd.f32 $0.0e+00, v0  }
0x32b: {  	v60 =	vadd.f32 v35, v40;
	v10 =	vmax.f32 v9, v57;
	v4 =	vadd.f32 v4, v55;
	[tilespmem:$0x1FD90] =	vst v62  }
0x32c: {  	v3 =	vadd.f32 $0.0e+00, v3;
	v48 =	vmul.f32 v30, v41;
	v41 =	vmul.f32 v10, v41;
	v37 =	vld [tilespmem:s29+$0x80];
	v30, _, _ =	vpop (xrf2)  }
0x32d: {  	v46 =	vadd.f32 v46, v62;
	v53 =	vadd.f32 v61, v29;
	v56 =	vld [tilespmem:s28+$0x90];
	v51 =	vmul.f32 $1.442695020e+00, v30  }
0x32e: {  	v5 =	vbroadcast v5, $0xF;
	v58 =	vadd.f32 v63, v28;
	v40 =	vadd.f32 v11, v14;
	v30 =	vld [tilespmem:s29+$0x90]  }
0x32f: {  	v26 =	vld [tilespmem:s29+$0x30];
	v52 =	vmul.f32 $2.000000030e-01, v46;
	v1 =	vadd.f32 v1, v31;
	v44 =	vbroadcast v51, $0xF  }
0x330: {  	v36 =	vld [tilespmem:s29+$0xFFFFFF90];
	v0 =	vadd.f32 v41, v0;
	v59 =	vmul.f32 $2.000000030e-01, v53;
	v9 =	vmul.f32 $2.000000030e-01, v40  }
0x331: {  	v35 =	vld [tilespmem:s29+$0x40];
	v3 =	vadd.f32 v48, v3;
	v57 =	vmul.f32 $2.000000030e-01, v1;
	(erf) = vpow2.f32 v44  }
0x332: {  	v40 =	vmax.f32 v40, v9;
	v46 =	vmax.f32 v46, v52;
	v53 =	vmax.f32 v53, v59;
	v11, _, _ =	vpop (xrf2);
	v44 =	vld [tilespmem:s28+$0x40]  }
0x333: {  	v61 =	vmul.f32 $1.442695020e+00, v11;
	v11 =	vmul.f32 $2.000000030e-01, v58;
	v10 =	vadd.f32 v56, v30  }
0x334: {  	v62 =	vld [tilespmem:s28+$0xFFFFFFF0];
	v53 =	vmul.f32 v53, v49;
	v6 =	vadd.f32 v6, v37;
	v56 =	vadd.f32 v34, v26  }
0x335: {  	v34 =	vmul.f32 v40, v49;
	v40 =	vld [tilespmem:s29+$0xFFFFFFF0];
	v9 =	vmax.f32 v58, v11;
	v41 =	vmul.f32 $2.000000030e-01, v10  }
0x336: {  	v2 =	vadd.f32 v2, v36;
	v1 =	vmax.f32 v1, v57;
	v48 =	vmul.f32 v9, v49  }
0x337: {  	v43 =	vmax.f32 v10, v41;
	v10 =	vmul.f32 $2.000000030e-01, v6;
	v11 =	vadd.f32 v44, v35  }
0x338: {  	v46 =	vmul.f32 v46, v49;
	v3 =	vadd.f32 v53, v3;
	v1 =	vmul.f32 v1, v8  }
0x339: {  	v47 =	vld [tilespmem:s29+$0xFFFFFFA0];
	v52 =	vmul.f32 $2.000000030e-01, v2;
	v6 =	vmax.f32 v6, v10;
	v10 =	vmul.f32 $2.000000030e-01, v11  }
0x33a: {  	s23 =	simm.s32 $0x8340;
	v55 =	vld [tilespmem:s28+$0xFFFFFFA0];
	(erf) = vpow2.f32 v5;
	v0 =	vadd.f32 v48, v0;
	v5 =	vadd.f32 v62, v40;
	v48 =	vpop (erf)  }
0x33b: {  	v18 =	vmovc v54;
	v51 =	vld [tilespmem:s23+$0xFFFFFF70];
	v54 =	vmax.f32 v11, v10;
	v11 =	vbroadcast v61, $0xF;
	v61 =	vmul.f32 v48, v39  }
0x33c: {  	s25 =	simm.s32 $0x5140;
	s24 =	simm.s32 $0xB2C0;
	v2 =	vmax.f32 v2, v52;
	v52 =	vld [tilespmem:s23+$0xFFFFFFC0];
	v59 =	vmul.f32 $2.000000030e-01, v5;
	v10 =	vmul.f32 v48, v38  }
0x33d: {  	v19 =	vmovc v14;
	v14 =	vmov v49;
	v58 =	vadd.f32 v46, v60;
	v46 =	vld [tilespmem:s25+$0x50];
	v4 =	vadd.f32 v34, v4;
	[tilespmem:s24+$0xFFFFFFC0] =	vst v61  }
0x33e: {  	v60 =	vld [tilespmem:s23+$0xFFFFFFB0];
	v49 =	vadd.f32 v1, v3;
	v6 =	vmul.f32 v6, v8;
	v1 =	vmax.f32 v5, v59;
	[tilespmem:s24+$0xFFFFFFD0] =	vst v10  }
0x33f: {  	v3 =	vmul.f32 v1, v7;
	v1 =	vld [tilespmem:$0x1FDA0]  }
0x340: {  	v34 =	vld [tilespmem:s25+$0x60];
	v63 =	vmul.f32 v43, v7;
	v4 =	vadd.f32 v6, v4  }
0x341: {  	v9 =	vmul.f32 $2.000000030e-01, v56;
	v2 =	vmul.f32 v2, v8;
	v44 =	vld [tilespmem:s23+$0x30]  }
0x342: {  	v62 =	vld [tilespmem:s23+$0x50];
	v4 =	vadd.f32 v63, v4  }
0x343: {  	v55 =	vadd.f32 v55, v47;
	v6 =	vld [tilespmem:s23+$0x60];
	v57 =	vpop (erf);
	v63 =	vadd.f32 v2, v0;
	v2 =	vmax.f32 v56, v9  }
0x344: {  	(xrf2) =	vadd.scan.msk.f32 $0xffff, v4;
	v4 =	vmul.f32 v2, v8;
	v2 =	vmul.f32 v57, v1;
	v1 =	vld [tilespmem:$0x1FDB0]  }
0x345: {  	v41 =	vld [tilespmem:s23+$0x10];
	v9 =	vmul.f32 $2.000000030e-01, v55  }
0x346: {  	v38 =	vld [tilespmem:s25+$0x10];
	v50 =	vmul.f32 v48, v50  }
0x347: {  	(erf) = vpow2.f32 v11;
	v39 =	vmax.f32 v55, v9;
	v55 =	vld [tilespmem:s23+$0x0]  }
0x348: {  	v11 =	vmul.f32 v39, v7;
	v39 =	vld [tilespmem:s25+$0x0];
	[tilespmem:s24+$0xFFFFFFF0] =	vst v50  }
0x349: {  	v9 =	vadd.f32 v62, v46;
	v6 =	vadd.f32 v6, v34;
	v56 =	vmul.f32 v57, v1;
	v1 =	vld [tilespmem:$0x1FDC0]  }
0x34a: {  	v5 =	vmul.f32 v48, v42;
	v42 =	vld [tilespmem:s25+$0xFFFFFFB0];
	v3 =	vadd.f32 v3, v49  }
0x34b: {  	v43 =	vld [tilespmem:s25+$0xFFFFFF60];
	v10 =	vmul.f32 $2.000000030e-01, v9;
	v4 =	vadd.f32 v4, v58;
	v0 =	vmul.f32 $2.000000030e-01, v6  }
0x34c: {  	v23 =	vmovc v20;
	v62 =	vadd.f32 v41, v38;
	(xrf2) =	vadd.scan.msk.f32 $0xffff, v45;
	v45 =	vld [tilespmem:s25+$0xFFFFFFC0];
	v59 =	vadd.f32 v11, v63  }
0x34d: {  	v20 =	vmovc v13;
	v41 =	vld [tilespmem:s25+$0x70];
	v11 =	vmul.f32 v54, v7;
	v61 =	vmax.f32 v9, v10;
	v6 =	vmax.f32 v6, v0  }
0x34e: {  	v12 =	vmovc v7;
	v13 =	vmovc v8;
	v63 =	vld [tilespmem:s23+$0xFFFFFF60];
	v0 =	vmul.f32 $2.000000030e-01, v62;
	v53 =	vmul.f32 v57, v1;
	v1 =	vadd.f32 v55, v39  }
0x34f: {  	s22 =	simm.s32 $0xB400;
	s21 =	simm.s32 $0xB400;
	v58 =	vld [tilespmem:s23+$0x80];
	v49 =	vadd.f32 v11, v4;
	v54 =	vmul.f32 v6, v15;
	v6 =	vadd.f32 v60, v42;
	[tilespmem:s24+$0xFFFFFFE0] =	vst v5;
	v4, _, _ =	vpop (xrf2)  }
0x350: {  	s26 =	simm.s32 $0x8;
	v50 =	vld [tilespmem:s25+$0xFFFFFF70];
	v60 =	vpop (erf);
	[tilespmem:s24+$0x60] =	vst v2;
	(xrf2) =	vadd.scan.msk.f32 $0xffff, v3;
	v55 =	vmul.f32 $1.442695020e+00, v4;
	v2 =	vmul.f32 $2.000000030e-01, v1  }
.LBB2_13:
0x351: {  	v5 =	vmul.f32 v60, v33  }
0x352: {  	v4 =	vld [tilespmem:s23+$0xFFFFFF90];
	v9 =	vmul.f32 v57, v32;
	v32 =	vmov v37;
	v37 =	vmul.f32 v60, v25  }
0x353: {  	v7 =	vld [tilespmem:s25+$0x20];
	v0 =	vmax.f32 v62, v0;
	v11 =	vmul.f32 $2.000000030e-01, v6;
	v3 =	vadd.f32 v63, v43  }
0x354: {  	v62 =	vld [tilespmem:s23+$0xFFFFFFD0];
	v1 =	vmax.f32 v1, v2;
	v2 =	vmul.f32 v60, v27;
	[tilespmem:s24+$0xFFFFFFA0] =	vst v5;
	v5 =	vmul.f32 v57, v24  }
0x355: {  	v33 =	vmovc v47;
	v25 =	vmovc v28;
	v27 =	vmov v36;
	v1 =	vmul.f32 v1, v18;
	v63 =	vld [tilespmem:s23+$0x20];
	v36 =	vmul.f32 $2.000000030e-01, v3  }
0x356: {  	v24 =	vmovc v16;
	v57 =	vld [tilespmem:s25+$0xFFFFFFD0];
	v16 =	vmovc v46;
	v46 =	vmul.f32 v60, v23;
	v23 =	vmov v17;
	v52 =	vadd.f32 v52, v45  }
0x357: {  	v0 =	vmul.f32 v0, v15;
	v1 =	vadd.f32 $0.0e+00, v1;
	[tilespmem:s24+$0x50] =	vst v5;
	v47, _, _ =	vpop (xrf2);
	v3 =	vmax.f32 v3, v36  }
0x358: {  	v17 =	vmovc v50;
	(xrf2) =	vadd.scan.msk.f32 $0xffff, v59;
	v59 =	vmul.f32 $2.000000030e-01, v52;
	v36 =	vmul.f32 $1.442695020e+00, v47;
	v47 =	vld [tilespmem:s23+$0xFFFFFF80];
	[tilespmem:s24+$0xFFFFFF80] =	vst v37  }
0x359: {  	v5 =	vmul.f32 v61, v18;
	v3 =	vmul.f32 v3, v18;
	v28 =	vld [tilespmem:s25+$0xFFFFFF80];
	[tilespmem:s24+$0xFFFFFF70] =	vst v46;
	v46 =	vadd.f32 v51, v17  }
0x35a: {  	v8 =	vld [tilespmem:s23+$0xFFFFFFE0];
	[tilespmem:s24+$0x70] =	vst v56;
	v61 =	vmax.f32 v52, v59;
	v52 =	vadd.f32 v63, v7;
	v36 =	vbroadcast v36, $0xF  }
0x35b: {  	v56 =	vld [tilespmem:s25+$0xFFFFFFE0];
	[tilespmem:s24+$0x90] =	vst v53;
	v59 =	vadd.f32 v62, v57;
	v62, _, _ =	vpop (xrf2);
	v63 =	vmov v43;
	v43 =	vmul.f32 $2.000000030e-01, v46  }
0x35c: {  	[tilespmem:s24+$0x80] =	vst v9;
	v6 =	vmax.f32 v6, v11;
	v11 =	vld [tilespmem:$0x1FD30];
	v51 =	vmul.f32 $1.442695020e+00, v62;
	(erf) = vpow2.f32 v36  }
0x35d: {  	v50 =	vmul.f32 v60, v22;
	v0 =	vadd.f32 v0, v1;
	v62 =	vld [tilespmem:s23+$0x90];
	v43 =	vmax.f32 v46, v43  }
0x35e: {  	v3 =	vadd.f32 $0.0e+00, v3;
	v36 =	vld [tilespmem:s25+$0xFFFFFF90];
	v1 =	vbroadcast v51, $0xF;
	v43 =	vmul.f32 v43, v15  }
0x35f: {  	[tilespmem:s24+$0xFFFFFF90] =	vst v2;
	v2 =	vld [tilespmem:$0x1FD80]  }
0x360: {  	[tilespmem:s24+$0xFFFFFF60] =	vst v50;
	v50 =	vld [tilespmem:s25+$0x90];
	(erf) = vpow2.f32 v1;
	v1 =	vadd.f32 v43, v3;
	v3 =	vmul.f32 v48, v21  }
0x361: {  	[tilespmem:$0x1FD80] =	vst v63;
	v63 =	vadd.f32 v47, v28;
	v47 =	vld [tilespmem:s25+$0x30]  }
0x362: {  	v6 =	vmul.f32 v6, v18;
	[tilespmem:s24+$0xFFFFFFB0] =	vst v3;
	v3 =	vld [tilespmem:$0x1FD20]  }
0x363: {  	v5 =	vadd.f32 $0.0e+00, v5;
	v53 =	vmul.f32 v61, v15;
	v61 =	vld [tilespmem:s23+$0x70]  }
0x364: {  	v55 =	vbroadcast v55, $0xF;
	v6 =	vadd.f32 $0.0e+00, v6;
	v8 =	vadd.f32 v8, v56;
	v37 =	vld [tilespmem:s25+$0x80]  }
0x365: {  	v9 =	vld [tilespmem:s25+$0x40];
	v5 =	vadd.f32 v54, v5;
	v22 =	vmov v2;
	v2 =	vmul.f32 $2.000000030e-01, v52;
	v21 =	vpop (erf)  }
0x366: {  	v54 =	vld [tilespmem:$0x1FD90];
	v60 =	vmul.f32 $2.000000030e-01, v59;
	v43 =	vadd.f32 v62, v50;
	v48 =	vmul.f32 v21, v11  }
0x367: {  	v2 =	vmax.f32 v52, v2;
	v62 =	vadd.f32 v44, v47;
	v44 =	vld [tilespmem:s23+$0x40];
	v52 =	vmul.f32 v21, v3  }
0x368: {  	v6 =	vadd.f32 v53, v6;
	v46 =	vmul.f32 $2.000000030e-01, v8;
	v51 =	vadd.f32 v61, v41;
	[tilespmem:s24+$0x40] =	vst v48;
	v48 =	vld [tilespmem:$0x1FD10]  }
0x369: {  	v58 =	vadd.f32 v58, v37;
	v10, _, _ =	vpop (xrf2);
	v11 =	vmov v35;
	v35 =	vmul.f32 $2.000000030e-01, v63;
	[tilespmem:s24+$0x30] =	vst v52;
	v52 =	vld [tilespmem:$0x1FD00]  }
0x36a: {  	v53 =	vmovc v26;
	v4 =	vadd.f32 v4, v36;
	v61 =	vmul.f32 $1.442695020e+00, v10;
	v10 =	vmul.f32 $2.000000030e-01, v51;
	v26 =	vmovc v47;
	v47 =	vld [tilespmem:s25+$0xFFFFFFA0]  }
0x36b: {  	v59 =	vmax.f32 v59, v60;
	[tilespmem:$0x1FD20] =	vst v53;
	v3 =	vmovc v54;
	v54 =	vmov v7;
	v7 =	vmax.f32 v63, v35;
	v63 =	vld [tilespmem:$0x1FCF0]  }
0x36c: {  	v53 =	vmul.f32 $2.000000030e-01, v4;
	v10 =	vmax.f32 v51, v10;
	v51 =	vmul.f32 $2.000000030e-01, v43;
	[tilespmem:$0x1FD30] =	vst v11;
	v11 =	vld [tilespmem:s23+$0xFFFFFFF0]  }
0x36d: {  	v8 =	vmax.f32 v8, v46;
	[tilespmem:$0x1FD90] =	vst v54;
	v54 =	vld [tilespmem:s25+$0xFFFFFFF0];
	s25 =	sadd.s32 $0x140, s25;
	v7 =	vmul.f32 v7, v14;
	v48 =	vmul.f32 v21, v48  }
0x36e: {  	v2 =	vmul.f32 v2, v14;
	[tilespmem:$0x1FD10] =	vst v3;
	v3 =	vmax.f32 v43, v51;
	v46 =	vld [tilespmem:s25+$0x50];
	v43 =	vmul.f32 v21, v52  }
0x36f: {  	v60 =	vbroadcast v61, $0xF;
	v10 =	vmul.f32 v10, v14;
	v4 =	vmax.f32 v4, v53;
	v35 =	vmovc v9;
	v9 =	vld [tilespmem:s23+$0xFFFFFFA0];
	[tilespmem:s24+$0x20] =	vst v48  }
0x370: {  	v0 =	vadd.f32 v2, v0;
	v51 =	vmul.f32 $2.000000030e-01, v58;
	s23 =	sadd.s32 $0x140, s23;
	v21 =	vmul.f32 v21, v63;
	v52 =	vld [tilespmem:$0x1FD50];
	[tilespmem:s24+$0x10] =	vst v43  }
0x371: {  	v2 =	vadd.f32 v44, v35;
	v1 =	vadd.f32 v7, v1;
	v7 =	vmovc v38;
	v38 =	vmul.f32 v59, v14;
	v44 =	vld [tilespmem:s23+$0x30]  }
0x372: {  	v4 =	vmul.f32 v4, v13;
	v5 =	vadd.f32 v10, v5;
	v48 =	vpop (erf);
	[tilespmem:s24+$0x0] =	vst v21;
	(erf) = vpow2.f32 v55;
	v55 =	vld [tilespmem:$0x1FD60]  }
0x373: {  	v11 =	vadd.f32 v11, v54;
	v6 =	vadd.f32 v38, v6;
	v43 =	vmax.f32 v58, v51;
	v38 =	vld [tilespmem:s25+$0x10]  }
0x374: {  	v9 =	vadd.f32 v9, v47;
	v10 =	vmul.f32 v43, v13;
	v59 =	vmul.f32 v48, v40;
	v40 =	vmovc v54;
	v54 =	vld [tilespmem:s23+$0x0]  }
0x375: {  	v53 =	vmovc v39;
	v3 =	vmul.f32 v3, v12;
	v1 =	vadd.f32 v4, v1;
	v58 =	vmul.f32 $2.000000030e-01, v2;
	v39 =	vld [tilespmem:s25+$0x0]  }
0x376: {  	v4 =	vmul.f32 $2.000000030e-01, v9;
	v61 =	vmul.f32 v48, v20;
	v21 =	vmovc v52;
	v52 =	vld [tilespmem:s23+$0xFFFFFFC0];
	v5 =	vadd.f32 v10, v5  }
0x377: {  	v8 =	vmul.f32 v8, v13;
	[tilespmem:$0x1FD50] =	vst v7;
	s24 =	smov.u32 s22;
	v2 =	vmax.f32 v2, v58;
	v58 =	vmul.f32 v48, v29;
	v10 =	vld [tilespmem:s23+$0x60]  }
0x378: {  	v63 =	vmul.f32 $2.000000030e-01, v62;
	v4 =	vmax.f32 v9, v4;
	[tilespmem:s24+$0xFFFFFFC0] =	vst v61;
	v3 =	vadd.f32 v3, v5;
	v5 =	vld [tilespmem:s23+$0x50]  }
0x379: {  	v7 =	vmovc v42;
	v42 =	vmul.f32 $2.000000030e-01, v11;
	v4 =	vmul.f32 v4, v12;
	[tilespmem:s24+$0xFFFFFFD0] =	vst v58;
	v43 =	vmov v55;
	v55 =	vld [tilespmem:$0x1FD70]  }
0x37a: {  	v63 =	vmax.f32 v62, v63;
	v6 =	vadd.f32 v8, v6;
	[tilespmem:$0x1FD70] =	vst v7;
	v7 =	vld [tilespmem:s25+$0x60];
	(xrf2) =	vadd.scan.msk.f32 $0xffff, v3  }
0x37b: {  	v8 =	vmax.f32 v11, v42;
	v11 =	vmul.f32 v63, v13;
	[tilespmem:s24+$0xFFFFFFF0] =	vst v59;
	v59 =	vadd.f32 v4, v1;
	v1 =	vld [tilespmem:$0x1FD40]  }
0x37c: {  	(erf) = vpow2.f32 v60;
	v9 =	vld [tilespmem:s23+$0xFFFFFFB0]  }
0x37d: {  	[tilespmem:$0x1FD60] =	vst v53;
	v60 =	vmul.f32 v48, v31;
	v2 =	vmul.f32 v2, v12;
	v11 =	vadd.f32 v11, v0;
	v3 =	vld [tilespmem:s23+$0x10]  }
0x37e: {  	v20 =	vmov v45;
	v29 =	vmov v57;
	v31 =	vmov v56;
	[tilespmem:$0x1FD00] =	vst v21;
	v42 =	vld [tilespmem:s25+$0xFFFFFFB0]  }
0x37f: {  	s26 =	sadd.s32 $0x4, s26;
	v51 =	vld [tilespmem:s23+$0xFFFFFF70];
	v8 =	vmul.f32 v8, v12;
	[tilespmem:s24+$0xFFFFFFE0] =	vst v60;
	(xrf2) =	vadd.scan.msk.f32 $0xffff, v49;
	v49 =	vadd.f32 v2, v11;
	v57 =	vpop (erf)  }
0x380: {  	p0 =	slt.u32 s26, $0x4C;
	v63 =	vld [tilespmem:s23+$0xFFFFFF60];
	[tilespmem:$0x1FCF0] =	vst v43;
	v5 =	vadd.f32 v5, v46;
	v10 =	vadd.f32 v10, v7;
	v4 =	vmul.f32 v57, v1  }
.Ltmp6:
0x381: {  	v45 =	vld [tilespmem:s25+$0xFFFFFFC0];
	v21 =	vmovc v55;
	v56 =	vmul.f32 v57, v19;
	v53 =	vmul.f32 v57, v30;
	v30 =	vmovc v50;
	v1 =	vmov v34;
	(pc) =	sbr.rel @p0 .LBB2_13-.Ltmp6, $4  }
0x382: {  	v43 =	vld [tilespmem:s25+$0xFFFFFF60];
	v34 =	vmovc v7;
	v62 =	vadd.f32 v3, v38;
	[tilespmem:$0x1FD40] =	vst v1;
	v1 =	vadd.f32 v54, v39;
	v55 =	vmul.f32 $2.000000030e-01, v10  }
0x383: {  	v50 =	vld [tilespmem:s25+$0xFFFFFF70];
	v7 =	vadd.f32 v8, v6;
	v19 =	vmovc v41;
	v6 =	vadd.f32 v9, v42;
	v61 =	vmul.f32 $2.000000030e-01, v5;
	[tilespmem:s24+$0x60] =	vst v4  }
0x384: {  	s21 =	sadd.s32 $0x140, s21;
	v0 =	vmul.f32 $2.000000030e-01, v62;
	v41 =	vld [tilespmem:s25+$0x70];
	v2 =	vmul.f32 $2.000000030e-01, v1;
	v10 =	vmax.f32 v10, v55;
	v3, _, _ =	vpop (xrf2)  }
0x385: {  	s22 =	smov.u32 s21;
	v60 =	vpop (erf);
	v61 =	vmax.f32 v5, v61;
	v58 =	vld [tilespmem:s23+$0x80];
	v54 =	vmul.f32 v10, v15;
	(xrf2) =	vadd.scan.msk.f32 $0xffff, v7;
	v55 =	vmul.f32 $1.442695020e+00, v3  }
0x386: {  	_ = 	snop  }
0x387: {  	v3 =	vadd.f32 v63, v43;
	_ =	sdelay $0x1  }
0x388: {  	v63 =	vmul.f32 $2.000000030e-01, v3  }
0x389: {  	v4 =	vmul.f32 $2.000000030e-01, v6;
	v7 =	vld [tilespmem:s23+$0x70];
	v5, _, _ =	vpop (xrf2)  }
0x38a: {  	v1 =	vmax.f32 v1, v2;
	v2 =	vmul.f32 $1.442695020e+00, v5;
	v3 =	vmax.f32 v3, v63;
	v63 =	vld [tilespmem:s25+$0x80]  }
0x38b: {  	v8 =	vmul.f32 v57, v32;
	v4 =	vmax.f32 v6, v4;
	v6 =	vmul.f32 v57, v24  }
0x38c: {  	v57 =	vmul.f32 v1, v18;
	v1 =	vbroadcast v2, $0xF;
	v2 =	vadd.f32 v52, v45  }
0x38d: {  	v9 =	vmul.f32 v4, v18;
	v4 =	vmul.f32 v61, v18  }
0x38e: {  	v10 =	vld [tilespmem:s23+$0xFFFFFFD0];
	v7 =	vadd.f32 v7, v41;
	v3 =	vmul.f32 v3, v18;
	v18 =	vmul.f32 $2.000000030e-01, v2  }
0x38f: {  	v11 =	vld [tilespmem:s23+$0x20];
	v33 =	vmul.f32 v60, v33;
	[tilespmem:$0x1FCE0] =	vst v63  }
0x390: {  	v0 =	vmax.f32 v62, v0;
	v2 =	vmax.f32 v2, v18;
	v18 =	vmul.f32 $2.000000030e-01, v7;
	v32 =	vld [tilespmem:s23+$0x90]  }
0x391: {  	v61 =	vmul.f32 v60, v23;
	(erf) = vpow2.f32 v1;
	v1 =	vadd.f32 v51, v50;
	v23 =	vld [tilespmem:s25+$0x90]  }
0x392: {  	v4 =	vadd.f32 $0.0e+00, v4;
	v51 =	vmul.f32 v60, v27;
	v27, _, _ =	vpop (xrf2);
	v7 =	vmax.f32 v7, v18;
	v18 =	vld [tilespmem:s25+$0xFFFFFFD0]  }
0x393: {  	v5 =	vmul.f32 $2.000000030e-01, v1;
	v62 =	vmul.f32 $1.442695020e+00, v27;
	v27 =	vadd.f32 v58, v63;
	v58 =	vld [tilespmem:s23+$0xFFFFFFE0]  }
0x394: {  	v9 =	vadd.f32 $0.0e+00, v9;
	v52 =	vmul.f32 v60, v25;
	v4 =	vadd.f32 v54, v4;
	v25 =	vld [tilespmem:s25+$0xFFFFFFE0]  }
0x395: {  	v60 =	vmul.f32 v60, v22;
	v2 =	vmul.f32 v2, v15;
	v1 =	vmax.f32 v1, v5  }
0x396: {  	(xrf2) =	vadd.scan.msk.f32 $0xffff, v59;
	v3 =	vadd.f32 $0.0e+00, v3;
	v59 =	vld [tilespmem:s23+$0xFFFFFFF0];
	v22 =	vbroadcast v62, $0xF;
	v1 =	vmul.f32 v1, v15  }
0x397: {  	v5 =	vmul.f32 v0, v15;
	v15 =	vadd.f32 v32, v23;
	v32 =	vld [tilespmem:s25+$0xFFFFFFF0];
	v10 =	vadd.f32 v10, v18  }
0x398: {  	v63 =	vmul.f32 $2.000000030e-01, v27;
	(erf) = vpow2.f32 v22;
	v1 =	vadd.f32 v1, v3  }
0x399: {  	v3 =	vadd.f32 v58, v25;
	v22 =	vmul.f32 $2.000000030e-01, v15;
	v0 =	vmul.f32 $2.000000030e-01, v10  }
0x39a: {  	v7 =	vmul.f32 v7, v14;
	v2 =	vadd.f32 v2, v9;
	v27 =	vmax.f32 v27, v63  }
0x39b: {  	v63 =	vmax.f32 v15, v22;
	v15 =	vmul.f32 $2.000000030e-01, v3;
	v0 =	vmax.f32 v10, v0  }
0x39c: {  	[tilespmem:s24+$0xFFFFFFA0] =	vst v33;
	v62 =	vld [tilespmem:s23+$0xFFFFFF80];
	v7 =	vadd.f32 v7, v4;
	v22 =	vadd.f32 v59, v32;
	v0 =	vmul.f32 v0, v14  }
0x39d: {  	[tilespmem:s24+$0x70] =	vst v56;
	v4 =	vld [tilespmem:s25+$0xFFFFFF80];
	v27 =	vmul.f32 v27, v13;
	v9 =	vmul.f32 v63, v12;
	v3 =	vmax.f32 v3, v15  }
0x39e: {  	[tilespmem:s24+$0x80] =	vst v8;
	v58 =	vld [tilespmem:s23+$0xFFFFFF90];
	v3 =	vmul.f32 v3, v13;
	v63 =	vmul.f32 $2.000000030e-01, v22;
	v0 =	vadd.f32 v0, v2  }
0x39f: {  	[tilespmem:s24+$0x50] =	vst v6;
	v7 =	vadd.f32 v27, v7;
	v27 =	vld [tilespmem:s25+$0xFFFFFF90]  }
0x3a0: {  	[tilespmem:s24+$0xFFFFFF80] =	vst v52;
	v0 =	vadd.f32 v3, v0;
	v3 =	vmax.f32 v22, v63  }
0x3a1: {  	v33 =	vld [tilespmem:s25+$0xFFFFFFA0];
	[tilespmem:s24+$0x90] =	vst v53;
	v7 =	vadd.f32 v9, v7;
	v3 =	vmul.f32 v3, v12  }
0x3a2: {  	v56 =	vld [tilespmem:s23+$0xFFFFFFA0];
	[tilespmem:s24+$0xFFFFFF70] =	vst v61;
	v54 =	vadd.f32 v62, v4  }
0x3a3: {  	v24 =	vld [tilespmem:s25+$0x20];
	[tilespmem:s24+$0xFFFFFF90] =	vst v51;
	v15 =	vmul.f32 v48, v21;
	(xrf2) =	vadd.scan.msk.f32 $0xffff, v7;
	v0 =	vadd.f32 v3, v0  }
0x3a4: {  	v52, _, _ =	vpop (xrf2);
	[tilespmem:s24+$0xFFFFFF60] =	vst v60;
	v59 =	vmul.f32 $2.000000030e-01, v54;
	v62 =	vadd.f32 v58, v27;
	(xrf2) =	vadd.scan.msk.f32 $0xffff, v49  }
0x3a5: {  	v8 =	vmul.f32 $1.442695020e+00, v52;
	(xrf2) =	vadd.scan.msk.f32 $0xffff, v0;
	v0 =	vld [tilespmem:$0x1FD30];
	[tilespmem:s24+$0xFFFFFFB0] =	vst v15  }
0x3a6: {  	v55 =	vbroadcast v55, $0xF;
	v6 =	vmax.f32 v54, v59;
	v54 =	vmul.f32 $2.000000030e-01, v62;
	v59 =	vld [tilespmem:$0x1FD20]  }
0x3a7: {  	v8 =	vbroadcast v8, $0xF;
	v9 =	vadd.f32 v56, v33;
	v6 =	vmul.f32 v6, v14  }
0x3a8: {  	(erf) = vpow2.f32 v55;
	v11 =	vadd.f32 v11, v24;
	v48 =	vld [tilespmem:s25+$0x40];
	v7 =	vmax.f32 v62, v54  }
0x3a9: {  	v58 =	vpop (erf);
	v56 =	vld [tilespmem:s23+$0x40];
	v1 =	vadd.f32 v6, v1;
	v7 =	vmul.f32 v7, v13;
	v3 =	vmul.f32 $2.000000030e-01, v9  }
0x3aa: {  	v21 =	vld [tilespmem:s25+$0x30];
	v2 =	vmul.f32 $2.000000030e-01, v11;
	v0 =	vmul.f32 v58, v0  }
0x3ab: {  	v1 =	vadd.f32 v7, v1;
	v3 =	vmax.f32 v9, v3;
	v7 =	vmul.f32 v58, v59  }
0x3ac: {  	(erf) = vpow2.f32 v8;
	v3 =	vmul.f32 v3, v12;
	[tilespmem:s24+$0x40] =	vst v0  }
0x3ad: {  	v2 =	vmax.f32 v11, v2;
	v60 =	vld [tilespmem:$0x1FD10];
	[tilespmem:s24+$0x30] =	vst v7  }
0x3ae: {  	v61 =	vadd.f32 v56, v48;
	v0 =	vmul.f32 v2, v14;
	v14 =	vpop (erf);
	v7 =	vld [tilespmem:$0x1FD00]  }
0x3af: {  	v1 =	vadd.f32 v3, v1;
	v2 =	vadd.f32 v44, v21;
	v44 =	vmul.f32 v14, v20;
	v11 =	vld [tilespmem:$0x1FCF0]  }
0x3b0: {  	v62 =	vadd.f32 $0.0e+00, v57;
	v3, _, _ =	vpop (xrf2);
	v49 =	vmul.f32 v14, v29  }
0x3b1: {  	v15, _, _ =	vpop (xrf2);
	(xrf2) =	vadd.scan.msk.f32 $0xffff, v1;
	v1 =	vmul.f32 $2.000000030e-01, v61;
	v51 =	vmul.f32 v14, v40;
	[tilespmem:s22+$0xFFFFFFC0] =	vst v44  }
0x3b2: {  	v63 =	vmul.f32 $2.000000030e-01, v2;
	[tilespmem:s22+$0xFFFFFFD0] =	vst v49;
	v8 =	vmul.f32 v58, v60  }
0x3b3: {  	v5 =	vadd.f32 v5, v62;
	[tilespmem:s22+$0xFFFFFFF0] =	vst v51;
	v7 =	vmul.f32 v58, v7  }
0x3b4: {  	v1 =	vmax.f32 v61, v1;
	v53 =	vpop (erf);
	v2 =	vmax.f32 v2, v63;
	v6 =	vmul.f32 v58, v11;
	[tilespmem:s24+$0x20] =	vst v8  }
0x3b5: {  	v52 =	vmul.f32 v14, v31;
	v0 =	vadd.f32 v0, v5;
	v55 =	vpop (erf);
	v2 =	vmul.f32 v2, v13;
	[tilespmem:s24+$0x10] =	vst v7  }
0x3b6: {  	v1 =	vmul.f32 v1, v12;
	v56 =	vmul.f32 v55, v47;
	[tilespmem:s24+$0x0] =	vst v6  }
0x3b7: {  	v0 =	vadd.f32 v2, v0;
	v2 =	vmul.f32 v53, v19;
	v7 =	vmul.f32 $1.442695020e+00, v15;
	v54 =	vld [tilespmem:$0x1FD40];
	[tilespmem:s22+$0xFFFFFFE0] =	vst v52  }
0x3b8: {  	v59 =	vmul.f32 v53, v37;
	v57, _, _ =	vpop (xrf2);
	v61 =	vmul.f32 v55, v28;
	[tilespmem:s22+$0xFFFFFFA0] =	vst v56  }
0x3b9: {  	v58 =	vmul.f32 $1.442695020e+00, v57;
	[tilespmem:s22+$0x70] =	vst v2;
	v7 =	vbroadcast v7, $0xF  }
0x3ba: {  	v60 =	vmul.f32 v53, v30;
	v0 =	vadd.f32 v1, v0;
	v1 =	vmul.f32 v53, v16;
	[tilespmem:s22+$0x80] =	vst v59  }
0x3bb: {  	v2 =	vbroadcast v58, $0xF;
	[tilespmem:s22+$0xFFFFFF80] =	vst v61;
	(erf) = vpow2.f32 v7  }
0x3bc: {  	[tilespmem:s22+$0x90] =	vst v60;
	v5 =	vmul.f32 v53, v54  }
0x3bd: {  	[tilespmem:s22+$0x50] =	vst v1;
	(erf) = vpow2.f32 v2;
	v2 =	vmul.f32 v55, v17  }
0x3be: {  	v1 =	vmul.f32 $1.442695020e+00, v3;
	v3 =	vmul.f32 v55, v36;
	[tilespmem:s22+$0x60] =	vst v5  }
0x3bf: {  	v5 =	vld [tilespmem:$0x1FD80];
	[tilespmem:s22+$0xFFFFFF70] =	vst v2  }
0x3c0: {  	(xrf2) =	vadd.scan.msk.f32 $0xffff, v0;
	v0, _, _ =	vpop (xrf2);
	v1 =	vbroadcast v1, $0xF;
	[tilespmem:s22+$0xFFFFFF90] =	vst v3  }
0x3c1: {  	v0 =	vmul.f32 $1.442695020e+00, v0;
	v2 =	vld [tilespmem:$0x1FD70];
	_ =	sdelay $0x1  }
0x3c2: {  	v0 =	vbroadcast v0, $0xF  }
0x3c3: {  	(erf) = vpow2.f32 v1;
	v1 =	vpop (erf);
	v5 =	vmul.f32 v55, v5  }
0x3c4: {  	(erf) = vpow2.f32 v0;
	v0 =	vmul.f32 v1, v35  }
0x3c5: {  	v2 =	vmul.f32 v14, v2;
	[tilespmem:s22+$0xFFFFFF60] =	vst v5  }
0x3c6: {  	[tilespmem:s22+$0x40] =	vst v0  }
0x3c7: {  	[tilespmem:s22+$0xFFFFFFB0] =	vst v2  }
0x3c8: {  	v2 =	vmul.f32 v1, v26;
	v0 =	vld [tilespmem:$0x1FD90];
	_ =	sdelay $0x1  }
0x3c9: {  	[tilespmem:s22+$0x30] =	vst v2  }
0x3ca: {  	v2 =	vld [tilespmem:$0x1FD50]  }
0x3cb: {  	v3 =	vld [tilespmem:$0x1FD60]  }
0x3cc: {  	v0 =	vmul.f32 v1, v0;
	_ =	sdelay $0x2  }
0x3cd: {  	v2 =	vmul.f32 v1, v2  }
0x3ce: {  	v1 =	vmul.f32 v1, v3;
	[tilespmem:s22+$0x20] =	vst v0;
	v0 =	vpop (erf)  }
0x3cf: {  	[tilespmem:s22+$0x10] =	vst v2;
	v2 =	vmul.f32 v0, v45  }
0x3d0: {  	s21 =	sadd.s32 $0x140, s21;
	[tilespmem:s22+$0x0] =	vst v1;
	v1 =	vmul.f32 v0, v18  }
0x3d1: {  	[tilespmem:s21+$0xFFFFFFC0] =	vst v2;
	v2 =	vmul.f32 v0, v32  }
0x3d2: {  	v62 =	vpop (erf);
	[tilespmem:s21+$0xFFFFFFD0] =	vst v1;
	v1 =	vmul.f32 v0, v25  }
0x3d3: {  	v63 =	vpop (erf);
	[tilespmem:s21+$0xFFFFFFF0] =	vst v2;
	v2 =	vmul.f32 v62, v34  }
0x3d4: {  	[tilespmem:s21+$0xFFFFFFE0] =	vst v1;
	v1 =	vmul.f32 v63, v33  }
0x3d5: {  	[tilespmem:s21+$0x60] =	vst v2  }
0x3d6: {  	v3, _, _ =	vpop (xrf2);
	[tilespmem:s21+$0xFFFFFFA0] =	vst v1  }
0x3d7: {  	v3 =	vmul.f32 $1.442695020e+00, v3;
	v1 =	vld [tilespmem:$0x1FCE0];
	_ =	sdelay $0x1  }
0x3d8: {  	v3 =	vbroadcast v3, $0xF;
	_ =	sdelay $0x1  }
0x3d9: {  	(erf) = vpow2.f32 v3  }
0x3da: {  	v1 =	vmul.f32 v62, v1  }
0x3db: {  	v3 =	vmul.f32 v62, v23  }
0x3dc: {  	[tilespmem:s21+$0x80] =	vst v1;
	v1 =	vmul.f32 v63, v4  }
0x3dd: {  	v2 =	vmul.f32 v62, v41;
	[tilespmem:s21+$0x90] =	vst v3  }
0x3de: {  	v0 =	vmul.f32 v0, v42;
	[tilespmem:s21+$0xFFFFFF80] =	vst v1;
	v1 =	vmul.f32 v63, v50  }
0x3df: {  	[tilespmem:s21+$0x70] =	vst v2;
	v2 =	vmul.f32 v62, v46  }
0x3e0: {  	[tilespmem:s21+$0xFFFFFFB0] =	vst v0  }
0x3e1: {  	[tilespmem:s21+$0x50] =	vst v2;
	v2 =	vmul.f32 v63, v27  }
0x3e2: {  	v3 =	vmul.f32 v63, v43;
	[tilespmem:s21+$0xFFFFFF70] =	vst v1;
	v1 =	vpop (erf)  }
0x3e3: {  	[tilespmem:s21+$0xFFFFFF90] =	vst v2;
	v2 =	vmul.f32 v1, v48  }
0x3e4: {  	[tilespmem:s21+$0xFFFFFF60] =	vst v3;
	v0 =	vmul.f32 v1, v21  }
0x3e5: {  	[tilespmem:s21+$0x40] =	vst v2;
	v2 =	vmul.f32 v1, v24  }
0x3e6: {  	[tilespmem:s21+$0x30] =	vst v0;
	v0 =	vmul.f32 v1, v38  }
0x3e7: {  	v1 =	vmul.f32 v1, v39;
	[tilespmem:s21+$0x20] =	vst v2  }
0x3e8: {  	[tilespmem:s21+$0x10] =	vst v0  }
0x3e9: {  	[tilespmem:s21+$0x0] =	vst v1  }
0x3ea: {  	[spmem:s3] =	stream.indirect.scatter.add.f32 [tilespmem:s5], [sflag:$0x4], $0x50, s14, s7, $0xb8;
	[tilespmem:$0x1AD10] =	vst v63  }
0x3eb: {  	_ =	swait.ge [sflag:s18], $0x1900  }
0x3ec: {  	[sflag:s18] =	ssyncset.done $0x0  }
0x3ed: {  	[sflag:s18] =	ssyncadd.s32 $0xFFFFE700  }
0x3ee: {  	_ =	swait.ge [sflag:s19], $0x1900  }
0x3ef: {  	[sflag:s19] =	ssyncset.done $0x0  }
0x3f0: {  	[sflag:s19] =	ssyncadd.s32 $0xFFFFE700  }
0x3f1: {  	s26 =	stileid.u32;
	[bflag:$0x0] =	sbarrier.arrive $0xFFFF  }
0x3f2: {  	s21 =	sshll.u32 s26, $0x6;
	s28 =	rddreg [dreg:$0x4]  }
0x3f3: {  	s21 =	sor.u32 $0x1C06, s21;
	s29 =	rddreg [dreg:$0x17]  }
0x3f4: {  	[hbm:s28], [sflag:s21] =	dma.local [spmem:s29], $0x320  }
0x3f5: {  	_ =	swait.ge [sflag:s4], $0x320  }
0x3f6: {  	[sflag:s4] =	ssyncset.done $0x0;
	s23 =	rddreg [dreg:$0x5]  }
0x3f7: {  	s24 =	rddreg [dreg:$0x18];
	[sflag:s4] =	ssyncadd.s32 $0xFFFFFCE0  }
0x3f8: {  	[hbm:s23], [sflag:s21] =	dma.local [spmem:s24], $0x320  }
0x3f9: {  	_ =	swait.ge [sflag:s4], $0x320  }
0x3fa: {  	[sflag:s4] =	ssyncset.done $0x0;
	s25 =	rddreg [dreg:$0x6]  }
0x3fb: {  	s26 =	rddreg [dreg:$0x19];
	[sflag:s4] =	ssyncadd.s32 $0xFFFFFCE0  }
0x3fc: {  	[hbm:s25], [sflag:s21] =	dma.local [spmem:s26], $0x320  }
0x3fd: {  	_ =	swait.ge [sflag:s4], $0x320  }
0x3fe: {  	[sflag:s4] =	ssyncset.done $0x0;
	s28 =	rddreg [dreg:$0x7]  }
0x3ff: {  	s29 =	rddreg [dreg:$0x1a];
	[sflag:s4] =	ssyncadd.s32 $0xFFFFFCE0  }
0x400: {  	[hbm:s28], [sflag:s21] =	dma.local [spmem:s29], $0x320  }
0x401: {  	_ =	swait.ge [sflag:s4], $0x320  }
0x402: {  	[sflag:s4] =	ssyncset.done $0x0  }
0x403: {  	s24 =	rddreg [dreg:$0x8];
	[sflag:s4] =	ssyncadd.s32 $0xFFFFFCE0  }
0x404: {  	[hbm:s24], [sflag:s21] =	dma.local [spmem:s30], $0x320  }
0x405: {  	_ =	swait.ge [sflag:s4], $0x320  }
0x406: {  	[sflag:s4] =	ssyncset.done $0x0  }
0x407: {  	s25 =	rddreg [dreg:$0x9];
	[sflag:s4] =	ssyncadd.s32 $0xFFFFFCE0  }
0x408: {  	[hbm:s25], [sflag:s21] =	dma.local [spmem:s31], $0x320  }
0x409: {  	_ =	swait.ge [sflag:s4], $0x320  }
0x40a: {  	[sflag:s4] =	ssyncset.done $0x0  }
0x40b: {  	s26 =	rddreg [dreg:$0xa];
	[sflag:s4] =	ssyncadd.s32 $0xFFFFFCE0  }
0x40c: {  	[hbm:s26], [sflag:s21] =	dma.local [spmem:s1], $0x320  }
0x40d: {  	_ =	swait.ge [sflag:s4], $0x320  }
0x40e: {  	[sflag:s4] =	ssyncset.done $0x0  }
0x40f: {  	s28 =	rddreg [dreg:$0xb];
	[sflag:s4] =	ssyncadd.s32 $0xFFFFFCE0  }
0x410: {  	[hbm:s28], [sflag:s21] =	dma.local [spmem:s2], $0x320  }
0x411: {  	_ =	swait.ge [sflag:s4], $0x320  }
0x412: {  	s20 =	sadd.s32 $0x1, s20;
	s29 =	rddreg [dreg:$0xe]  }
0x413: {  	p0 =	sne.s32 s20, s29  }
.Ltmp7:
0x414: {  	_ = 	snop;
	(pc) =	sbr.rel @p0 .LBB2_1-.Ltmp7, $3  }
0x415: {  	_ =	sdelay $0x1  }
0x416: {  	[sflag:s4] =	ssyncset.done $0x0  }
0x417: {  	v0 =	vimm.f32 $0.0e+00;
	s24 =	simm.s32 $0x2710;
	[sflag:s4] =	ssyncadd.s32 $0xFFFFFCE0  }
0x418: {  	_ =	sfence.sel $0x180000  }
0x419: {  	[bflag:$0x0] =	sbarrier.arrive $0xFFFF  }
0x41a: {  	_ =	strace $0x90000047  }
0x41b: {  	s0 =	stileid.u32;
	[bflag:$0x2] =	sbarrier.arrive $0xFFFF  }
0x41c: {  	p0 =	sne.s32 s0, $0x0;
	s0 =	rddreg [dreg:$0x3]  }
0x41d: {  	s0 =	sadd.s32 @!p0 $0x100000, s0  }
0x41e: {  	[sflag:s0] =	ssyncadd.tile.s32 @!p0 $0x1;
	_ =	shalt  }
.Lfunc_end2:
_tile_overlayer_lowered:
.L_overlay_start_2:
0x41f: {  	(tag) =	ssettag $0x2  }
0x420: {  	s0 =	rddreg [dreg:$0x0];
	s2 =	stileid.u32  }
0x421: {  	s1 =	rddreg [dreg:$0x1];
	p0 =	sne.s32 s2, $0x0  }
0x422: {  	s3 =	rddreg [dreg:$0x2];
	[bflag:$0x3] =	sbarrier.arrive $0xFFFF;
	s2 =	simm.s32 @!p0 $0x1C06  }
0x423: {  	[timem:s3], [sflag:s2] =	dma.local @!p0 [hbm:s0], s1  }
0x424: {  	s0 =	simm.s32 @!p0 $0x6  }
0x425: {  	_ =	swait.ge @!p0 [sflag:s0], s1  }
0x426: {  	s1 =	ssub.s32 @!p0 $0x0, s1;
	[sflag:s0] =	ssyncset.done @!p0 $0x0  }
0x427: {  	[sflag:s0] =	ssyncadd.s32 @!p0 s1  }
0x428: {  	[bflag:$0x3] =	sbarrier.arrive $0xFFFF  }
0x429: {  	_ =	shalt  }

</sc_bundles>
